<compile_context>
chip_gen: v7x
topology: tpu7x:2x2x1
jax: 0.10.2.dev20260603
libtpu: 0.0.44.dev20260713+nightly
codegen_flags: <defaults>
</compile_context>

<pallas_src>
import functools

import jax
import jax.numpy as jnp
from jax import lax
from jax.experimental import pallas as pl
from jax.experimental.pallas import tpu as pltpu
from jax.experimental.pallas import tpu_sc as plsc

BATCH = 128
VOCAB = 100000
NC = 2
NS = 16
L = 16
NW = NC * NS
NB = BATCH // L

VSPLIT = 53248
BKV = 512
TC_STEPS = VSPLIT // BKV

SC_RANGE = VOCAB - VSPLIT
VW = 184
NCHK = 8
STRIP = NCHK * VW
STRIDE = ((SC_RANGE - STRIP + NW - 2) // (NW - 1) + 7) // 8 * 8
NEG_INF = float("-inf")

_mesh = plsc.VectorSubcoreMesh(core_axis_name="c", subcore_axis_name="s")


@functools.partial(
    pl.kernel,
    out_type=(
        jax.ShapeDtypeStruct((NC * BATCH,), jnp.int32),
        jax.ShapeDtypeStruct((NC * BATCH,), jnp.float32),
    ),
    mesh=_mesh,
    scratch_types=[
        pltpu.VMEM((VW, BATCH), jnp.float32),
        pltpu.VMEM((VW, BATCH), jnp.float32),
        pltpu.VMEM((BATCH,), jnp.float32),
        pltpu.VMEM((BATCH,), jnp.int32),
        pltpu.VMEM((NS * L,), jnp.float32),
        pltpu.VMEM((NS * L,), jnp.int32),
        pltpu.VMEM((L,), jnp.float32),
        pltpu.VMEM((L,), jnp.int32),
        pltpu.VMEM_SHARED((NS * BATCH,), jnp.float32),
        pltpu.VMEM_SHARED((NS * BATCH,), jnp.int32),
        pltpu.SemaphoreType.DMA,
        pltpu.SemaphoreType.DMA,
    ],
)
def _argmax_sc(xt_hbm, idx_hbm, val_hbm, buf0, buf1, stv, sti, gv, gi,
               rv, ri, sval, sidx, sem0, sem1):
    cid = lax.axis_index("c")
    sid = lax.axis_index("s")
    wid = sid * NC + cid
    start = pl.multiple_of(
        VSPLIT + lax.min(wid * STRIDE, SC_RANGE - STRIP), 8)

    bufs = (buf0, buf1)
    sems = (sem0, sem1)

    def issue(t):
        return pltpu.async_copy(
            xt_hbm.at[pl.ds(start + t * VW, VW)], bufs[t % 2], sems[t % 2])

    bvs = [jnp.full((L,), NEG_INF, jnp.float32) for _ in range(NB)]
    bps = [jnp.zeros((L,), jnp.int32) for _ in range(NB)]

    handles = [None] * NCHK
    handles[0] = issue(0)
    for t in range(NCHK):
        if t + 1 < NCHK:
            handles[t + 1] = issue(t + 1)
        handles[t].wait()
        buf = bufs[t % 2]
        base = start + t * VW

        def body(i, carry, buf=buf, base=base):
            bvs, bps = carry
            pos = jnp.full((L,), base + i, jnp.int32)
            nbvs, nbps = [], []
            for u in range(NB):
                v = buf[i, pl.ds(u * L, L)]
                m = v > bvs[u]
                nbvs.append(jnp.where(m, v, bvs[u]))
                nbps.append(jnp.where(m, pos, bps[u]))
            return nbvs, nbps

        bvs, bps = plsc.parallel_loop(
            0, VW, unroll=2, carry=(bvs, bps))(body)

    for u in range(NB):
        stv[pl.ds(u * L, L)] = bvs[u]
        sti[pl.ds(u * L, L)] = bps[u]
    pltpu.sync_copy(stv, sval.at[pl.ds(sid * BATCH, BATCH)])
    pltpu.sync_copy(sti, sidx.at[pl.ds(sid * BATCH, BATCH)])
    plsc.subcore_barrier()

    @pl.when(sid < NB)
    def _():
        for j in range(NS):
            pltpu.sync_copy(
                sval.at[pl.ds(j * BATCH + sid * L, L)],
                gv.at[pl.ds(j * L, L)])
            pltpu.sync_copy(
                sidx.at[pl.ds(j * BATCH + sid * L, L)],
                gi.at[pl.ds(j * L, L)])
        av = gv[pl.ds(0, L)]
        ai = gi[pl.ds(0, L)]
        for j in range(1, NS):
            ov = gv[pl.ds(j * L, L)]
            oi = gi[pl.ds(j * L, L)]
            take = (ov > av) | ((ov == av) & (oi < ai))
            av = jnp.where(take, ov, av)
            ai = jnp.where(take, oi, ai)
        rv[...] = av
        ri[...] = ai
        pltpu.sync_copy(ri, idx_hbm.at[pl.ds(cid * BATCH + sid * L, L)])
        pltpu.sync_copy(rv, val_hbm.at[pl.ds(cid * BATCH + sid * L, L)])


def _tc_body(x_ref, val_ref, idx_ref):
    i = pl.program_id(0)
    v = x_ref[...]
    m = jnp.max(v, axis=0)
    rows = lax.broadcasted_iota(jnp.int32, (BKV, BATCH), 0)
    am = jnp.min(jnp.where(v == m[None, :], rows, BKV), axis=0) + i * BKV
    m = m[None, :]
    am = am[None, :]

    @pl.when(i == 0)
    def _():
        val_ref[...] = m
        idx_ref[...] = am

    @pl.when(i > 0)
    def _():
        rv = val_ref[...]
        take = m > rv
        val_ref[...] = jnp.where(take, m, rv)
        idx_ref[...] = jnp.where(take, am, idx_ref[...])


_argmax_tc = pl.pallas_call(
    _tc_body,
    grid=(TC_STEPS,),
    in_specs=[pl.BlockSpec((BKV, BATCH), lambda i: (i, 0))],
    out_specs=(
        pl.BlockSpec((1, BATCH), lambda i: (0, 0)),
        pl.BlockSpec((1, BATCH), lambda i: (0, 0)),
    ),
    out_shape=(
        jax.ShapeDtypeStruct((1, BATCH), jnp.float32),
        jax.ShapeDtypeStruct((1, BATCH), jnp.int32),
    ),
)


def _merge(va, ia, vb, ib):
    take = (vb > va) | ((vb == va) & (ib < ia))
    return jnp.where(take, vb, va), jnp.where(take, ib, ia)


def kernel(logits):
    xt = logits.T
    sc_idx, sc_val = _argmax_sc(xt)
    tc_val, tc_idx = _argmax_tc(xt)
    vi = sc_val.reshape(NC, BATCH)
    ii = sc_idx.reshape(NC, BATCH)
    v, i = _merge(vi[0], ii[0], vi[1], ii[1])
    v, i = _merge(tc_val[0], tc_idx[0], v, i)
    return i

# --- scband reference (transcript-rebuilt; emitter-appended) ---
"""Pipeline reference for scband-sampler-91328184582654 (READ-ONLY COPY).

The authoritative reference and input builder live on the scoring server;
editing this copy changes nothing except your own understanding.
"""

import jax, jax.numpy as jnp
import numpy as np

BATCH = 128
VOCAB = 100000

def setup_inputs(seed: int = 0) -> dict:
    key = jax.random.key(seed)
    logits = jax.random.normal(key, (BATCH, VOCAB), dtype=jnp.float32)
    return {"logits": logits}

def reference(logits):
    # Faithful translation of Sampler.forward: greedy argmax over vocab.
    # Original returns a Python list; here we return the index array.
    assert logits.ndim == 2
    assert logits.shape[1] == VOCAB
    rets = jnp.argmax(logits, axis=-1)
    return rets

if __name__ == "__main__":
    import jax
    _d = setup_inputs()
    print(jax.jit(kernel)(*tuple(_d.values())))

</pallas_src>

<mosaic_0001>
#map = affine_map<(d0, d1) -> (0, 0)>
#map1 = affine_map<(d0, d1) -> (0)>
module attributes {stable_mosaic.version = 14 : i64} {
  func.func @_argmax_sc(%arg0: i32, %arg1: i32, %arg2: memref<100000x128xf32, #tpu.memory_space<hbm>>, %arg3: memref<256xi32, #tpu.memory_space<hbm>>, %arg4: memref<256xf32, #tpu.memory_space<hbm>>, %arg5: memref<184x128xf32, #tpu.memory_space<vmem>>, %arg6: memref<184x128xf32, #tpu.memory_space<vmem>>, %arg7: memref<128xf32, #tpu.memory_space<vmem>>, %arg8: memref<128xi32, #tpu.memory_space<vmem>>, %arg9: memref<256xf32, #tpu.memory_space<vmem>>, %arg10: memref<256xi32, #tpu.memory_space<vmem>>, %arg11: memref<16xf32, #tpu.memory_space<vmem>>, %arg12: memref<16xi32, #tpu.memory_space<vmem>>, %arg13: memref<2048xf32, #tpu.memory_space<vmem_shared>>, %arg14: memref<2048xi32, #tpu.memory_space<vmem_shared>>, %arg15: memref<!tpu.dma_semaphore, #tpu.memory_space<semaphore_mem>>, %arg16: memref<!tpu.dma_semaphore, #tpu.memory_space<semaphore_mem>>) attributes {dimension_semantics = [#tpu.dimension_semantics<core_parallel>, #tpu.dimension_semantics<subcore_parallel>], iteration_bounds = array<i64: 2, 16>, scalar_prefetch = 0 : i64, scratch_operands = 12 : i64, tpu.core_type = #tpu.core_type<sc_vector_subcore>, window_params = [{transform_indices = #map}, {transform_indices = #map1}, {transform_indices = #map1}]} {
    %mul3A = arith.constant 2 : i32
    %mul3A_0 = arith.muli %arg1, %mul3A : i32
    %add3A = arith.addi %mul3A_0, %arg0 : i32
    %mul3A_1 = arith.constant 1464 : i32
    %mul3A_2 = arith.muli %add3A, %mul3A_1 : i32
    %min3A = arith.constant 45280 : i32
    %min3A_3 = arith.minsi %mul3A_2, %min3A : i32
    %add3A_4 = arith.constant 53248 : i32
    %add3A_5 = arith.addi %add3A_4, %min3A_3 : i32
    %multiple_of3A = tpu.assume_multiple %add3A_5, 8 : i32
    %broadcast_in_dim3A = arith.constant 0xFF800000 : f32
    %broadcast_in_dim3A_6 = vector.broadcast %broadcast_in_dim3A : f32 to vector<16xf32>
    %broadcast_in_dim3A_7 = arith.constant 0xFF800000 : f32
    %broadcast_in_dim3A_8 = vector.broadcast %broadcast_in_dim3A_7 : f32 to vector<16xf32>
    %broadcast_in_dim3A_9 = arith.constant 0xFF800000 : f32
    %broadcast_in_dim3A_10 = vector.broadcast %broadcast_in_dim3A_9 : f32 to vector<16xf32>
    %broadcast_in_dim3A_11 = arith.constant 0xFF800000 : f32
    %broadcast_in_dim3A_12 = vector.broadcast %broadcast_in_dim3A_11 : f32 to vector<16xf32>
    %broadcast_in_dim3A_13 = arith.constant 0xFF800000 : f32
    %broadcast_in_dim3A_14 = vector.broadcast %broadcast_in_dim3A_13 : f32 to vector<16xf32>
    %broadcast_in_dim3A_15 = arith.constant 0xFF800000 : f32
    %broadcast_in_dim3A_16 = vector.broadcast %broadcast_in_dim3A_15 : f32 to vector<16xf32>
    %broadcast_in_dim3A_17 = arith.constant 0xFF800000 : f32
    %broadcast_in_dim3A_18 = vector.broadcast %broadcast_in_dim3A_17 : f32 to vector<16xf32>
    %broadcast_in_dim3A_19 = arith.constant 0xFF800000 : f32
    %broadcast_in_dim3A_20 = vector.broadcast %broadcast_in_dim3A_19 : f32 to vector<16xf32>
    %broadcast_in_dim3A_21 = arith.constant 0 : i32
    %broadcast_in_dim3A_22 = vector.broadcast %broadcast_in_dim3A_21 : i32 to vector<16xi32>
    %broadcast_in_dim3A_23 = arith.constant 0 : i32
    %broadcast_in_dim3A_24 = vector.broadcast %broadcast_in_dim3A_23 : i32 to vector<16xi32>
    %broadcast_in_dim3A_25 = arith.constant 0 : i32
    %broadcast_in_dim3A_26 = vector.broadcast %broadcast_in_dim3A_25 : i32 to vector<16xi32>
    %broadcast_in_dim3A_27 = arith.constant 0 : i32
    %broadcast_in_dim3A_28 = vector.broadcast %broadcast_in_dim3A_27 : i32 to vector<16xi32>
    %broadcast_in_dim3A_29 = arith.constant 0 : i32
    %broadcast_in_dim3A_30 = vector.broadcast %broadcast_in_dim3A_29 : i32 to vector<16xi32>
    %broadcast_in_dim3A_31 = arith.constant 0 : i32
    %broadcast_in_dim3A_32 = vector.broadcast %broadcast_in_dim3A_31 : i32 to vector<16xi32>
    %broadcast_in_dim3A_33 = arith.constant 0 : i32
    %broadcast_in_dim3A_34 = vector.broadcast %broadcast_in_dim3A_33 : i32 to vector<16xi32>
    %broadcast_in_dim3A_35 = arith.constant 0 : i32
    %broadcast_in_dim3A_36 = vector.broadcast %broadcast_in_dim3A_35 : i32 to vector<16xi32>
    %add3A_37 = arith.constant 0 : i32
    %add3A_38 = arith.addi %multiple_of3A, %add3A_37 : i32
    %dma_start3A = arith.constant 0 : i32
    %dma_start3A_39 = tpu.memref_slice %arg2[%add3A_38, %dma_start3A] : memref<100000x128xf32, #tpu.memory_space<hbm>> -> memref<184x128xf32, #tpu.memory_space<hbm>>
    %dma_start3A_40 = arith.constant 0 : i32
    %dma_start3A_41 = tpu.memref_slice %arg2[%add3A_38, %dma_start3A_40] : memref<100000x128xf32, #tpu.memory_space<hbm>> -> memref<184x128xf32, #tpu.memory_space<hbm>>
    tpu.enqueue_dma source(%dma_start3A_41 : memref<184x128xf32, #tpu.memory_space<hbm>>) target(%arg5 : memref<184x128xf32, #tpu.memory_space<vmem>>) target_semaphore(%arg15 : memref<!tpu.dma_semaphore, #tpu.memory_space<semaphore_mem>>)
    %add3A_42 = arith.constant 184 : i32
    %add3A_43 = arith.addi %multiple_of3A, %add3A_42 : i32
    %dma_start3A_44 = arith.constant 0 : i32
    %dma_start3A_45 = tpu.memref_slice %arg2[%add3A_43, %dma_start3A_44] : memref<100000x128xf32, #tpu.memory_space<hbm>> -> memref<184x128xf32, #tpu.memory_space<hbm>>
    %dma_start3A_46 = arith.constant 0 : i32
    %dma_start3A_47 = tpu.memref_slice %arg2[%add3A_43, %dma_start3A_46] : memref<100000x128xf32, #tpu.memory_space<hbm>> -> memref<184x128xf32, #tpu.memory_space<hbm>>
    tpu.enqueue_dma source(%dma_start3A_47 : memref<184x128xf32, #tpu.memory_space<hbm>>) target(%arg6 : memref<184x128xf32, #tpu.memory_space<vmem>>) target_semaphore(%arg16 : memref<!tpu.dma_semaphore, #tpu.memory_space<semaphore_mem>>)
    %dma_wait3A = arith.constant 0 : i32
    %dma_wait3A_48 = tpu.memref_slice %arg2[%add3A_38, %dma_wait3A] : memref<100000x128xf32, #tpu.memory_space<hbm>> -> memref<184x128xf32, #tpu.memory_space<hbm>>
    %dma_wait3A_49 = arith.constant 0 : i32
    %dma_wait3A_50 = tpu.memref_slice %arg2[%add3A_38, %dma_wait3A_49] : memref<100000x128xf32, #tpu.memory_space<hbm>> -> memref<184x128xf32, #tpu.memory_space<hbm>>
    tpu.wait_dma2 semaphore(%arg15 : memref<!tpu.dma_semaphore, #tpu.memory_space<semaphore_mem>>) src(%dma_wait3A_50 : memref<184x128xf32, #tpu.memory_space<hbm>>) dst(%arg5 : memref<184x128xf32, #tpu.memory_space<vmem>>)
    %add3A_51 = arith.constant 0 : i32
    %add3A_52 = arith.addi %multiple_of3A, %add3A_51 : i32
    %parallel_loop3A = arith.constant 0 : i32
    %parallel_loop3A_53 = arith.constant 184 : i32
    %parallel_loop3A_54 = arith.constant 1 : i32
    %parallel_loop3A_55:16 = scf.for %parallel_loop3A_231 = %parallel_loop3A to %parallel_loop3A_53 step %parallel_loop3A_54 iter_args(%parallel_loop3A_232 = %broadcast_in_dim3A_6, %parallel_loop3A_233 = %broadcast_in_dim3A_8, %parallel_loop3A_234 = %broadcast_in_dim3A_10, %parallel_loop3A_235 = %broadcast_in_dim3A_12, %parallel_loop3A_236 = %broadcast_in_dim3A_14, %parallel_loop3A_237 = %broadcast_in_dim3A_16, %parallel_loop3A_238 = %broadcast_in_dim3A_18, %parallel_loop3A_239 = %broadcast_in_dim3A_20, %parallel_loop3A_240 = %broadcast_in_dim3A_22, %parallel_loop3A_241 = %broadcast_in_dim3A_24, %parallel_loop3A_242 = %broadcast_in_dim3A_26, %parallel_loop3A_243 = %broadcast_in_dim3A_28, %parallel_loop3A_244 = %broadcast_in_dim3A_30, %parallel_loop3A_245 = %broadcast_in_dim3A_32, %parallel_loop3A_246 = %broadcast_in_dim3A_34, %parallel_loop3A_247 = %broadcast_in_dim3A_36) -> (vector<16xf32>, vector<16xf32>, vector<16xf32>, vector<16xf32>, vector<16xf32>, vector<16xf32>, vector<16xf32>, vector<16xf32>, vector<16xi32>, vector<16xi32>, vector<16xi32>, vector<16xi32>, vector<16xi32>, vector<16xi32>, vector<16xi32>, vector<16xi32>)  : i32 {
      %parallel_loop3A_248 = arith.addi %add3A_52, %parallel_loop3A_231 : i32
      %parallel_loop3A_249 = vector.broadcast %parallel_loop3A_248 : i32 to vector<16xi32>
      %parallel_loop3A_250 = arith.index_cast %parallel_loop3A_231 : i32 to index
      %parallel_loop3A_251 = arith.constant 0 : index
      %parallel_loop3A_252 = tpu.vector_load %arg5[%parallel_loop3A_250, %parallel_loop3A_251] {strides = array<i32>} : memref<184x128xf32, #tpu.memory_space<vmem>>, vector<1x16xf32>,
      %parallel_loop3A_253 = vector.shape_cast %parallel_loop3A_252 : vector<1x16xf32> to vector<16xf32>
      %parallel_loop3A_254 = arith.cmpf ogt, %parallel_loop3A_253, %parallel_loop3A_232 : vector<16xf32>
      %parallel_loop3A_255 = arith.select %parallel_loop3A_254, %parallel_loop3A_253, %parallel_loop3A_232 : vector<16xi1>, vector<16xf32>
      %parallel_loop3A_256 = arith.select %parallel_loop3A_254, %parallel_loop3A_249, %parallel_loop3A_240 : vector<16xi1>, vector<16xi32>
      %parallel_loop3A_257 = arith.index_cast %parallel_loop3A_231 : i32 to index
      %parallel_loop3A_258 = arith.constant 16 : index
      %parallel_loop3A_259 = tpu.vector_load %arg5[%parallel_loop3A_257, %parallel_loop3A_258] {strides = array<i32>} : memref<184x128xf32, #tpu.memory_space<vmem>>, vector<1x16xf32>,
      %parallel_loop3A_260 = vector.shape_cast %parallel_loop3A_259 : vector<1x16xf32> to vector<16xf32>
      %parallel_loop3A_261 = arith.cmpf ogt, %parallel_loop3A_260, %parallel_loop3A_233 : vector<16xf32>
      %parallel_loop3A_262 = arith.select %parallel_loop3A_261, %parallel_loop3A_260, %parallel_loop3A_233 : vector<16xi1>, vector<16xf32>
      %parallel_loop3A_263 = arith.select %parallel_loop3A_261, %parallel_loop3A_249, %parallel_loop3A_241 : vector<16xi1>, vector<16xi32>
      %parallel_loop3A_264 = arith.index_cast %parallel_loop3A_231 : i32 to index
      %parallel_loop3A_265 = arith.constant 32 : index
      %parallel_loop3A_266 = tpu.vector_load %arg5[%parallel_loop3A_264, %parallel_loop3A_265] {strides = array<i32>} : memref<184x128xf32, #tpu.memory_space<vmem>>, vector<1x16xf32>,
      %parallel_loop3A_267 = vector.shape_cast %parallel_loop3A_266 : vector<1x16xf32> to vector<16xf32>
      %parallel_loop3A_268 = arith.cmpf ogt, %parallel_loop3A_267, %parallel_loop3A_234 : vector<16xf32>
      %parallel_loop3A_269 = arith.select %parallel_loop3A_268, %parallel_loop3A_267, %parallel_loop3A_234 : vector<16xi1>, vector<16xf32>
      %parallel_loop3A_270 = arith.select %parallel_loop3A_268, %parallel_loop3A_249, %parallel_loop3A_242 : vector<16xi1>, vector<16xi32>
      %parallel_loop3A_271 = arith.index_cast %parallel_loop3A_231 : i32 to index
      %parallel_loop3A_272 = arith.constant 48 : index
      %parallel_loop3A_273 = tpu.vector_load %arg5[%parallel_loop3A_271, %parallel_loop3A_272] {strides = array<i32>} : memref<184x128xf32, #tpu.memory_space<vmem>>, vector<1x16xf32>,
      %parallel_loop3A_274 = vector.shape_cast %parallel_loop3A_273 : vector<1x16xf32> to vector<16xf32>
      %parallel_loop3A_275 = arith.cmpf ogt, %parallel_loop3A_274, %parallel_loop3A_235 : vector<16xf32>
      %parallel_loop3A_276 = arith.select %parallel_loop3A_275, %parallel_loop3A_274, %parallel_loop3A_235 : vector<16xi1>, vector<16xf32>
      %parallel_loop3A_277 = arith.select %parallel_loop3A_275, %parallel_loop3A_249, %parallel_loop3A_243 : vector<16xi1>, vector<16xi32>
      %parallel_loop3A_278 = arith.index_cast %parallel_loop3A_231 : i32 to index
      %parallel_loop3A_279 = arith.constant 64 : index
      %parallel_loop3A_280 = tpu.vector_load %arg5[%parallel_loop3A_278, %parallel_loop3A_279] {strides = array<i32>} : memref<184x128xf32, #tpu.memory_space<vmem>>, vector<1x16xf32>,
      %parallel_loop3A_281 = vector.shape_cast %parallel_loop3A_280 : vector<1x16xf32> to vector<16xf32>
      %parallel_loop3A_282 = arith.cmpf ogt, %parallel_loop3A_281, %parallel_loop3A_236 : vector<16xf32>
      %parallel_loop3A_283 = arith.select %parallel_loop3A_282, %parallel_loop3A_281, %parallel_loop3A_236 : vector<16xi1>, vector<16xf32>
      %parallel_loop3A_284 = arith.select %parallel_loop3A_282, %parallel_loop3A_249, %parallel_loop3A_244 : vector<16xi1>, vector<16xi32>
      %parallel_loop3A_285 = arith.index_cast %parallel_loop3A_231 : i32 to index
      %parallel_loop3A_286 = arith.constant 80 : index
      %parallel_loop3A_287 = tpu.vector_load %arg5[%parallel_loop3A_285, %parallel_loop3A_286] {strides = array<i32>} : memref<184x128xf32, #tpu.memory_space<vmem>>, vector<1x16xf32>,
      %parallel_loop3A_288 = vector.shape_cast %parallel_loop3A_287 : vector<1x16xf32> to vector<16xf32>
      %parallel_loop3A_289 = arith.cmpf ogt, %parallel_loop3A_288, %parallel_loop3A_237 : vector<16xf32>
      %parallel_loop3A_290 = arith.select %parallel_loop3A_289, %parallel_loop3A_288, %parallel_loop3A_237 : vector<16xi1>, vector<16xf32>
      %parallel_loop3A_291 = arith.select %parallel_loop3A_289, %parallel_loop3A_249, %parallel_loop3A_245 : vector<16xi1>, vector<16xi32>
      %parallel_loop3A_292 = arith.index_cast %parallel_loop3A_231 : i32 to index
      %parallel_loop3A_293 = arith.constant 96 : index
      %parallel_loop3A_294 = tpu.vector_load %arg5[%parallel_loop3A_292, %parallel_loop3A_293] {strides = array<i32>} : memref<184x128xf32, #tpu.memory_space<vmem>>, vector<1x16xf32>,
      %parallel_loop3A_295 = vector.shape_cast %parallel_loop3A_294 : vector<1x16xf32> to vector<16xf32>
      %parallel_loop3A_296 = arith.cmpf ogt, %parallel_loop3A_295, %parallel_loop3A_238 : vector<16xf32>
      %parallel_loop3A_297 = arith.select %parallel_loop3A_296, %parallel_loop3A_295, %parallel_loop3A_238 : vector<16xi1>, vector<16xf32>
      %parallel_loop3A_298 = arith.select %parallel_loop3A_296, %parallel_loop3A_249, %parallel_loop3A_246 : vector<16xi1>, vector<16xi32>
      %parallel_loop3A_299 = arith.index_cast %parallel_loop3A_231 : i32 to index
      %parallel_loop3A_300 = arith.constant 112 : index
      %parallel_loop3A_301 = tpu.vector_load %arg5[%parallel_loop3A_299, %parallel_loop3A_300] {strides = array<i32>} : memref<184x128xf32, #tpu.memory_space<vmem>>, vector<1x16xf32>,
      %parallel_loop3A_302 = vector.shape_cast %parallel_loop3A_301 : vector<1x16xf32> to vector<16xf32>
      %parallel_loop3A_303 = arith.cmpf ogt, %parallel_loop3A_302, %parallel_loop3A_239 : vector<16xf32>
      %parallel_loop3A_304 = arith.select %parallel_loop3A_303, %parallel_loop3A_302, %parallel_loop3A_239 : vector<16xi1>, vector<16xf32>
      %parallel_loop3A_305 = arith.select %parallel_loop3A_303, %parallel_loop3A_249, %parallel_loop3A_247 : vector<16xi1>, vector<16xi32>
      scf.yield %parallel_loop3A_255, %parallel_loop3A_262, %parallel_loop3A_269, %parallel_loop3A_276, %parallel_loop3A_283, %parallel_loop3A_290, %parallel_loop3A_297, %parallel_loop3A_304, %parallel_loop3A_256, %parallel_loop3A_263, %parallel_loop3A_270, %parallel_loop3A_277, %parallel_loop3A_284, %parallel_loop3A_291, %parallel_loop3A_298, %parallel_loop3A_305 : vector<16xf32>, vector<16xf32>, vector<16xf32>, vector<16xf32>, vector<16xf32>, vector<16xf32>, vector<16xf32>, vector<16xf32>, vector<16xi32>, vector<16xi32>, vector<16xi32>, vector<16xi32>, vector<16xi32>, vector<16xi32>, vector<16xi32>, vector<16xi32>
    } {sc.loop_unroll_factor = 2 : i64, sc.parallel_access}
    %add3A_56 = arith.constant 368 : i32
    %add3A_57 = arith.addi %multiple_of3A, %add3A_56 : i32
    %dma_start3A_58 = arith.constant 0 : i32
    %dma_start3A_59 = tpu.memref_slice %arg2[%add3A_57, %dma_start3A_58] : memref<100000x128xf32, #tpu.memory_space<hbm>> -> memref<184x128xf32, #tpu.memory_space<hbm>>
    %dma_start3A_60 = arith.constant 0 : i32
    %dma_start3A_61 = tpu.memref_slice %arg2[%add3A_57, %dma_start3A_60] : memref<100000x128xf32, #tpu.memory_space<hbm>> -> memref<184x128xf32, #tpu.memory_space<hbm>>
    tpu.enqueue_dma source(%dma_start3A_61 : memref<184x128xf32, #tpu.memory_space<hbm>>) target(%arg5 : memref<184x128xf32, #tpu.memory_space<vmem>>) target_semaphore(%arg15 : memref<!tpu.dma_semaphore, #tpu.memory_space<semaphore_mem>>)
    %dma_wait3A_62 = arith.constant 0 : i32
    %dma_wait3A_63 = tpu.memref_slice %arg2[%add3A_43, %dma_wait3A_62] : memref<100000x128xf32, #tpu.memory_space<hbm>> -> memref<184x128xf32, #tpu.memory_space<hbm>>
    %dma_wait3A_64 = arith.constant 0 : i32
    %dma_wait3A_65 = tpu.memref_slice %arg2[%add3A_43, %dma_wait3A_64] : memref<100000x128xf32, #tpu.memory_space<hbm>> -> memref<184x128xf32, #tpu.memory_space<hbm>>
    tpu.wait_dma2 semaphore(%arg16 : memref<!tpu.dma_semaphore, #tpu.memory_space<semaphore_mem>>) src(%dma_wait3A_65 : memref<184x128xf32, #tpu.memory_space<hbm>>) dst(%arg6 : memref<184x128xf32, #tpu.memory_space<vmem>>)
    %add3A_66 = arith.constant 184 : i32
    %add3A_67 = arith.addi %multiple_of3A, %add3A_66 : i32
    %parallel_loop3A_68 = arith.constant 0 : i32
    %parallel_loop3A_69 = arith.constant 184 : i32
    %parallel_loop3A_70 = arith.constant 1 : i32
    %parallel_loop3A_71:16 = scf.for %parallel_loop3A_231 = %parallel_loop3A_68 to %parallel_loop3A_69 step %parallel_loop3A_70 iter_args(%parallel_loop3A_232 = %parallel_loop3A_55#0, %parallel_loop3A_233 = %parallel_loop3A_55#1, %parallel_loop3A_234 = %parallel_loop3A_55#2, %parallel_loop3A_235 = %parallel_loop3A_55#3, %parallel_loop3A_236 = %parallel_loop3A_55#4, %parallel_loop3A_237 = %parallel_loop3A_55#5, %parallel_loop3A_238 = %parallel_loop3A_55#6, %parallel_loop3A_239 = %parallel_loop3A_55#7, %parallel_loop3A_240 = %parallel_loop3A_55#8, %parallel_loop3A_241 = %parallel_loop3A_55#9, %parallel_loop3A_242 = %parallel_loop3A_55#10, %parallel_loop3A_243 = %parallel_loop3A_55#11, %parallel_loop3A_244 = %parallel_loop3A_55#12, %parallel_loop3A_245 = %parallel_loop3A_55#13, %parallel_loop3A_246 = %parallel_loop3A_55#14, %parallel_loop3A_247 = %parallel_loop3A_55#15) -> (vector<16xf32>, vector<16xf32>, vector<16xf32>, vector<16xf32>, vector<16xf32>, vector<16xf32>, vector<16xf32>, vector<16xf32>, vector<16xi32>, vector<16xi32>, vector<16xi32>, vector<16xi32>, vector<16xi32>, vector<16xi32>, vector<16xi32>, vector<16xi32>)  : i32 {
      %parallel_loop3A_248 = arith.addi %add3A_67, %parallel_loop3A_231 : i32
      %parallel_loop3A_249 = vector.broadcast %parallel_loop3A_248 : i32 to vector<16xi32>
      %parallel_loop3A_250 = arith.index_cast %parallel_loop3A_231 : i32 to index
      %parallel_loop3A_251 = arith.constant 0 : index
      %parallel_loop3A_252 = tpu.vector_load %arg6[%parallel_loop3A_250, %parallel_loop3A_251] {strides = array<i32>} : memref<184x128xf32, #tpu.memory_space<vmem>>, vector<1x16xf32>,
      %parallel_loop3A_253 = vector.shape_cast %parallel_loop3A_252 : vector<1x16xf32> to vector<16xf32>
      %parallel_loop3A_254 = arith.cmpf ogt, %parallel_loop3A_253, %parallel_loop3A_232 : vector<16xf32>
      %parallel_loop3A_255 = arith.select %parallel_loop3A_254, %parallel_loop3A_253, %parallel_loop3A_232 : vector<16xi1>, vector<16xf32>
      %parallel_loop3A_256 = arith.select %parallel_loop3A_254, %parallel_loop3A_249, %parallel_loop3A_240 : vector<16xi1>, vector<16xi32>
      %parallel_loop3A_257 = arith.index_cast %parallel_loop3A_231 : i32 to index
      %parallel_loop3A_258 = arith.constant 16 : index
      %parallel_loop3A_259 = tpu.vector_load %arg6[%parallel_loop3A_257, %parallel_loop3A_258] {strides = array<i32>} : memref<184x128xf32, #tpu.memory_space<vmem>>, vector<1x16xf32>,
      %parallel_loop3A_260 = vector.shape_cast %parallel_loop3A_259 : vector<1x16xf32> to vector<16xf32>
      %parallel_loop3A_261 = arith.cmpf ogt, %parallel_loop3A_260, %parallel_loop3A_233 : vector<16xf32>
      %parallel_loop3A_262 = arith.select %parallel_loop3A_261, %parallel_loop3A_260, %parallel_loop3A_233 : vector<16xi1>, vector<16xf32>
      %parallel_loop3A_263 = arith.select %parallel_loop3A_261, %parallel_loop3A_249, %parallel_loop3A_241 : vector<16xi1>, vector<16xi32>
      %parallel_loop3A_264 = arith.index_cast %parallel_loop3A_231 : i32 to index
      %parallel_loop3A_265 = arith.constant 32 : index
      %parallel_loop3A_266 = tpu.vector_load %arg6[%parallel_loop3A_264, %parallel_loop3A_265] {strides = array<i32>} : memref<184x128xf32, #tpu.memory_space<vmem>>, vector<1x16xf32>,
      %parallel_loop3A_267 = vector.shape_cast %parallel_loop3A_266 : vector<1x16xf32> to vector<16xf32>
      %parallel_loop3A_268 = arith.cmpf ogt, %parallel_loop3A_267, %parallel_loop3A_234 : vector<16xf32>
      %parallel_loop3A_269 = arith.select %parallel_loop3A_268, %parallel_loop3A_267, %parallel_loop3A_234 : vector<16xi1>, vector<16xf32>
      %parallel_loop3A_270 = arith.select %parallel_loop3A_268, %parallel_loop3A_249, %parallel_loop3A_242 : vector<16xi1>, vector<16xi32>
      %parallel_loop3A_271 = arith.index_cast %parallel_loop3A_231 : i32 to index
      %parallel_loop3A_272 = arith.constant 48 : index
      %parallel_loop3A_273 = tpu.vector_load %arg6[%parallel_loop3A_271, %parallel_loop3A_272] {strides = array<i32>} : memref<184x128xf32, #tpu.memory_space<vmem>>, vector<1x16xf32>,
      %parallel_loop3A_274 = vector.shape_cast %parallel_loop3A_273 : vector<1x16xf32> to vector<16xf32>
      %parallel_loop3A_275 = arith.cmpf ogt, %parallel_loop3A_274, %parallel_loop3A_235 : vector<16xf32>
      %parallel_loop3A_276 = arith.select %parallel_loop3A_275, %parallel_loop3A_274, %parallel_loop3A_235 : vector<16xi1>, vector<16xf32>
      %parallel_loop3A_277 = arith.select %parallel_loop3A_275, %parallel_loop3A_249, %parallel_loop3A_243 : vector<16xi1>, vector<16xi32>
      %parallel_loop3A_278 = arith.index_cast %parallel_loop3A_231 : i32 to index
      %parallel_loop3A_279 = arith.constant 64 : index
      %parallel_loop3A_280 = tpu.vector_load %arg6[%parallel_loop3A_278, %parallel_loop3A_279] {strides = array<i32>} : memref<184x128xf32, #tpu.memory_space<vmem>>, vector<1x16xf32>,
      %parallel_loop3A_281 = vector.shape_cast %parallel_loop3A_280 : vector<1x16xf32> to vector<16xf32>
      %parallel_loop3A_282 = arith.cmpf ogt, %parallel_loop3A_281, %parallel_loop3A_236 : vector<16xf32>
      %parallel_loop3A_283 = arith.select %parallel_loop3A_282, %parallel_loop3A_281, %parallel_loop3A_236 : vector<16xi1>, vector<16xf32>
      %parallel_loop3A_284 = arith.select %parallel_loop3A_282, %parallel_loop3A_249, %parallel_loop3A_244 : vector<16xi1>, vector<16xi32>
      %parallel_loop3A_285 = arith.index_cast %parallel_loop3A_231 : i32 to index
      %parallel_loop3A_286 = arith.constant 80 : index
      %parallel_loop3A_287 = tpu.vector_load %arg6[%parallel_loop3A_285, %parallel_loop3A_286] {strides = array<i32>} : memref<184x128xf32, #tpu.memory_space<vmem>>, vector<1x16xf32>,
      %parallel_loop3A_288 = vector.shape_cast %parallel_loop3A_287 : vector<1x16xf32> to vector<16xf32>
      %parallel_loop3A_289 = arith.cmpf ogt, %parallel_loop3A_288, %parallel_loop3A_237 : vector<16xf32>
      %parallel_loop3A_290 = arith.select %parallel_loop3A_289, %parallel_loop3A_288, %parallel_loop3A_237 : vector<16xi1>, vector<16xf32>
      %parallel_loop3A_291 = arith.select %parallel_loop3A_289, %parallel_loop3A_249, %parallel_loop3A_245 : vector<16xi1>, vector<16xi32>
      %parallel_loop3A_292 = arith.index_cast %parallel_loop3A_231 : i32 to index
      %parallel_loop3A_293 = arith.constant 96 : index
      %parallel_loop3A_294 = tpu.vector_load %arg6[%parallel_loop3A_292, %parallel_loop3A_293] {strides = array<i32>} : memref<184x128xf32, #tpu.memory_space<vmem>>, vector<1x16xf32>,
      %parallel_loop3A_295 = vector.shape_cast %parallel_loop3A_294 : vector<1x16xf32> to vector<16xf32>
      %parallel_loop3A_296 = arith.cmpf ogt, %parallel_loop3A_295, %parallel_loop3A_238 : vector<16xf32>
      %parallel_loop3A_297 = arith.select %parallel_loop3A_296, %parallel_loop3A_295, %parallel_loop3A_238 : vector<16xi1>, vector<16xf32>
      %parallel_loop3A_298 = arith.select %parallel_loop3A_296, %parallel_loop3A_249, %parallel_loop3A_246 : vector<16xi1>, vector<16xi32>
      %parallel_loop3A_299 = arith.index_cast %parallel_loop3A_231 : i32 to index
      %parallel_loop3A_300 = arith.constant 112 : index
      %parallel_loop3A_301 = tpu.vector_load %arg6[%parallel_loop3A_299, %parallel_loop3A_300] {strides = array<i32>} : memref<184x128xf32, #tpu.memory_space<vmem>>, vector<1x16xf32>,
      %parallel_loop3A_302 = vector.shape_cast %parallel_loop3A_301 : vector<1x16xf32> to vector<16xf32>
      %parallel_loop3A_303 = arith.cmpf ogt, %parallel_loop3A_302, %parallel_loop3A_239 : vector<16xf32>
      %parallel_loop3A_304 = arith.select %parallel_loop3A_303, %parallel_loop3A_302, %parallel_loop3A_239 : vector<16xi1>, vector<16xf32>
      %parallel_loop3A_305 = arith.select %parallel_loop3A_303, %parallel_loop3A_249, %parallel_loop3A_247 : vector<16xi1>, vector<16xi32>
      scf.yield %parallel_loop3A_255, %parallel_loop3A_262, %parallel_loop3A_269, %parallel_loop3A_276, %parallel_loop3A_283, %parallel_loop3A_290, %parallel_loop3A_297, %parallel_loop3A_304, %parallel_loop3A_256, %parallel_loop3A_263, %parallel_loop3A_270, %parallel_loop3A_277, %parallel_loop3A_284, %parallel_loop3A_291, %parallel_loop3A_298, %parallel_loop3A_305 : vector<16xf32>, vector<16xf32>, vector<16xf32>, vector<16xf32>, vector<16xf32>, vector<16xf32>, vector<16xf32>, vector<16xf32>, vector<16xi32>, vector<16xi32>, vector<16xi32>, vector<16xi32>, vector<16xi32>, vector<16xi32>, vector<16xi32>, vector<16xi32>
    } {sc.loop_unroll_factor = 2 : i64, sc.parallel_access}
    %add3A_72 = arith.constant 552 : i32
    %add3A_73 = arith.addi %multiple_of3A, %add3A_72 : i32
    %dma_start3A_74 = arith.constant 0 : i32
    %dma_start3A_75 = tpu.memref_slice %arg2[%add3A_73, %dma_start3A_74] : memref<100000x128xf32, #tpu.memory_space<hbm>> -> memref<184x128xf32, #tpu.memory_space<hbm>>
    %dma_start3A_76 = arith.constant 0 : i32
    %dma_start3A_77 = tpu.memref_slice %arg2[%add3A_73, %dma_start3A_76] : memref<100000x128xf32, #tpu.memory_space<hbm>> -> memref<184x128xf32, #tpu.memory_space<hbm>>
    tpu.enqueue_dma source(%dma_start3A_77 : memref<184x128xf32, #tpu.memory_space<hbm>>) target(%arg6 : memref<184x128xf32, #tpu.memory_space<vmem>>) target_semaphore(%arg16 : memref<!tpu.dma_semaphore, #tpu.memory_space<semaphore_mem>>)
    %dma_wait3A_78 = arith.constant 0 : i32
    %dma_wait3A_79 = tpu.memref_slice %arg2[%add3A_57, %dma_wait3A_78] : memref<100000x128xf32, #tpu.memory_space<hbm>> -> memref<184x128xf32, #tpu.memory_space<hbm>>
    %dma_wait3A_80 = arith.constant 0 : i32
    %dma_wait3A_81 = tpu.memref_slice %arg2[%add3A_57, %dma_wait3A_80] : memref<100000x128xf32, #tpu.memory_space<hbm>> -> memref<184x128xf32, #tpu.memory_space<hbm>>
    tpu.wait_dma2 semaphore(%arg15 : memref<!tpu.dma_semaphore, #tpu.memory_space<semaphore_mem>>) src(%dma_wait3A_81 : memref<184x128xf32, #tpu.memory_space<hbm>>) dst(%arg5 : memref<184x128xf32, #tpu.memory_space<vmem>>)
    %add3A_82 = arith.constant 368 : i32
    %add3A_83 = arith.addi %multiple_of3A, %add3A_82 : i32
    %parallel_loop3A_84 = arith.constant 0 : i32
    %parallel_loop3A_85 = arith.constant 184 : i32
    %parallel_loop3A_86 = arith.constant 1 : i32
    %parallel_loop3A_87:16 = scf.for %parallel_loop3A_231 = %parallel_loop3A_84 to %parallel_loop3A_85 step %parallel_loop3A_86 iter_args(%parallel_loop3A_232 = %parallel_loop3A_71#0, %parallel_loop3A_233 = %parallel_loop3A_71#1, %parallel_loop3A_234 = %parallel_loop3A_71#2, %parallel_loop3A_235 = %parallel_loop3A_71#3, %parallel_loop3A_236 = %parallel_loop3A_71#4, %parallel_loop3A_237 = %parallel_loop3A_71#5, %parallel_loop3A_238 = %parallel_loop3A_71#6, %parallel_loop3A_239 = %parallel_loop3A_71#7, %parallel_loop3A_240 = %parallel_loop3A_71#8, %parallel_loop3A_241 = %parallel_loop3A_71#9, %parallel_loop3A_242 = %parallel_loop3A_71#10, %parallel_loop3A_243 = %parallel_loop3A_71#11, %parallel_loop3A_244 = %parallel_loop3A_71#12, %parallel_loop3A_245 = %parallel_loop3A_71#13, %parallel_loop3A_246 = %parallel_loop3A_71#14, %parallel_loop3A_247 = %parallel_loop3A_71#15) -> (vector<16xf32>, vector<16xf32>, vector<16xf32>, vector<16xf32>, vector<16xf32>, vector<16xf32>, vector<16xf32>, vector<16xf32>, vector<16xi32>, vector<16xi32>, vector<16xi32>, vector<16xi32>, vector<16xi32>, vector<16xi32>, vector<16xi32>, vector<16xi32>)  : i32 {
      %parallel_loop3A_248 = arith.addi %add3A_83, %parallel_loop3A_231 : i32
      %parallel_loop3A_249 = vector.broadcast %parallel_loop3A_248 : i32 to vector<16xi32>
      %parallel_loop3A_250 = arith.index_cast %parallel_loop3A_231 : i32 to index
      %parallel_loop3A_251 = arith.constant 0 : index
      %parallel_loop3A_252 = tpu.vector_load %arg5[%parallel_loop3A_250, %parallel_loop3A_251] {strides = array<i32>} : memref<184x128xf32, #tpu.memory_space<vmem>>, vector<1x16xf32>,
      %parallel_loop3A_253 = vector.shape_cast %parallel_loop3A_252 : vector<1x16xf32> to vector<16xf32>
      %parallel_loop3A_254 = arith.cmpf ogt, %parallel_loop3A_253, %parallel_loop3A_232 : vector<16xf32>
      %parallel_loop3A_255 = arith.select %parallel_loop3A_254, %parallel_loop3A_253, %parallel_loop3A_232 : vector<16xi1>, vector<16xf32>
      %parallel_loop3A_256 = arith.select %parallel_loop3A_254, %parallel_loop3A_249, %parallel_loop3A_240 : vector<16xi1>, vector<16xi32>
      %parallel_loop3A_257 = arith.index_cast %parallel_loop3A_231 : i32 to index
      %parallel_loop3A_258 = arith.constant 16 : index
      %parallel_loop3A_259 = tpu.vector_load %arg5[%parallel_loop3A_257, %parallel_loop3A_258] {strides = array<i32>} : memref<184x128xf32, #tpu.memory_space<vmem>>, vector<1x16xf32>,
      %parallel_loop3A_260 = vector.shape_cast %parallel_loop3A_259 : vector<1x16xf32> to vector<16xf32>
      %parallel_loop3A_261 = arith.cmpf ogt, %parallel_loop3A_260, %parallel_loop3A_233 : vector<16xf32>
      %parallel_loop3A_262 = arith.select %parallel_loop3A_261, %parallel_loop3A_260, %parallel_loop3A_233 : vector<16xi1>, vector<16xf32>
      %parallel_loop3A_263 = arith.select %parallel_loop3A_261, %parallel_loop3A_249, %parallel_loop3A_241 : vector<16xi1>, vector<16xi32>
      %parallel_loop3A_264 = arith.index_cast %parallel_loop3A_231 : i32 to index
      %parallel_loop3A_265 = arith.constant 32 : index
      %parallel_loop3A_266 = tpu.vector_load %arg5[%parallel_loop3A_264, %parallel_loop3A_265] {strides = array<i32>} : memref<184x128xf32, #tpu.memory_space<vmem>>, vector<1x16xf32>,
      %parallel_loop3A_267 = vector.shape_cast %parallel_loop3A_266 : vector<1x16xf32> to vector<16xf32>
      %parallel_loop3A_268 = arith.cmpf ogt, %parallel_loop3A_267, %parallel_loop3A_234 : vector<16xf32>
      %parallel_loop3A_269 = arith.select %parallel_loop3A_268, %parallel_loop3A_267, %parallel_loop3A_234 : vector<16xi1>, vector<16xf32>
      %parallel_loop3A_270 = arith.select %parallel_loop3A_268, %parallel_loop3A_249, %parallel_loop3A_242 : vector<16xi1>, vector<16xi32>
      %parallel_loop3A_271 = arith.index_cast %parallel_loop3A_231 : i32 to index
      %parallel_loop3A_272 = arith.constant 48 : index
      %parallel_loop3A_273 = tpu.vector_load %arg5[%parallel_loop3A_271, %parallel_loop3A_272] {strides = array<i32>} : memref<184x128xf32, #tpu.memory_space<vmem>>, vector<1x16xf32>,
      %parallel_loop3A_274 = vector.shape_cast %parallel_loop3A_273 : vector<1x16xf32> to vector<16xf32>
      %parallel_loop3A_275 = arith.cmpf ogt, %parallel_loop3A_274, %parallel_loop3A_235 : vector<16xf32>
      %parallel_loop3A_276 = arith.select %parallel_loop3A_275, %parallel_loop3A_274, %parallel_loop3A_235 : vector<16xi1>, vector<16xf32>
      %parallel_loop3A_277 = arith.select %parallel_loop3A_275, %parallel_loop3A_249, %parallel_loop3A_243 : vector<16xi1>, vector<16xi32>
      %parallel_loop3A_278 = arith.index_cast %parallel_loop3A_231 : i32 to index
      %parallel_loop3A_279 = arith.constant 64 : index
      %parallel_loop3A_280 = tpu.vector_load %arg5[%parallel_loop3A_278, %parallel_loop3A_279] {strides = array<i32>} : memref<184x128xf32, #tpu.memory_space<vmem>>, vector<1x16xf32>,
      %parallel_loop3A_281 = vector.shape_cast %parallel_loop3A_280 : vector<1x16xf32> to vector<16xf32>
      %parallel_loop3A_282 = arith.cmpf ogt, %parallel_loop3A_281, %parallel_loop3A_236 : vector<16xf32>
      %parallel_loop3A_283 = arith.select %parallel_loop3A_282, %parallel_loop3A_281, %parallel_loop3A_236 : vector<16xi1>, vector<16xf32>
      %parallel_loop3A_284 = arith.select %parallel_loop3A_282, %parallel_loop3A_249, %parallel_loop3A_244 : vector<16xi1>, vector<16xi32>
      %parallel_loop3A_285 = arith.index_cast %parallel_loop3A_231 : i32 to index
      %parallel_loop3A_286 = arith.constant 80 : index
      %parallel_loop3A_287 = tpu.vector_load %arg5[%parallel_loop3A_285, %parallel_loop3A_286] {strides = array<i32>} : memref<184x128xf32, #tpu.memory_space<vmem>>, vector<1x16xf32>,
      %parallel_loop3A_288 = vector.shape_cast %parallel_loop3A_287 : vector<1x16xf32> to vector<16xf32>
      %parallel_loop3A_289 = arith.cmpf ogt, %parallel_loop3A_288, %parallel_loop3A_237 : vector<16xf32>
      %parallel_loop3A_290 = arith.select %parallel_loop3A_289, %parallel_loop3A_288, %parallel_loop3A_237 : vector<16xi1>, vector<16xf32>
      %parallel_loop3A_291 = arith.select %parallel_loop3A_289, %parallel_loop3A_249, %parallel_loop3A_245 : vector<16xi1>, vector<16xi32>
      %parallel_loop3A_292 = arith.index_cast %parallel_loop3A_231 : i32 to index
      %parallel_loop3A_293 = arith.constant 96 : index
      %parallel_loop3A_294 = tpu.vector_load %arg5[%parallel_loop3A_292, %parallel_loop3A_293] {strides = array<i32>} : memref<184x128xf32, #tpu.memory_space<vmem>>, vector<1x16xf32>,
      %parallel_loop3A_295 = vector.shape_cast %parallel_loop3A_294 : vector<1x16xf32> to vector<16xf32>
      %parallel_loop3A_296 = arith.cmpf ogt, %parallel_loop3A_295, %parallel_loop3A_238 : vector<16xf32>
      %parallel_loop3A_297 = arith.select %parallel_loop3A_296, %parallel_loop3A_295, %parallel_loop3A_238 : vector<16xi1>, vector<16xf32>
      %parallel_loop3A_298 = arith.select %parallel_loop3A_296, %parallel_loop3A_249, %parallel_loop3A_246 : vector<16xi1>, vector<16xi32>
      %parallel_loop3A_299 = arith.index_cast %parallel_loop3A_231 : i32 to index
      %parallel_loop3A_300 = arith.constant 112 : index
      %parallel_loop3A_301 = tpu.vector_load %arg5[%parallel_loop3A_299, %parallel_loop3A_300] {strides = array<i32>} : memref<184x128xf32, #tpu.memory_space<vmem>>, vector<1x16xf32>,
      %parallel_loop3A_302 = vector.shape_cast %parallel_loop3A_301 : vector<1x16xf32> to vector<16xf32>
      %parallel_loop3A_303 = arith.cmpf ogt, %parallel_loop3A_302, %parallel_loop3A_239 : vector<16xf32>
      %parallel_loop3A_304 = arith.select %parallel_loop3A_303, %parallel_loop3A_302, %parallel_loop3A_239 : vector<16xi1>, vector<16xf32>
      %parallel_loop3A_305 = arith.select %parallel_loop3A_303, %parallel_loop3A_249, %parallel_loop3A_247 : vector<16xi1>, vector<16xi32>
      scf.yield %parallel_loop3A_255, %parallel_loop3A_262, %parallel_loop3A_269, %parallel_loop3A_276, %parallel_loop3A_283, %parallel_loop3A_290, %parallel_loop3A_297, %parallel_loop3A_304, %parallel_loop3A_256, %parallel_loop3A_263, %parallel_loop3A_270, %parallel_loop3A_277, %parallel_loop3A_284, %parallel_loop3A_291, %parallel_loop3A_298, %parallel_loop3A_305 : vector<16xf32>, vector<16xf32>, vector<16xf32>, vector<16xf32>, vector<16xf32>, vector<16xf32>, vector<16xf32>, vector<16xf32>, vector<16xi32>, vector<16xi32>, vector<16xi32>, vector<16xi32>, vector<16xi32>, vector<16xi32>, vector<16xi32>, vector<16xi32>
    } {sc.loop_unroll_factor = 2 : i64, sc.parallel_access}
    %add3A_88 = arith.constant 736 : i32
    %add3A_89 = arith.addi %multiple_of3A, %add3A_88 : i32
    %dma_start3A_90 = arith.constant 0 : i32
    %dma_start3A_91 = tpu.memref_slice %arg2[%add3A_89, %dma_start3A_90] : memref<100000x128xf32, #tpu.memory_space<hbm>> -> memref<184x128xf32, #tpu.memory_space<hbm>>
    %dma_start3A_92 = arith.constant 0 : i32
    %dma_start3A_93 = tpu.memref_slice %arg2[%add3A_89, %dma_start3A_92] : memref<100000x128xf32, #tpu.memory_space<hbm>> -> memref<184x128xf32, #tpu.memory_space<hbm>>
    tpu.enqueue_dma source(%dma_start3A_93 : memref<184x128xf32, #tpu.memory_space<hbm>>) target(%arg5 : memref<184x128xf32, #tpu.memory_space<vmem>>) target_semaphore(%arg15 : memref<!tpu.dma_semaphore, #tpu.memory_space<semaphore_mem>>)
    %dma_wait3A_94 = arith.constant 0 : i32
    %dma_wait3A_95 = tpu.memref_slice %arg2[%add3A_73, %dma_wait3A_94] : memref<100000x128xf32, #tpu.memory_space<hbm>> -> memref<184x128xf32, #tpu.memory_space<hbm>>
    %dma_wait3A_96 = arith.constant 0 : i32
    %dma_wait3A_97 = tpu.memref_slice %arg2[%add3A_73, %dma_wait3A_96] : memref<100000x128xf32, #tpu.memory_space<hbm>> -> memref<184x128xf32, #tpu.memory_space<hbm>>
    tpu.wait_dma2 semaphore(%arg16 : memref<!tpu.dma_semaphore, #tpu.memory_space<semaphore_mem>>) src(%dma_wait3A_97 : memref<184x128xf32, #tpu.memory_space<hbm>>) dst(%arg6 : memref<184x128xf32, #tpu.memory_space<vmem>>)
    %add3A_98 = arith.constant 552 : i32
    %add3A_99 = arith.addi %multiple_of3A, %add3A_98 : i32
    %parallel_loop3A_100 = arith.constant 0 : i32
    %parallel_loop3A_101 = arith.constant 184 : i32
    %parallel_loop3A_102 = arith.constant 1 : i32
    %parallel_loop3A_103:16 = scf.for %parallel_loop3A_231 = %parallel_loop3A_100 to %parallel_loop3A_101 step %parallel_loop3A_102 iter_args(%parallel_loop3A_232 = %parallel_loop3A_87#0, %parallel_loop3A_233 = %parallel_loop3A_87#1, %parallel_loop3A_234 = %parallel_loop3A_87#2, %parallel_loop3A_235 = %parallel_loop3A_87#3, %parallel_loop3A_236 = %parallel_loop3A_87#4, %parallel_loop3A_237 = %parallel_loop3A_87#5, %parallel_loop3A_238 = %parallel_loop3A_87#6, %parallel_loop3A_239 = %parallel_loop3A_87#7, %parallel_loop3A_240 = %parallel_loop3A_87#8, %parallel_loop3A_241 = %parallel_loop3A_87#9, %parallel_loop3A_242 = %parallel_loop3A_87#10, %parallel_loop3A_243 = %parallel_loop3A_87#11, %parallel_loop3A_244 = %parallel_loop3A_87#12, %parallel_loop3A_245 = %parallel_loop3A_87#13, %parallel_loop3A_246 = %parallel_loop3A_87#14, %parallel_loop3A_247 = %parallel_loop3A_87#15) -> (vector<16xf32>, vector<16xf32>, vector<16xf32>, vector<16xf32>, vector<16xf32>, vector<16xf32>, vector<16xf32>, vector<16xf32>, vector<16xi32>, vector<16xi32>, vector<16xi32>, vector<16xi32>, vector<16xi32>, vector<16xi32>, vector<16xi32>, vector<16xi32>)  : i32 {
      %parallel_loop3A_248 = arith.addi %add3A_99, %parallel_loop3A_231 : i32
      %parallel_loop3A_249 = vector.broadcast %parallel_loop3A_248 : i32 to vector<16xi32>
      %parallel_loop3A_250 = arith.index_cast %parallel_loop3A_231 : i32 to index
      %parallel_loop3A_251 = arith.constant 0 : index
      %parallel_loop3A_252 = tpu.vector_load %arg6[%parallel_loop3A_250, %parallel_loop3A_251] {strides = array<i32>} : memref<184x128xf32, #tpu.memory_space<vmem>>, vector<1x16xf32>,
      %parallel_loop3A_253 = vector.shape_cast %parallel_loop3A_252 : vector<1x16xf32> to vector<16xf32>
      %parallel_loop3A_254 = arith.cmpf ogt, %parallel_loop3A_253, %parallel_loop3A_232 : vector<16xf32>
      %parallel_loop3A_255 = arith.select %parallel_loop3A_254, %parallel_loop3A_253, %parallel_loop3A_232 : vector<16xi1>, vector<16xf32>
      %parallel_loop3A_256 = arith.select %parallel_loop3A_254, %parallel_loop3A_249, %parallel_loop3A_240 : vector<16xi1>, vector<16xi32>
      %parallel_loop3A_257 = arith.index_cast %parallel_loop3A_231 : i32 to index
      %parallel_loop3A_258 = arith.constant 16 : index
      %parallel_loop3A_259 = tpu.vector_load %arg6[%parallel_loop3A_257, %parallel_loop3A_258] {strides = array<i32>} : memref<184x128xf32, #tpu.memory_space<vmem>>, vector<1x16xf32>,
      %parallel_loop3A_260 = vector.shape_cast %parallel_loop3A_259 : vector<1x16xf32> to vector<16xf32>
      %parallel_loop3A_261 = arith.cmpf ogt, %parallel_loop3A_260, %parallel_loop3A_233 : vector<16xf32>
      %parallel_loop3A_262 = arith.select %parallel_loop3A_261, %parallel_loop3A_260, %parallel_loop3A_233 : vector<16xi1>, vector<16xf32>
      %parallel_loop3A_263 = arith.select %parallel_loop3A_261, %parallel_loop3A_249, %parallel_loop3A_241 : vector<16xi1>, vector<16xi32>
      %parallel_loop3A_264 = arith.index_cast %parallel_loop3A_231 : i32 to index
      %parallel_loop3A_265 = arith.constant 32 : index
      %parallel_loop3A_266 = tpu.vector_load %arg6[%parallel_loop3A_264, %parallel_loop3A_265] {strides = array<i32>} : memref<184x128xf32, #tpu.memory_space<vmem>>, vector<1x16xf32>,
      %parallel_loop3A_267 = vector.shape_cast %parallel_loop3A_266 : vector<1x16xf32> to vector<16xf32>
      %parallel_loop3A_268 = arith.cmpf ogt, %parallel_loop3A_267, %parallel_loop3A_234 : vector<16xf32>
      %parallel_loop3A_269 = arith.select %parallel_loop3A_268, %parallel_loop3A_267, %parallel_loop3A_234 : vector<16xi1>, vector<16xf32>
      %parallel_loop3A_270 = arith.select %parallel_loop3A_268, %parallel_loop3A_249, %parallel_loop3A_242 : vector<16xi1>, vector<16xi32>
      %parallel_loop3A_271 = arith.index_cast %parallel_loop3A_231 : i32 to index
      %parallel_loop3A_272 = arith.constant 48 : index
      %parallel_loop3A_273 = tpu.vector_load %arg6[%parallel_loop3A_271, %parallel_loop3A_272] {strides = array<i32>} : memref<184x128xf32, #tpu.memory_space<vmem>>, vector<1x16xf32>,
      %parallel_loop3A_274 = vector.shape_cast %parallel_loop3A_273 : vector<1x16xf32> to vector<16xf32>
      %parallel_loop3A_275 = arith.cmpf ogt, %parallel_loop3A_274, %parallel_loop3A_235 : vector<16xf32>
      %parallel_loop3A_276 = arith.select %parallel_loop3A_275, %parallel_loop3A_274, %parallel_loop3A_235 : vector<16xi1>, vector<16xf32>
      %parallel_loop3A_277 = arith.select %parallel_loop3A_275, %parallel_loop3A_249, %parallel_loop3A_243 : vector<16xi1>, vector<16xi32>
      %parallel_loop3A_278 = arith.index_cast %parallel_loop3A_231 : i32 to index
      %parallel_loop3A_279 = arith.constant 64 : index
      %parallel_loop3A_280 = tpu.vector_load %arg6[%parallel_loop3A_278, %parallel_loop3A_279] {strides = array<i32>} : memref<184x128xf32, #tpu.memory_space<vmem>>, vector<1x16xf32>,
      %parallel_loop3A_281 = vector.shape_cast %parallel_loop3A_280 : vector<1x16xf32> to vector<16xf32>
      %parallel_loop3A_282 = arith.cmpf ogt, %parallel_loop3A_281, %parallel_loop3A_236 : vector<16xf32>
      %parallel_loop3A_283 = arith.select %parallel_loop3A_282, %parallel_loop3A_281, %parallel_loop3A_236 : vector<16xi1>, vector<16xf32>
      %parallel_loop3A_284 = arith.select %parallel_loop3A_282, %parallel_loop3A_249, %parallel_loop3A_244 : vector<16xi1>, vector<16xi32>
      %parallel_loop3A_285 = arith.index_cast %parallel_loop3A_231 : i32 to index
      %parallel_loop3A_286 = arith.constant 80 : index
      %parallel_loop3A_287 = tpu.vector_load %arg6[%parallel_loop3A_285, %parallel_loop3A_286] {strides = array<i32>} : memref<184x128xf32, #tpu.memory_space<vmem>>, vector<1x16xf32>,
      %parallel_loop3A_288 = vector.shape_cast %parallel_loop3A_287 : vector<1x16xf32> to vector<16xf32>
      %parallel_loop3A_289 = arith.cmpf ogt, %parallel_loop3A_288, %parallel_loop3A_237 : vector<16xf32>
      %parallel_loop3A_290 = arith.select %parallel_loop3A_289, %parallel_loop3A_288, %parallel_loop3A_237 : vector<16xi1>, vector<16xf32>
      %parallel_loop3A_291 = arith.select %parallel_loop3A_289, %parallel_loop3A_249, %parallel_loop3A_245 : vector<16xi1>, vector<16xi32>
      %parallel_loop3A_292 = arith.index_cast %parallel_loop3A_231 : i32 to index
      %parallel_loop3A_293 = arith.constant 96 : index
      %parallel_loop3A_294 = tpu.vector_load %arg6[%parallel_loop3A_292, %parallel_loop3A_293] {strides = array<i32>} : memref<184x128xf32, #tpu.memory_space<vmem>>, vector<1x16xf32>,
      %parallel_loop3A_295 = vector.shape_cast %parallel_loop3A_294 : vector<1x16xf32> to vector<16xf32>
      %parallel_loop3A_296 = arith.cmpf ogt, %parallel_loop3A_295, %parallel_loop3A_238 : vector<16xf32>
      %parallel_loop3A_297 = arith.select %parallel_loop3A_296, %parallel_loop3A_295, %parallel_loop3A_238 : vector<16xi1>, vector<16xf32>
      %parallel_loop3A_298 = arith.select %parallel_loop3A_296, %parallel_loop3A_249, %parallel_loop3A_246 : vector<16xi1>, vector<16xi32>
      %parallel_loop3A_299 = arith.index_cast %parallel_loop3A_231 : i32 to index
      %parallel_loop3A_300 = arith.constant 112 : index
      %parallel_loop3A_301 = tpu.vector_load %arg6[%parallel_loop3A_299, %parallel_loop3A_300] {strides = array<i32>} : memref<184x128xf32, #tpu.memory_space<vmem>>, vector<1x16xf32>,
      %parallel_loop3A_302 = vector.shape_cast %parallel_loop3A_301 : vector<1x16xf32> to vector<16xf32>
      %parallel_loop3A_303 = arith.cmpf ogt, %parallel_loop3A_302, %parallel_loop3A_239 : vector<16xf32>
      %parallel_loop3A_304 = arith.select %parallel_loop3A_303, %parallel_loop3A_302, %parallel_loop3A_239 : vector<16xi1>, vector<16xf32>
      %parallel_loop3A_305 = arith.select %parallel_loop3A_303, %parallel_loop3A_249, %parallel_loop3A_247 : vector<16xi1>, vector<16xi32>
      scf.yield %parallel_loop3A_255, %parallel_loop3A_262, %parallel_loop3A_269, %parallel_loop3A_276, %parallel_loop3A_283, %parallel_loop3A_290, %parallel_loop3A_297, %parallel_loop3A_304, %parallel_loop3A_256, %parallel_loop3A_263, %parallel_loop3A_270, %parallel_loop3A_277, %parallel_loop3A_284, %parallel_loop3A_291, %parallel_loop3A_298, %parallel_loop3A_305 : vector<16xf32>, vector<16xf32>, vector<16xf32>, vector<16xf32>, vector<16xf32>, vector<16xf32>, vector<16xf32>, vector<16xf32>, vector<16xi32>, vector<16xi32>, vector<16xi32>, vector<16xi32>, vector<16xi32>, vector<16xi32>, vector<16xi32>, vector<16xi32>
    } {sc.loop_unroll_factor = 2 : i64, sc.parallel_access}
    %add3A_104 = arith.constant 920 : i32
    %add3A_105 = arith.addi %multiple_of3A, %add3A_104 : i32
    %dma_start3A_106 = arith.constant 0 : i32
    %dma_start3A_107 = tpu.memref_slice %arg2[%add3A_105, %dma_start3A_106] : memref<100000x128xf32, #tpu.memory_space<hbm>> -> memref<184x128xf32, #tpu.memory_space<hbm>>
    %dma_start3A_108 = arith.constant 0 : i32
    %dma_start3A_109 = tpu.memref_slice %arg2[%add3A_105, %dma_start3A_108] : memref<100000x128xf32, #tpu.memory_space<hbm>> -> memref<184x128xf32, #tpu.memory_space<hbm>>
    tpu.enqueue_dma source(%dma_start3A_109 : memref<184x128xf32, #tpu.memory_space<hbm>>) target(%arg6 : memref<184x128xf32, #tpu.memory_space<vmem>>) target_semaphore(%arg16 : memref<!tpu.dma_semaphore, #tpu.memory_space<semaphore_mem>>)
    %dma_wait3A_110 = arith.constant 0 : i32
    %dma_wait3A_111 = tpu.memref_slice %arg2[%add3A_89, %dma_wait3A_110] : memref<100000x128xf32, #tpu.memory_space<hbm>> -> memref<184x128xf32, #tpu.memory_space<hbm>>
    %dma_wait3A_112 = arith.constant 0 : i32
    %dma_wait3A_113 = tpu.memref_slice %arg2[%add3A_89, %dma_wait3A_112] : memref<100000x128xf32, #tpu.memory_space<hbm>> -> memref<184x128xf32, #tpu.memory_space<hbm>>
    tpu.wait_dma2 semaphore(%arg15 : memref<!tpu.dma_semaphore, #tpu.memory_space<semaphore_mem>>) src(%dma_wait3A_113 : memref<184x128xf32, #tpu.memory_space<hbm>>) dst(%arg5 : memref<184x128xf32, #tpu.memory_space<vmem>>)
    %add3A_114 = arith.constant 736 : i32
    %add3A_115 = arith.addi %multiple_of3A, %add3A_114 : i32
    %parallel_loop3A_116 = arith.constant 0 : i32
    %parallel_loop3A_117 = arith.constant 184 : i32
    %parallel_loop3A_118 = arith.constant 1 : i32
    %parallel_loop3A_119:16 = scf.for %parallel_loop3A_231 = %parallel_loop3A_116 to %parallel_loop3A_117 step %parallel_loop3A_118 iter_args(%parallel_loop3A_232 = %parallel_loop3A_103#0, %parallel_loop3A_233 = %parallel_loop3A_103#1, %parallel_loop3A_234 = %parallel_loop3A_103#2, %parallel_loop3A_235 = %parallel_loop3A_103#3, %parallel_loop3A_236 = %parallel_loop3A_103#4, %parallel_loop3A_237 = %parallel_loop3A_103#5, %parallel_loop3A_238 = %parallel_loop3A_103#6, %parallel_loop3A_239 = %parallel_loop3A_103#7, %parallel_loop3A_240 = %parallel_loop3A_103#8, %parallel_loop3A_241 = %parallel_loop3A_103#9, %parallel_loop3A_242 = %parallel_loop3A_103#10, %parallel_loop3A_243 = %parallel_loop3A_103#11, %parallel_loop3A_244 = %parallel_loop3A_103#12, %parallel_loop3A_245 = %parallel_loop3A_103#13, %parallel_loop3A_246 = %parallel_loop3A_103#14, %parallel_loop3A_247 = %parallel_loop3A_103#15) -> (vector<16xf32>, vector<16xf32>, vector<16xf32>, vector<16xf32>, vector<16xf32>, vector<16xf32>, vector<16xf32>, vector<16xf32>, vector<16xi32>, vector<16xi32>, vector<16xi32>, vector<16xi32>, vector<16xi32>, vector<16xi32>, vector<16xi32>, vector<16xi32>)  : i32 {
      %parallel_loop3A_248 = arith.addi %add3A_115, %parallel_loop3A_231 : i32
      %parallel_loop3A_249 = vector.broadcast %parallel_loop3A_248 : i32 to vector<16xi32>
      %parallel_loop3A_250 = arith.index_cast %parallel_loop3A_231 : i32 to index
      %parallel_loop3A_251 = arith.constant 0 : index
      %parallel_loop3A_252 = tpu.vector_load %arg5[%parallel_loop3A_250, %parallel_loop3A_251] {strides = array<i32>} : memref<184x128xf32, #tpu.memory_space<vmem>>, vector<1x16xf32>,
      %parallel_loop3A_253 = vector.shape_cast %parallel_loop3A_252 : vector<1x16xf32> to vector<16xf32>
      %parallel_loop3A_254 = arith.cmpf ogt, %parallel_loop3A_253, %parallel_loop3A_232 : vector<16xf32>
      %parallel_loop3A_255 = arith.select %parallel_loop3A_254, %parallel_loop3A_253, %parallel_loop3A_232 : vector<16xi1>, vector<16xf32>
      %parallel_loop3A_256 = arith.select %parallel_loop3A_254, %parallel_loop3A_249, %parallel_loop3A_240 : vector<16xi1>, vector<16xi32>
      %parallel_loop3A_257 = arith.index_cast %parallel_loop3A_231 : i32 to index
      %parallel_loop3A_258 = arith.constant 16 : index
      %parallel_loop3A_259 = tpu.vector_load %arg5[%parallel_loop3A_257, %parallel_loop3A_258] {strides = array<i32>} : memref<184x128xf32, #tpu.memory_space<vmem>>, vector<1x16xf32>,
      %parallel_loop3A_260 = vector.shape_cast %parallel_loop3A_259 : vector<1x16xf32> to vector<16xf32>
      %parallel_loop3A_261 = arith.cmpf ogt, %parallel_loop3A_260, %parallel_loop3A_233 : vector<16xf32>
      %parallel_loop3A_262 = arith.select %parallel_loop3A_261, %parallel_loop3A_260, %parallel_loop3A_233 : vector<16xi1>, vector<16xf32>
      %parallel_loop3A_263 = arith.select %parallel_loop3A_261, %parallel_loop3A_249, %parallel_loop3A_241 : vector<16xi1>, vector<16xi32>
      %parallel_loop3A_264 = arith.index_cast %parallel_loop3A_231 : i32 to index
      %parallel_loop3A_265 = arith.constant 32 : index
      %parallel_loop3A_266 = tpu.vector_load %arg5[%parallel_loop3A_264, %parallel_loop3A_265] {strides = array<i32>} : memref<184x128xf32, #tpu.memory_space<vmem>>, vector<1x16xf32>,
      %parallel_loop3A_267 = vector.shape_cast %parallel_loop3A_266 : vector<1x16xf32> to vector<16xf32>
      %parallel_loop3A_268 = arith.cmpf ogt, %parallel_loop3A_267, %parallel_loop3A_234 : vector<16xf32>
      %parallel_loop3A_269 = arith.select %parallel_loop3A_268, %parallel_loop3A_267, %parallel_loop3A_234 : vector<16xi1>, vector<16xf32>
      %parallel_loop3A_270 = arith.select %parallel_loop3A_268, %parallel_loop3A_249, %parallel_loop3A_242 : vector<16xi1>, vector<16xi32>
      %parallel_loop3A_271 = arith.index_cast %parallel_loop3A_231 : i32 to index
      %parallel_loop3A_272 = arith.constant 48 : index
      %parallel_loop3A_273 = tpu.vector_load %arg5[%parallel_loop3A_271, %parallel_loop3A_272] {strides = array<i32>} : memref<184x128xf32, #tpu.memory_space<vmem>>, vector<1x16xf32>,
      %parallel_loop3A_274 = vector.shape_cast %parallel_loop3A_273 : vector<1x16xf32> to vector<16xf32>
      %parallel_loop3A_275 = arith.cmpf ogt, %parallel_loop3A_274, %parallel_loop3A_235 : vector<16xf32>
      %parallel_loop3A_276 = arith.select %parallel_loop3A_275, %parallel_loop3A_274, %parallel_loop3A_235 : vector<16xi1>, vector<16xf32>
      %parallel_loop3A_277 = arith.select %parallel_loop3A_275, %parallel_loop3A_249, %parallel_loop3A_243 : vector<16xi1>, vector<16xi32>
      %parallel_loop3A_278 = arith.index_cast %parallel_loop3A_231 : i32 to index
      %parallel_loop3A_279 = arith.constant 64 : index
      %parallel_loop3A_280 = tpu.vector_load %arg5[%parallel_loop3A_278, %parallel_loop3A_279] {strides = array<i32>} : memref<184x128xf32, #tpu.memory_space<vmem>>, vector<1x16xf32>,
      %parallel_loop3A_281 = vector.shape_cast %parallel_loop3A_280 : vector<1x16xf32> to vector<16xf32>
      %parallel_loop3A_282 = arith.cmpf ogt, %parallel_loop3A_281, %parallel_loop3A_236 : vector<16xf32>
      %parallel_loop3A_283 = arith.select %parallel_loop3A_282, %parallel_loop3A_281, %parallel_loop3A_236 : vector<16xi1>, vector<16xf32>
      %parallel_loop3A_284 = arith.select %parallel_loop3A_282, %parallel_loop3A_249, %parallel_loop3A_244 : vector<16xi1>, vector<16xi32>
      %parallel_loop3A_285 = arith.index_cast %parallel_loop3A_231 : i32 to index
      %parallel_loop3A_286 = arith.constant 80 : index
      %parallel_loop3A_287 = tpu.vector_load %arg5[%parallel_loop3A_285, %parallel_loop3A_286] {strides = array<i32>} : memref<184x128xf32, #tpu.memory_space<vmem>>, vector<1x16xf32>,
      %parallel_loop3A_288 = vector.shape_cast %parallel_loop3A_287 : vector<1x16xf32> to vector<16xf32>
      %parallel_loop3A_289 = arith.cmpf ogt, %parallel_loop3A_288, %parallel_loop3A_237 : vector<16xf32>
      %parallel_loop3A_290 = arith.select %parallel_loop3A_289, %parallel_loop3A_288, %parallel_loop3A_237 : vector<16xi1>, vector<16xf32>
      %parallel_loop3A_291 = arith.select %parallel_loop3A_289, %parallel_loop3A_249, %parallel_loop3A_245 : vector<16xi1>, vector<16xi32>
      %parallel_loop3A_292 = arith.index_cast %parallel_loop3A_231 : i32 to index
      %parallel_loop3A_293 = arith.constant 96 : index
      %parallel_loop3A_294 = tpu.vector_load %arg5[%parallel_loop3A_292, %parallel_loop3A_293] {strides = array<i32>} : memref<184x128xf32, #tpu.memory_space<vmem>>, vector<1x16xf32>,
      %parallel_loop3A_295 = vector.shape_cast %parallel_loop3A_294 : vector<1x16xf32> to vector<16xf32>
      %parallel_loop3A_296 = arith.cmpf ogt, %parallel_loop3A_295, %parallel_loop3A_238 : vector<16xf32>
      %parallel_loop3A_297 = arith.select %parallel_loop3A_296, %parallel_loop3A_295, %parallel_loop3A_238 : vector<16xi1>, vector<16xf32>
      %parallel_loop3A_298 = arith.select %parallel_loop3A_296, %parallel_loop3A_249, %parallel_loop3A_246 : vector<16xi1>, vector<16xi32>
      %parallel_loop3A_299 = arith.index_cast %parallel_loop3A_231 : i32 to index
      %parallel_loop3A_300 = arith.constant 112 : index
      %parallel_loop3A_301 = tpu.vector_load %arg5[%parallel_loop3A_299, %parallel_loop3A_300] {strides = array<i32>} : memref<184x128xf32, #tpu.memory_space<vmem>>, vector<1x16xf32>,
      %parallel_loop3A_302 = vector.shape_cast %parallel_loop3A_301 : vector<1x16xf32> to vector<16xf32>
      %parallel_loop3A_303 = arith.cmpf ogt, %parallel_loop3A_302, %parallel_loop3A_239 : vector<16xf32>
      %parallel_loop3A_304 = arith.select %parallel_loop3A_303, %parallel_loop3A_302, %parallel_loop3A_239 : vector<16xi1>, vector<16xf32>
      %parallel_loop3A_305 = arith.select %parallel_loop3A_303, %parallel_loop3A_249, %parallel_loop3A_247 : vector<16xi1>, vector<16xi32>
      scf.yield %parallel_loop3A_255, %parallel_loop3A_262, %parallel_loop3A_269, %parallel_loop3A_276, %parallel_loop3A_283, %parallel_loop3A_290, %parallel_loop3A_297, %parallel_loop3A_304, %parallel_loop3A_256, %parallel_loop3A_263, %parallel_loop3A_270, %parallel_loop3A_277, %parallel_loop3A_284, %parallel_loop3A_291, %parallel_loop3A_298, %parallel_loop3A_305 : vector<16xf32>, vector<16xf32>, vector<16xf32>, vector<16xf32>, vector<16xf32>, vector<16xf32>, vector<16xf32>, vector<16xf32>, vector<16xi32>, vector<16xi32>, vector<16xi32>, vector<16xi32>, vector<16xi32>, vector<16xi32>, vector<16xi32>, vector<16xi32>
    } {sc.loop_unroll_factor = 2 : i64, sc.parallel_access}
    %add3A_120 = arith.constant 1104 : i32
    %add3A_121 = arith.addi %multiple_of3A, %add3A_120 : i32
    %dma_start3A_122 = arith.constant 0 : i32
    %dma_start3A_123 = tpu.memref_slice %arg2[%add3A_121, %dma_start3A_122] : memref<100000x128xf32, #tpu.memory_space<hbm>> -> memref<184x128xf32, #tpu.memory_space<hbm>>
    %dma_start3A_124 = arith.constant 0 : i32
    %dma_start3A_125 = tpu.memref_slice %arg2[%add3A_121, %dma_start3A_124] : memref<100000x128xf32, #tpu.memory_space<hbm>> -> memref<184x128xf32, #tpu.memory_space<hbm>>
    tpu.enqueue_dma source(%dma_start3A_125 : memref<184x128xf32, #tpu.memory_space<hbm>>) target(%arg5 : memref<184x128xf32, #tpu.memory_space<vmem>>) target_semaphore(%arg15 : memref<!tpu.dma_semaphore, #tpu.memory_space<semaphore_mem>>)
    %dma_wait3A_126 = arith.constant 0 : i32
    %dma_wait3A_127 = tpu.memref_slice %arg2[%add3A_105, %dma_wait3A_126] : memref<100000x128xf32, #tpu.memory_space<hbm>> -> memref<184x128xf32, #tpu.memory_space<hbm>>
    %dma_wait3A_128 = arith.constant 0 : i32
    %dma_wait3A_129 = tpu.memref_slice %arg2[%add3A_105, %dma_wait3A_128] : memref<100000x128xf32, #tpu.memory_space<hbm>> -> memref<184x128xf32, #tpu.memory_space<hbm>>
    tpu.wait_dma2 semaphore(%arg16 : memref<!tpu.dma_semaphore, #tpu.memory_space<semaphore_mem>>) src(%dma_wait3A_129 : memref<184x128xf32, #tpu.memory_space<hbm>>) dst(%arg6 : memref<184x128xf32, #tpu.memory_space<vmem>>)
    %add3A_130 = arith.constant 920 : i32
    %add3A_131 = arith.addi %multiple_of3A, %add3A_130 : i32
    %parallel_loop3A_132 = arith.constant 0 : i32
    %parallel_loop3A_133 = arith.constant 184 : i32
    %parallel_loop3A_134 = arith.constant 1 : i32
    %parallel_loop3A_135:16 = scf.for %parallel_loop3A_231 = %parallel_loop3A_132 to %parallel_loop3A_133 step %parallel_loop3A_134 iter_args(%parallel_loop3A_232 = %parallel_loop3A_119#0, %parallel_loop3A_233 = %parallel_loop3A_119#1, %parallel_loop3A_234 = %parallel_loop3A_119#2, %parallel_loop3A_235 = %parallel_loop3A_119#3, %parallel_loop3A_236 = %parallel_loop3A_119#4, %parallel_loop3A_237 = %parallel_loop3A_119#5, %parallel_loop3A_238 = %parallel_loop3A_119#6, %parallel_loop3A_239 = %parallel_loop3A_119#7, %parallel_loop3A_240 = %parallel_loop3A_119#8, %parallel_loop3A_241 = %parallel_loop3A_119#9, %parallel_loop3A_242 = %parallel_loop3A_119#10, %parallel_loop3A_243 = %parallel_loop3A_119#11, %parallel_loop3A_244 = %parallel_loop3A_119#12, %parallel_loop3A_245 = %parallel_loop3A_119#13, %parallel_loop3A_246 = %parallel_loop3A_119#14, %parallel_loop3A_247 = %parallel_loop3A_119#15) -> (vector<16xf32>, vector<16xf32>, vector<16xf32>, vector<16xf32>, vector<16xf32>, vector<16xf32>, vector<16xf32>, vector<16xf32>, vector<16xi32>, vector<16xi32>, vector<16xi32>, vector<16xi32>, vector<16xi32>, vector<16xi32>, vector<16xi32>, vector<16xi32>)  : i32 {
      %parallel_loop3A_248 = arith.addi %add3A_131, %parallel_loop3A_231 : i32
      %parallel_loop3A_249 = vector.broadcast %parallel_loop3A_248 : i32 to vector<16xi32>
      %parallel_loop3A_250 = arith.index_cast %parallel_loop3A_231 : i32 to index
      %parallel_loop3A_251 = arith.constant 0 : index
      %parallel_loop3A_252 = tpu.vector_load %arg6[%parallel_loop3A_250, %parallel_loop3A_251] {strides = array<i32>} : memref<184x128xf32, #tpu.memory_space<vmem>>, vector<1x16xf32>,
      %parallel_loop3A_253 = vector.shape_cast %parallel_loop3A_252 : vector<1x16xf32> to vector<16xf32>
      %parallel_loop3A_254 = arith.cmpf ogt, %parallel_loop3A_253, %parallel_loop3A_232 : vector<16xf32>
      %parallel_loop3A_255 = arith.select %parallel_loop3A_254, %parallel_loop3A_253, %parallel_loop3A_232 : vector<16xi1>, vector<16xf32>
      %parallel_loop3A_256 = arith.select %parallel_loop3A_254, %parallel_loop3A_249, %parallel_loop3A_240 : vector<16xi1>, vector<16xi32>
      %parallel_loop3A_257 = arith.index_cast %parallel_loop3A_231 : i32 to index
      %parallel_loop3A_258 = arith.constant 16 : index
      %parallel_loop3A_259 = tpu.vector_load %arg6[%parallel_loop3A_257, %parallel_loop3A_258] {strides = array<i32>} : memref<184x128xf32, #tpu.memory_space<vmem>>, vector<1x16xf32>,
      %parallel_loop3A_260 = vector.shape_cast %parallel_loop3A_259 : vector<1x16xf32> to vector<16xf32>
      %parallel_loop3A_261 = arith.cmpf ogt, %parallel_loop3A_260, %parallel_loop3A_233 : vector<16xf32>
      %parallel_loop3A_262 = arith.select %parallel_loop3A_261, %parallel_loop3A_260, %parallel_loop3A_233 : vector<16xi1>, vector<16xf32>
      %parallel_loop3A_263 = arith.select %parallel_loop3A_261, %parallel_loop3A_249, %parallel_loop3A_241 : vector<16xi1>, vector<16xi32>
      %parallel_loop3A_264 = arith.index_cast %parallel_loop3A_231 : i32 to index
      %parallel_loop3A_265 = arith.constant 32 : index
      %parallel_loop3A_266 = tpu.vector_load %arg6[%parallel_loop3A_264, %parallel_loop3A_265] {strides = array<i32>} : memref<184x128xf32, #tpu.memory_space<vmem>>, vector<1x16xf32>,
      %parallel_loop3A_267 = vector.shape_cast %parallel_loop3A_266 : vector<1x16xf32> to vector<16xf32>
      %parallel_loop3A_268 = arith.cmpf ogt, %parallel_loop3A_267, %parallel_loop3A_234 : vector<16xf32>
      %parallel_loop3A_269 = arith.select %parallel_loop3A_268, %parallel_loop3A_267, %parallel_loop3A_234 : vector<16xi1>, vector<16xf32>
      %parallel_loop3A_270 = arith.select %parallel_loop3A_268, %parallel_loop3A_249, %parallel_loop3A_242 : vector<16xi1>, vector<16xi32>
      %parallel_loop3A_271 = arith.index_cast %parallel_loop3A_231 : i32 to index
      %parallel_loop3A_272 = arith.constant 48 : index
      %parallel_loop3A_273 = tpu.vector_load %arg6[%parallel_loop3A_271, %parallel_loop3A_272] {strides = array<i32>} : memref<184x128xf32, #tpu.memory_space<vmem>>, vector<1x16xf32>,
      %parallel_loop3A_274 = vector.shape_cast %parallel_loop3A_273 : vector<1x16xf32> to vector<16xf32>
      %parallel_loop3A_275 = arith.cmpf ogt, %parallel_loop3A_274, %parallel_loop3A_235 : vector<16xf32>
      %parallel_loop3A_276 = arith.select %parallel_loop3A_275, %parallel_loop3A_274, %parallel_loop3A_235 : vector<16xi1>, vector<16xf32>
      %parallel_loop3A_277 = arith.select %parallel_loop3A_275, %parallel_loop3A_249, %parallel_loop3A_243 : vector<16xi1>, vector<16xi32>
      %parallel_loop3A_278 = arith.index_cast %parallel_loop3A_231 : i32 to index
      %parallel_loop3A_279 = arith.constant 64 : index
      %parallel_loop3A_280 = tpu.vector_load %arg6[%parallel_loop3A_278, %parallel_loop3A_279] {strides = array<i32>} : memref<184x128xf32, #tpu.memory_space<vmem>>, vector<1x16xf32>,
      %parallel_loop3A_281 = vector.shape_cast %parallel_loop3A_280 : vector<1x16xf32> to vector<16xf32>
      %parallel_loop3A_282 = arith.cmpf ogt, %parallel_loop3A_281, %parallel_loop3A_236 : vector<16xf32>
      %parallel_loop3A_283 = arith.select %parallel_loop3A_282, %parallel_loop3A_281, %parallel_loop3A_236 : vector<16xi1>, vector<16xf32>
      %parallel_loop3A_284 = arith.select %parallel_loop3A_282, %parallel_loop3A_249, %parallel_loop3A_244 : vector<16xi1>, vector<16xi32>
      %parallel_loop3A_285 = arith.index_cast %parallel_loop3A_231 : i32 to index
      %parallel_loop3A_286 = arith.constant 80 : index
      %parallel_loop3A_287 = tpu.vector_load %arg6[%parallel_loop3A_285, %parallel_loop3A_286] {strides = array<i32>} : memref<184x128xf32, #tpu.memory_space<vmem>>, vector<1x16xf32>,
      %parallel_loop3A_288 = vector.shape_cast %parallel_loop3A_287 : vector<1x16xf32> to vector<16xf32>
      %parallel_loop3A_289 = arith.cmpf ogt, %parallel_loop3A_288, %parallel_loop3A_237 : vector<16xf32>
      %parallel_loop3A_290 = arith.select %parallel_loop3A_289, %parallel_loop3A_288, %parallel_loop3A_237 : vector<16xi1>, vector<16xf32>
      %parallel_loop3A_291 = arith.select %parallel_loop3A_289, %parallel_loop3A_249, %parallel_loop3A_245 : vector<16xi1>, vector<16xi32>
      %parallel_loop3A_292 = arith.index_cast %parallel_loop3A_231 : i32 to index
      %parallel_loop3A_293 = arith.constant 96 : index
      %parallel_loop3A_294 = tpu.vector_load %arg6[%parallel_loop3A_292, %parallel_loop3A_293] {strides = array<i32>} : memref<184x128xf32, #tpu.memory_space<vmem>>, vector<1x16xf32>,
      %parallel_loop3A_295 = vector.shape_cast %parallel_loop3A_294 : vector<1x16xf32> to vector<16xf32>
      %parallel_loop3A_296 = arith.cmpf ogt, %parallel_loop3A_295, %parallel_loop3A_238 : vector<16xf32>
      %parallel_loop3A_297 = arith.select %parallel_loop3A_296, %parallel_loop3A_295, %parallel_loop3A_238 : vector<16xi1>, vector<16xf32>
      %parallel_loop3A_298 = arith.select %parallel_loop3A_296, %parallel_loop3A_249, %parallel_loop3A_246 : vector<16xi1>, vector<16xi32>
      %parallel_loop3A_299 = arith.index_cast %parallel_loop3A_231 : i32 to index
      %parallel_loop3A_300 = arith.constant 112 : index
      %parallel_loop3A_301 = tpu.vector_load %arg6[%parallel_loop3A_299, %parallel_loop3A_300] {strides = array<i32>} : memref<184x128xf32, #tpu.memory_space<vmem>>, vector<1x16xf32>,
      %parallel_loop3A_302 = vector.shape_cast %parallel_loop3A_301 : vector<1x16xf32> to vector<16xf32>
      %parallel_loop3A_303 = arith.cmpf ogt, %parallel_loop3A_302, %parallel_loop3A_239 : vector<16xf32>
      %parallel_loop3A_304 = arith.select %parallel_loop3A_303, %parallel_loop3A_302, %parallel_loop3A_239 : vector<16xi1>, vector<16xf32>
      %parallel_loop3A_305 = arith.select %parallel_loop3A_303, %parallel_loop3A_249, %parallel_loop3A_247 : vector<16xi1>, vector<16xi32>
      scf.yield %parallel_loop3A_255, %parallel_loop3A_262, %parallel_loop3A_269, %parallel_loop3A_276, %parallel_loop3A_283, %parallel_loop3A_290, %parallel_loop3A_297, %parallel_loop3A_304, %parallel_loop3A_256, %parallel_loop3A_263, %parallel_loop3A_270, %parallel_loop3A_277, %parallel_loop3A_284, %parallel_loop3A_291, %parallel_loop3A_298, %parallel_loop3A_305 : vector<16xf32>, vector<16xf32>, vector<16xf32>, vector<16xf32>, vector<16xf32>, vector<16xf32>, vector<16xf32>, vector<16xf32>, vector<16xi32>, vector<16xi32>, vector<16xi32>, vector<16xi32>, vector<16xi32>, vector<16xi32>, vector<16xi32>, vector<16xi32>
    } {sc.loop_unroll_factor = 2 : i64, sc.parallel_access}
    %add3A_136 = arith.constant 1288 : i32
    %add3A_137 = arith.addi %multiple_of3A, %add3A_136 : i32
    %dma_start3A_138 = arith.constant 0 : i32
    %dma_start3A_139 = tpu.memref_slice %arg2[%add3A_137, %dma_start3A_138] : memref<100000x128xf32, #tpu.memory_space<hbm>> -> memref<184x128xf32, #tpu.memory_space<hbm>>
    %dma_start3A_140 = arith.constant 0 : i32
    %dma_start3A_141 = tpu.memref_slice %arg2[%add3A_137, %dma_start3A_140] : memref<100000x128xf32, #tpu.memory_space<hbm>> -> memref<184x128xf32, #tpu.memory_space<hbm>>
    tpu.enqueue_dma source(%dma_start3A_141 : memref<184x128xf32, #tpu.memory_space<hbm>>) target(%arg6 : memref<184x128xf32, #tpu.memory_space<vmem>>) target_semaphore(%arg16 : memref<!tpu.dma_semaphore, #tpu.memory_space<semaphore_mem>>)
    %dma_wait3A_142 = arith.constant 0 : i32
    %dma_wait3A_143 = tpu.memref_slice %arg2[%add3A_121, %dma_wait3A_142] : memref<100000x128xf32, #tpu.memory_space<hbm>> -> memref<184x128xf32, #tpu.memory_space<hbm>>
    %dma_wait3A_144 = arith.constant 0 : i32
    %dma_wait3A_145 = tpu.memref_slice %arg2[%add3A_121, %dma_wait3A_144] : memref<100000x128xf32, #tpu.memory_space<hbm>> -> memref<184x128xf32, #tpu.memory_space<hbm>>
    tpu.wait_dma2 semaphore(%arg15 : memref<!tpu.dma_semaphore, #tpu.memory_space<semaphore_mem>>) src(%dma_wait3A_145 : memref<184x128xf32, #tpu.memory_space<hbm>>) dst(%arg5 : memref<184x128xf32, #tpu.memory_space<vmem>>)
    %add3A_146 = arith.constant 1104 : i32
    %add3A_147 = arith.addi %multiple_of3A, %add3A_146 : i32
    %parallel_loop3A_148 = arith.constant 0 : i32
    %parallel_loop3A_149 = arith.constant 184 : i32
    %parallel_loop3A_150 = arith.constant 1 : i32
    %parallel_loop3A_151:16 = scf.for %parallel_loop3A_231 = %parallel_loop3A_148 to %parallel_loop3A_149 step %parallel_loop3A_150 iter_args(%parallel_loop3A_232 = %parallel_loop3A_135#0, %parallel_loop3A_233 = %parallel_loop3A_135#1, %parallel_loop3A_234 = %parallel_loop3A_135#2, %parallel_loop3A_235 = %parallel_loop3A_135#3, %parallel_loop3A_236 = %parallel_loop3A_135#4, %parallel_loop3A_237 = %parallel_loop3A_135#5, %parallel_loop3A_238 = %parallel_loop3A_135#6, %parallel_loop3A_239 = %parallel_loop3A_135#7, %parallel_loop3A_240 = %parallel_loop3A_135#8, %parallel_loop3A_241 = %parallel_loop3A_135#9, %parallel_loop3A_242 = %parallel_loop3A_135#10, %parallel_loop3A_243 = %parallel_loop3A_135#11, %parallel_loop3A_244 = %parallel_loop3A_135#12, %parallel_loop3A_245 = %parallel_loop3A_135#13, %parallel_loop3A_246 = %parallel_loop3A_135#14, %parallel_loop3A_247 = %parallel_loop3A_135#15) -> (vector<16xf32>, vector<16xf32>, vector<16xf32>, vector<16xf32>, vector<16xf32>, vector<16xf32>, vector<16xf32>, vector<16xf32>, vector<16xi32>, vector<16xi32>, vector<16xi32>, vector<16xi32>, vector<16xi32>, vector<16xi32>, vector<16xi32>, vector<16xi32>)  : i32 {
      %parallel_loop3A_248 = arith.addi %add3A_147, %parallel_loop3A_231 : i32
      %parallel_loop3A_249 = vector.broadcast %parallel_loop3A_248 : i32 to vector<16xi32>
      %parallel_loop3A_250 = arith.index_cast %parallel_loop3A_231 : i32 to index
      %parallel_loop3A_251 = arith.constant 0 : index
      %parallel_loop3A_252 = tpu.vector_load %arg5[%parallel_loop3A_250, %parallel_loop3A_251] {strides = array<i32>} : memref<184x128xf32, #tpu.memory_space<vmem>>, vector<1x16xf32>,
      %parallel_loop3A_253 = vector.shape_cast %parallel_loop3A_252 : vector<1x16xf32> to vector<16xf32>
      %parallel_loop3A_254 = arith.cmpf ogt, %parallel_loop3A_253, %parallel_loop3A_232 : vector<16xf32>
      %parallel_loop3A_255 = arith.select %parallel_loop3A_254, %parallel_loop3A_253, %parallel_loop3A_232 : vector<16xi1>, vector<16xf32>
      %parallel_loop3A_256 = arith.select %parallel_loop3A_254, %parallel_loop3A_249, %parallel_loop3A_240 : vector<16xi1>, vector<16xi32>
      %parallel_loop3A_257 = arith.index_cast %parallel_loop3A_231 : i32 to index
      %parallel_loop3A_258 = arith.constant 16 : index
      %parallel_loop3A_259 = tpu.vector_load %arg5[%parallel_loop3A_257, %parallel_loop3A_258] {strides = array<i32>} : memref<184x128xf32, #tpu.memory_space<vmem>>, vector<1x16xf32>,
      %parallel_loop3A_260 = vector.shape_cast %parallel_loop3A_259 : vector<1x16xf32> to vector<16xf32>
      %parallel_loop3A_261 = arith.cmpf ogt, %parallel_loop3A_260, %parallel_loop3A_233 : vector<16xf32>
      %parallel_loop3A_262 = arith.select %parallel_loop3A_261, %parallel_loop3A_260, %parallel_loop3A_233 : vector<16xi1>, vector<16xf32>
      %parallel_loop3A_263 = arith.select %parallel_loop3A_261, %parallel_loop3A_249, %parallel_loop3A_241 : vector<16xi1>, vector<16xi32>
      %parallel_loop3A_264 = arith.index_cast %parallel_loop3A_231 : i32 to index
      %parallel_loop3A_265 = arith.constant 32 : index
      %parallel_loop3A_266 = tpu.vector_load %arg5[%parallel_loop3A_264, %parallel_loop3A_265] {strides = array<i32>} : memref<184x128xf32, #tpu.memory_space<vmem>>, vector<1x16xf32>,
      %parallel_loop3A_267 = vector.shape_cast %parallel_loop3A_266 : vector<1x16xf32> to vector<16xf32>
      %parallel_loop3A_268 = arith.cmpf ogt, %parallel_loop3A_267, %parallel_loop3A_234 : vector<16xf32>
      %parallel_loop3A_269 = arith.select %parallel_loop3A_268, %parallel_loop3A_267, %parallel_loop3A_234 : vector<16xi1>, vector<16xf32>
      %parallel_loop3A_270 = arith.select %parallel_loop3A_268, %parallel_loop3A_249, %parallel_loop3A_242 : vector<16xi1>, vector<16xi32>
      %parallel_loop3A_271 = arith.index_cast %parallel_loop3A_231 : i32 to index
      %parallel_loop3A_272 = arith.constant 48 : index
      %parallel_loop3A_273 = tpu.vector_load %arg5[%parallel_loop3A_271, %parallel_loop3A_272] {strides = array<i32>} : memref<184x128xf32, #tpu.memory_space<vmem>>, vector<1x16xf32>,
      %parallel_loop3A_274 = vector.shape_cast %parallel_loop3A_273 : vector<1x16xf32> to vector<16xf32>
      %parallel_loop3A_275 = arith.cmpf ogt, %parallel_loop3A_274, %parallel_loop3A_235 : vector<16xf32>
      %parallel_loop3A_276 = arith.select %parallel_loop3A_275, %parallel_loop3A_274, %parallel_loop3A_235 : vector<16xi1>, vector<16xf32>
      %parallel_loop3A_277 = arith.select %parallel_loop3A_275, %parallel_loop3A_249, %parallel_loop3A_243 : vector<16xi1>, vector<16xi32>
      %parallel_loop3A_278 = arith.index_cast %parallel_loop3A_231 : i32 to index
      %parallel_loop3A_279 = arith.constant 64 : index
      %parallel_loop3A_280 = tpu.vector_load %arg5[%parallel_loop3A_278, %parallel_loop3A_279] {strides = array<i32>} : memref<184x128xf32, #tpu.memory_space<vmem>>, vector<1x16xf32>,
      %parallel_loop3A_281 = vector.shape_cast %parallel_loop3A_280 : vector<1x16xf32> to vector<16xf32>
      %parallel_loop3A_282 = arith.cmpf ogt, %parallel_loop3A_281, %parallel_loop3A_236 : vector<16xf32>
      %parallel_loop3A_283 = arith.select %parallel_loop3A_282, %parallel_loop3A_281, %parallel_loop3A_236 : vector<16xi1>, vector<16xf32>
      %parallel_loop3A_284 = arith.select %parallel_loop3A_282, %parallel_loop3A_249, %parallel_loop3A_244 : vector<16xi1>, vector<16xi32>
      %parallel_loop3A_285 = arith.index_cast %parallel_loop3A_231 : i32 to index
      %parallel_loop3A_286 = arith.constant 80 : index
      %parallel_loop3A_287 = tpu.vector_load %arg5[%parallel_loop3A_285, %parallel_loop3A_286] {strides = array<i32>} : memref<184x128xf32, #tpu.memory_space<vmem>>, vector<1x16xf32>,
      %parallel_loop3A_288 = vector.shape_cast %parallel_loop3A_287 : vector<1x16xf32> to vector<16xf32>
      %parallel_loop3A_289 = arith.cmpf ogt, %parallel_loop3A_288, %parallel_loop3A_237 : vector<16xf32>
      %parallel_loop3A_290 = arith.select %parallel_loop3A_289, %parallel_loop3A_288, %parallel_loop3A_237 : vector<16xi1>, vector<16xf32>
      %parallel_loop3A_291 = arith.select %parallel_loop3A_289, %parallel_loop3A_249, %parallel_loop3A_245 : vector<16xi1>, vector<16xi32>
      %parallel_loop3A_292 = arith.index_cast %parallel_loop3A_231 : i32 to index
      %parallel_loop3A_293 = arith.constant 96 : index
      %parallel_loop3A_294 = tpu.vector_load %arg5[%parallel_loop3A_292, %parallel_loop3A_293] {strides = array<i32>} : memref<184x128xf32, #tpu.memory_space<vmem>>, vector<1x16xf32>,
      %parallel_loop3A_295 = vector.shape_cast %parallel_loop3A_294 : vector<1x16xf32> to vector<16xf32>
      %parallel_loop3A_296 = arith.cmpf ogt, %parallel_loop3A_295, %parallel_loop3A_238 : vector<16xf32>
      %parallel_loop3A_297 = arith.select %parallel_loop3A_296, %parallel_loop3A_295, %parallel_loop3A_238 : vector<16xi1>, vector<16xf32>
      %parallel_loop3A_298 = arith.select %parallel_loop3A_296, %parallel_loop3A_249, %parallel_loop3A_246 : vector<16xi1>, vector<16xi32>
      %parallel_loop3A_299 = arith.index_cast %parallel_loop3A_231 : i32 to index
      %parallel_loop3A_300 = arith.constant 112 : index
      %parallel_loop3A_301 = tpu.vector_load %arg5[%parallel_loop3A_299, %parallel_loop3A_300] {strides = array<i32>} : memref<184x128xf32, #tpu.memory_space<vmem>>, vector<1x16xf32>,
      %parallel_loop3A_302 = vector.shape_cast %parallel_loop3A_301 : vector<1x16xf32> to vector<16xf32>
      %parallel_loop3A_303 = arith.cmpf ogt, %parallel_loop3A_302, %parallel_loop3A_239 : vector<16xf32>
      %parallel_loop3A_304 = arith.select %parallel_loop3A_303, %parallel_loop3A_302, %parallel_loop3A_239 : vector<16xi1>, vector<16xf32>
      %parallel_loop3A_305 = arith.select %parallel_loop3A_303, %parallel_loop3A_249, %parallel_loop3A_247 : vector<16xi1>, vector<16xi32>
      scf.yield %parallel_loop3A_255, %parallel_loop3A_262, %parallel_loop3A_269, %parallel_loop3A_276, %parallel_loop3A_283, %parallel_loop3A_290, %parallel_loop3A_297, %parallel_loop3A_304, %parallel_loop3A_256, %parallel_loop3A_263, %parallel_loop3A_270, %parallel_loop3A_277, %parallel_loop3A_284, %parallel_loop3A_291, %parallel_loop3A_298, %parallel_loop3A_305 : vector<16xf32>, vector<16xf32>, vector<16xf32>, vector<16xf32>, vector<16xf32>, vector<16xf32>, vector<16xf32>, vector<16xf32>, vector<16xi32>, vector<16xi32>, vector<16xi32>, vector<16xi32>, vector<16xi32>, vector<16xi32>, vector<16xi32>, vector<16xi32>
    } {sc.loop_unroll_factor = 2 : i64, sc.parallel_access}
    %dma_wait3A_152 = arith.constant 0 : i32
    %dma_wait3A_153 = tpu.memref_slice %arg2[%add3A_137, %dma_wait3A_152] : memref<100000x128xf32, #tpu.memory_space<hbm>> -> memref<184x128xf32, #tpu.memory_space<hbm>>
    %dma_wait3A_154 = arith.constant 0 : i32
    %dma_wait3A_155 = tpu.memref_slice %arg2[%add3A_137, %dma_wait3A_154] : memref<100000x128xf32, #tpu.memory_space<hbm>> -> memref<184x128xf32, #tpu.memory_space<hbm>>
    tpu.wait_dma2 semaphore(%arg16 : memref<!tpu.dma_semaphore, #tpu.memory_space<semaphore_mem>>) src(%dma_wait3A_155 : memref<184x128xf32, #tpu.memory_space<hbm>>) dst(%arg6 : memref<184x128xf32, #tpu.memory_space<vmem>>)
    %add3A_156 = arith.constant 1288 : i32
    %add3A_157 = arith.addi %multiple_of3A, %add3A_156 : i32
    %parallel_loop3A_158 = arith.constant 0 : i32
    %parallel_loop3A_159 = arith.constant 184 : i32
    %parallel_loop3A_160 = arith.constant 1 : i32
    %parallel_loop3A_161:16 = scf.for %parallel_loop3A_231 = %parallel_loop3A_158 to %parallel_loop3A_159 step %parallel_loop3A_160 iter_args(%parallel_loop3A_232 = %parallel_loop3A_151#0, %parallel_loop3A_233 = %parallel_loop3A_151#1, %parallel_loop3A_234 = %parallel_loop3A_151#2, %parallel_loop3A_235 = %parallel_loop3A_151#3, %parallel_loop3A_236 = %parallel_loop3A_151#4, %parallel_loop3A_237 = %parallel_loop3A_151#5, %parallel_loop3A_238 = %parallel_loop3A_151#6, %parallel_loop3A_239 = %parallel_loop3A_151#7, %parallel_loop3A_240 = %parallel_loop3A_151#8, %parallel_loop3A_241 = %parallel_loop3A_151#9, %parallel_loop3A_242 = %parallel_loop3A_151#10, %parallel_loop3A_243 = %parallel_loop3A_151#11, %parallel_loop3A_244 = %parallel_loop3A_151#12, %parallel_loop3A_245 = %parallel_loop3A_151#13, %parallel_loop3A_246 = %parallel_loop3A_151#14, %parallel_loop3A_247 = %parallel_loop3A_151#15) -> (vector<16xf32>, vector<16xf32>, vector<16xf32>, vector<16xf32>, vector<16xf32>, vector<16xf32>, vector<16xf32>, vector<16xf32>, vector<16xi32>, vector<16xi32>, vector<16xi32>, vector<16xi32>, vector<16xi32>, vector<16xi32>, vector<16xi32>, vector<16xi32>)  : i32 {
      %parallel_loop3A_248 = arith.addi %add3A_157, %parallel_loop3A_231 : i32
      %parallel_loop3A_249 = vector.broadcast %parallel_loop3A_248 : i32 to vector<16xi32>
      %parallel_loop3A_250 = arith.index_cast %parallel_loop3A_231 : i32 to index
      %parallel_loop3A_251 = arith.constant 0 : index
      %parallel_loop3A_252 = tpu.vector_load %arg6[%parallel_loop3A_250, %parallel_loop3A_251] {strides = array<i32>} : memref<184x128xf32, #tpu.memory_space<vmem>>, vector<1x16xf32>,
      %parallel_loop3A_253 = vector.shape_cast %parallel_loop3A_252 : vector<1x16xf32> to vector<16xf32>
      %parallel_loop3A_254 = arith.cmpf ogt, %parallel_loop3A_253, %parallel_loop3A_232 : vector<16xf32>
      %parallel_loop3A_255 = arith.select %parallel_loop3A_254, %parallel_loop3A_253, %parallel_loop3A_232 : vector<16xi1>, vector<16xf32>
      %parallel_loop3A_256 = arith.select %parallel_loop3A_254, %parallel_loop3A_249, %parallel_loop3A_240 : vector<16xi1>, vector<16xi32>
      %parallel_loop3A_257 = arith.index_cast %parallel_loop3A_231 : i32 to index
      %parallel_loop3A_258 = arith.constant 16 : index
      %parallel_loop3A_259 = tpu.vector_load %arg6[%parallel_loop3A_257, %parallel_loop3A_258] {strides = array<i32>} : memref<184x128xf32, #tpu.memory_space<vmem>>, vector<1x16xf32>,
      %parallel_loop3A_260 = vector.shape_cast %parallel_loop3A_259 : vector<1x16xf32> to vector<16xf32>
      %parallel_loop3A_261 = arith.cmpf ogt, %parallel_loop3A_260, %parallel_loop3A_233 : vector<16xf32>
      %parallel_loop3A_262 = arith.select %parallel_loop3A_261, %parallel_loop3A_260, %parallel_loop3A_233 : vector<16xi1>, vector<16xf32>
      %parallel_loop3A_263 = arith.select %parallel_loop3A_261, %parallel_loop3A_249, %parallel_loop3A_241 : vector<16xi1>, vector<16xi32>
      %parallel_loop3A_264 = arith.index_cast %parallel_loop3A_231 : i32 to index
      %parallel_loop3A_265 = arith.constant 32 : index
      %parallel_loop3A_266 = tpu.vector_load %arg6[%parallel_loop3A_264, %parallel_loop3A_265] {strides = array<i32>} : memref<184x128xf32, #tpu.memory_space<vmem>>, vector<1x16xf32>,
      %parallel_loop3A_267 = vector.shape_cast %parallel_loop3A_266 : vector<1x16xf32> to vector<16xf32>
      %parallel_loop3A_268 = arith.cmpf ogt, %parallel_loop3A_267, %parallel_loop3A_234 : vector<16xf32>
      %parallel_loop3A_269 = arith.select %parallel_loop3A_268, %parallel_loop3A_267, %parallel_loop3A_234 : vector<16xi1>, vector<16xf32>
      %parallel_loop3A_270 = arith.select %parallel_loop3A_268, %parallel_loop3A_249, %parallel_loop3A_242 : vector<16xi1>, vector<16xi32>
      %parallel_loop3A_271 = arith.index_cast %parallel_loop3A_231 : i32 to index
      %parallel_loop3A_272 = arith.constant 48 : index
      %parallel_loop3A_273 = tpu.vector_load %arg6[%parallel_loop3A_271, %parallel_loop3A_272] {strides = array<i32>} : memref<184x128xf32, #tpu.memory_space<vmem>>, vector<1x16xf32>,
      %parallel_loop3A_274 = vector.shape_cast %parallel_loop3A_273 : vector<1x16xf32> to vector<16xf32>
      %parallel_loop3A_275 = arith.cmpf ogt, %parallel_loop3A_274, %parallel_loop3A_235 : vector<16xf32>
      %parallel_loop3A_276 = arith.select %parallel_loop3A_275, %parallel_loop3A_274, %parallel_loop3A_235 : vector<16xi1>, vector<16xf32>
      %parallel_loop3A_277 = arith.select %parallel_loop3A_275, %parallel_loop3A_249, %parallel_loop3A_243 : vector<16xi1>, vector<16xi32>
      %parallel_loop3A_278 = arith.index_cast %parallel_loop3A_231 : i32 to index
      %parallel_loop3A_279 = arith.constant 64 : index
      %parallel_loop3A_280 = tpu.vector_load %arg6[%parallel_loop3A_278, %parallel_loop3A_279] {strides = array<i32>} : memref<184x128xf32, #tpu.memory_space<vmem>>, vector<1x16xf32>,
      %parallel_loop3A_281 = vector.shape_cast %parallel_loop3A_280 : vector<1x16xf32> to vector<16xf32>
      %parallel_loop3A_282 = arith.cmpf ogt, %parallel_loop3A_281, %parallel_loop3A_236 : vector<16xf32>
      %parallel_loop3A_283 = arith.select %parallel_loop3A_282, %parallel_loop3A_281, %parallel_loop3A_236 : vector<16xi1>, vector<16xf32>
      %parallel_loop3A_284 = arith.select %parallel_loop3A_282, %parallel_loop3A_249, %parallel_loop3A_244 : vector<16xi1>, vector<16xi32>
      %parallel_loop3A_285 = arith.index_cast %parallel_loop3A_231 : i32 to index
      %parallel_loop3A_286 = arith.constant 80 : index
      %parallel_loop3A_287 = tpu.vector_load %arg6[%parallel_loop3A_285, %parallel_loop3A_286] {strides = array<i32>} : memref<184x128xf32, #tpu.memory_space<vmem>>, vector<1x16xf32>,
      %parallel_loop3A_288 = vector.shape_cast %parallel_loop3A_287 : vector<1x16xf32> to vector<16xf32>
      %parallel_loop3A_289 = arith.cmpf ogt, %parallel_loop3A_288, %parallel_loop3A_237 : vector<16xf32>
      %parallel_loop3A_290 = arith.select %parallel_loop3A_289, %parallel_loop3A_288, %parallel_loop3A_237 : vector<16xi1>, vector<16xf32>
      %parallel_loop3A_291 = arith.select %parallel_loop3A_289, %parallel_loop3A_249, %parallel_loop3A_245 : vector<16xi1>, vector<16xi32>
      %parallel_loop3A_292 = arith.index_cast %parallel_loop3A_231 : i32 to index
      %parallel_loop3A_293 = arith.constant 96 : index
      %parallel_loop3A_294 = tpu.vector_load %arg6[%parallel_loop3A_292, %parallel_loop3A_293] {strides = array<i32>} : memref<184x128xf32, #tpu.memory_space<vmem>>, vector<1x16xf32>,
      %parallel_loop3A_295 = vector.shape_cast %parallel_loop3A_294 : vector<1x16xf32> to vector<16xf32>
      %parallel_loop3A_296 = arith.cmpf ogt, %parallel_loop3A_295, %parallel_loop3A_238 : vector<16xf32>
      %parallel_loop3A_297 = arith.select %parallel_loop3A_296, %parallel_loop3A_295, %parallel_loop3A_238 : vector<16xi1>, vector<16xf32>
      %parallel_loop3A_298 = arith.select %parallel_loop3A_296, %parallel_loop3A_249, %parallel_loop3A_246 : vector<16xi1>, vector<16xi32>
      %parallel_loop3A_299 = arith.index_cast %parallel_loop3A_231 : i32 to index
      %parallel_loop3A_300 = arith.constant 112 : index
      %parallel_loop3A_301 = tpu.vector_load %arg6[%parallel_loop3A_299, %parallel_loop3A_300] {strides = array<i32>} : memref<184x128xf32, #tpu.memory_space<vmem>>, vector<1x16xf32>,
      %parallel_loop3A_302 = vector.shape_cast %parallel_loop3A_301 : vector<1x16xf32> to vector<16xf32>
      %parallel_loop3A_303 = arith.cmpf ogt, %parallel_loop3A_302, %parallel_loop3A_239 : vector<16xf32>
      %parallel_loop3A_304 = arith.select %parallel_loop3A_303, %parallel_loop3A_302, %parallel_loop3A_239 : vector<16xi1>, vector<16xf32>
      %parallel_loop3A_305 = arith.select %parallel_loop3A_303, %parallel_loop3A_249, %parallel_loop3A_247 : vector<16xi1>, vector<16xi32>
      scf.yield %parallel_loop3A_255, %parallel_loop3A_262, %parallel_loop3A_269, %parallel_loop3A_276, %parallel_loop3A_283, %parallel_loop3A_290, %parallel_loop3A_297, %parallel_loop3A_304, %parallel_loop3A_256, %parallel_loop3A_263, %parallel_loop3A_270, %parallel_loop3A_277, %parallel_loop3A_284, %parallel_loop3A_291, %parallel_loop3A_298, %parallel_loop3A_305 : vector<16xf32>, vector<16xf32>, vector<16xf32>, vector<16xf32>, vector<16xf32>, vector<16xf32>, vector<16xf32>, vector<16xf32>, vector<16xi32>, vector<16xi32>, vector<16xi32>, vector<16xi32>, vector<16xi32>, vector<16xi32>, vector<16xi32>, vector<16xi32>
    } {sc.loop_unroll_factor = 2 : i64, sc.parallel_access}
    %swap3A = arith.constant 0 : index
    %swap3A_162 = tpu.vector_load %arg7[%swap3A] {strides = array<i32>} : memref<128xf32, #tpu.memory_space<vmem>>, vector<16xf32>,
    %swap3A_163 = vector.shape_cast %swap3A_162 : vector<16xf32> to vector<16xf32>
    %swap3A_164 = vector.shape_cast %parallel_loop3A_161#0 : vector<16xf32> to vector<16xf32>
    tpu.vector_store %arg7[%swap3A], %swap3A_164 {strides = array<i32>} : memref<128xf32, #tpu.memory_space<vmem>>, vector<16xf32>,
    %swap3A_165 = arith.constant 0 : index
    %swap3A_166 = tpu.vector_load %arg8[%swap3A_165] {strides = array<i32>} : memref<128xi32, #tpu.memory_space<vmem>>, vector<16xi32>,
    %swap3A_167 = vector.shape_cast %swap3A_166 : vector<16xi32> to vector<16xi32>
    %swap3A_168 = vector.shape_cast %parallel_loop3A_161#8 : vector<16xi32> to vector<16xi32>
    tpu.vector_store %arg8[%swap3A_165], %swap3A_168 {strides = array<i32>} : memref<128xi32, #tpu.memory_space<vmem>>, vector<16xi32>,
    %swap3A_169 = arith.constant 16 : index
    %swap3A_170 = tpu.vector_load %arg7[%swap3A_169] {strides = array<i32>} : memref<128xf32, #tpu.memory_space<vmem>>, vector<16xf32>,
    %swap3A_171 = vector.shape_cast %swap3A_170 : vector<16xf32> to vector<16xf32>
    %swap3A_172 = vector.shape_cast %parallel_loop3A_161#1 : vector<16xf32> to vector<16xf32>
    tpu.vector_store %arg7[%swap3A_169], %swap3A_172 {strides = array<i32>} : memref<128xf32, #tpu.memory_space<vmem>>, vector<16xf32>,
    %swap3A_173 = arith.constant 16 : index
    %swap3A_174 = tpu.vector_load %arg8[%swap3A_173] {strides = array<i32>} : memref<128xi32, #tpu.memory_space<vmem>>, vector<16xi32>,
    %swap3A_175 = vector.shape_cast %swap3A_174 : vector<16xi32> to vector<16xi32>
    %swap3A_176 = vector.shape_cast %parallel_loop3A_161#9 : vector<16xi32> to vector<16xi32>
    tpu.vector_store %arg8[%swap3A_173], %swap3A_176 {strides = array<i32>} : memref<128xi32, #tpu.memory_space<vmem>>, vector<16xi32>,
    %swap3A_177 = arith.constant 32 : index
    %swap3A_178 = tpu.vector_load %arg7[%swap3A_177] {strides = array<i32>} : memref<128xf32, #tpu.memory_space<vmem>>, vector<16xf32>,
    %swap3A_179 = vector.shape_cast %swap3A_178 : vector<16xf32> to vector<16xf32>
    %swap3A_180 = vector.shape_cast %parallel_loop3A_161#2 : vector<16xf32> to vector<16xf32>
    tpu.vector_store %arg7[%swap3A_177], %swap3A_180 {strides = array<i32>} : memref<128xf32, #tpu.memory_space<vmem>>, vector<16xf32>,
    %swap3A_181 = arith.constant 32 : index
    %swap3A_182 = tpu.vector_load %arg8[%swap3A_181] {strides = array<i32>} : memref<128xi32, #tpu.memory_space<vmem>>, vector<16xi32>,
    %swap3A_183 = vector.shape_cast %swap3A_182 : vector<16xi32> to vector<16xi32>
    %swap3A_184 = vector.shape_cast %parallel_loop3A_161#10 : vector<16xi32> to vector<16xi32>
    tpu.vector_store %arg8[%swap3A_181], %swap3A_184 {strides = array<i32>} : memref<128xi32, #tpu.memory_space<vmem>>, vector<16xi32>,
    %swap3A_185 = arith.constant 48 : index
    %swap3A_186 = tpu.vector_load %arg7[%swap3A_185] {strides = array<i32>} : memref<128xf32, #tpu.memory_space<vmem>>, vector<16xf32>,
    %swap3A_187 = vector.shape_cast %swap3A_186 : vector<16xf32> to vector<16xf32>
    %swap3A_188 = vector.shape_cast %parallel_loop3A_161#3 : vector<16xf32> to vector<16xf32>
    tpu.vector_store %arg7[%swap3A_185], %swap3A_188 {strides = array<i32>} : memref<128xf32, #tpu.memory_space<vmem>>, vector<16xf32>,
    %swap3A_189 = arith.constant 48 : index
    %swap3A_190 = tpu.vector_load %arg8[%swap3A_189] {strides = array<i32>} : memref<128xi32, #tpu.memory_space<vmem>>, vector<16xi32>,
    %swap3A_191 = vector.shape_cast %swap3A_190 : vector<16xi32> to vector<16xi32>
    %swap3A_192 = vector.shape_cast %parallel_loop3A_161#11 : vector<16xi32> to vector<16xi32>
    tpu.vector_store %arg8[%swap3A_189], %swap3A_192 {strides = array<i32>} : memref<128xi32, #tpu.memory_space<vmem>>, vector<16xi32>,
    %swap3A_193 = arith.constant 64 : index
    %swap3A_194 = tpu.vector_load %arg7[%swap3A_193] {strides = array<i32>} : memref<128xf32, #tpu.memory_space<vmem>>, vector<16xf32>,
    %swap3A_195 = vector.shape_cast %swap3A_194 : vector<16xf32> to vector<16xf32>
    %swap3A_196 = vector.shape_cast %parallel_loop3A_161#4 : vector<16xf32> to vector<16xf32>
    tpu.vector_store %arg7[%swap3A_193], %swap3A_196 {strides = array<i32>} : memref<128xf32, #tpu.memory_space<vmem>>, vector<16xf32>,
    %swap3A_197 = arith.constant 64 : index
    %swap3A_198 = tpu.vector_load %arg8[%swap3A_197] {strides = array<i32>} : memref<128xi32, #tpu.memory_space<vmem>>, vector<16xi32>,
    %swap3A_199 = vector.shape_cast %swap3A_198 : vector<16xi32> to vector<16xi32>
    %swap3A_200 = vector.shape_cast %parallel_loop3A_161#12 : vector<16xi32> to vector<16xi32>
    tpu.vector_store %arg8[%swap3A_197], %swap3A_200 {strides = array<i32>} : memref<128xi32, #tpu.memory_space<vmem>>, vector<16xi32>,
    %swap3A_201 = arith.constant 80 : index
    %swap3A_202 = tpu.vector_load %arg7[%swap3A_201] {strides = array<i32>} : memref<128xf32, #tpu.memory_space<vmem>>, vector<16xf32>,
    %swap3A_203 = vector.shape_cast %swap3A_202 : vector<16xf32> to vector<16xf32>
    %swap3A_204 = vector.shape_cast %parallel_loop3A_161#5 : vector<16xf32> to vector<16xf32>
    tpu.vector_store %arg7[%swap3A_201], %swap3A_204 {strides = array<i32>} : memref<128xf32, #tpu.memory_space<vmem>>, vector<16xf32>,
    %swap3A_205 = arith.constant 80 : index
    %swap3A_206 = tpu.vector_load %arg8[%swap3A_205] {strides = array<i32>} : memref<128xi32, #tpu.memory_space<vmem>>, vector<16xi32>,
    %swap3A_207 = vector.shape_cast %swap3A_206 : vector<16xi32> to vector<16xi32>
    %swap3A_208 = vector.shape_cast %parallel_loop3A_161#13 : vector<16xi32> to vector<16xi32>
    tpu.vector_store %arg8[%swap3A_205], %swap3A_208 {strides = array<i32>} : memref<128xi32, #tpu.memory_space<vmem>>, vector<16xi32>,
    %swap3A_209 = arith.constant 96 : index
    %swap3A_210 = tpu.vector_load %arg7[%swap3A_209] {strides = array<i32>} : memref<128xf32, #tpu.memory_space<vmem>>, vector<16xf32>,
    %swap3A_211 = vector.shape_cast %swap3A_210 : vector<16xf32> to vector<16xf32>
    %swap3A_212 = vector.shape_cast %parallel_loop3A_161#6 : vector<16xf32> to vector<16xf32>
    tpu.vector_store %arg7[%swap3A_209], %swap3A_212 {strides = array<i32>} : memref<128xf32, #tpu.memory_space<vmem>>, vector<16xf32>,
    %swap3A_213 = arith.constant 96 : index
    %swap3A_214 = tpu.vector_load %arg8[%swap3A_213] {strides = array<i32>} : memref<128xi32, #tpu.memory_space<vmem>>, vector<16xi32>,
    %swap3A_215 = vector.shape_cast %swap3A_214 : vector<16xi32> to vector<16xi32>
    %swap3A_216 = vector.shape_cast %parallel_loop3A_161#14 : vector<16xi32> to vector<16xi32>
    tpu.vector_store %arg8[%swap3A_213], %swap3A_216 {strides = array<i32>} : memref<128xi32, #tpu.memory_space<vmem>>, vector<16xi32>,
    %swap3A_217 = arith.constant 112 : index
    %swap3A_218 = tpu.vector_load %arg7[%swap3A_217] {strides = array<i32>} : memref<128xf32, #tpu.memory_space<vmem>>, vector<16xf32>,
    %swap3A_219 = vector.shape_cast %swap3A_218 : vector<16xf32> to vector<16xf32>
    %swap3A_220 = vector.shape_cast %parallel_loop3A_161#7 : vector<16xf32> to vector<16xf32>
    tpu.vector_store %arg7[%swap3A_217], %swap3A_220 {strides = array<i32>} : memref<128xf32, #tpu.memory_space<vmem>>, vector<16xf32>,
    %swap3A_221 = arith.constant 112 : index
    %swap3A_222 = tpu.vector_load %arg8[%swap3A_221] {strides = array<i32>} : memref<128xi32, #tpu.memory_space<vmem>>, vector<16xi32>,
    %swap3A_223 = vector.shape_cast %swap3A_222 : vector<16xi32> to vector<16xi32>
    %swap3A_224 = vector.shape_cast %parallel_loop3A_161#15 : vector<16xi32> to vector<16xi32>
    tpu.vector_store %arg8[%swap3A_221], %swap3A_224 {strides = array<i32>} : memref<128xi32, #tpu.memory_space<vmem>>, vector<16xi32>,
    %mul3A_225 = arith.constant 128 : i32
    %mul3A_226 = arith.muli %arg1, %mul3A_225 : i32
    "tpu.region"() ({
      %run_scoped3A = tpu.sem_alloc : memref<!tpu.dma_semaphore, #tpu.memory_space<semaphore_mem>>
      %dma_start3A_231 = tpu.memref_slice %arg13[%mul3A_226] : memref<2048xf32, #tpu.memory_space<vmem_shared>> -> memref<128xf32, #tpu.memory_space<vmem_shared>>
      %dma_start3A_232 = tpu.memref_slice %arg13[%mul3A_226] : memref<2048xf32, #tpu.memory_space<vmem_shared>> -> memref<128xf32, #tpu.memory_space<vmem_shared>>
      tpu.enqueue_dma source(%arg7 : memref<128xf32, #tpu.memory_space<vmem>>) target(%dma_start3A_232 : memref<128xf32, #tpu.memory_space<vmem_shared>>) target_semaphore(%run_scoped3A : memref<!tpu.dma_semaphore, #tpu.memory_space<semaphore_mem>>)
      %dma_wait3A_233 = tpu.memref_slice %arg13[%mul3A_226] : memref<2048xf32, #tpu.memory_space<vmem_shared>> -> memref<128xf32, #tpu.memory_space<vmem_shared>>
      %dma_wait3A_234 = tpu.memref_slice %arg13[%mul3A_226] : memref<2048xf32, #tpu.memory_space<vmem_shared>> -> memref<128xf32, #tpu.memory_space<vmem_shared>>
      tpu.wait_dma2 semaphore(%run_scoped3A : memref<!tpu.dma_semaphore, #tpu.memory_space<semaphore_mem>>) src(%arg7 : memref<128xf32, #tpu.memory_space<vmem>>) dst(%dma_wait3A_234 : memref<128xf32, #tpu.memory_space<vmem_shared>>)
      tpu.yield
    }) : () -> ()
    %mul3A_227 = arith.constant 128 : i32
    %mul3A_228 = arith.muli %arg1, %mul3A_227 : i32
    "tpu.region"() ({
      %run_scoped3A = tpu.sem_alloc : memref<!tpu.dma_semaphore, #tpu.memory_space<semaphore_mem>>
      %dma_start3A_231 = tpu.memref_slice %arg14[%mul3A_228] : memref<2048xi32, #tpu.memory_space<vmem_shared>> -> memref<128xi32, #tpu.memory_space<vmem_shared>>
      %dma_start3A_232 = tpu.memref_slice %arg14[%mul3A_228] : memref<2048xi32, #tpu.memory_space<vmem_shared>> -> memref<128xi32, #tpu.memory_space<vmem_shared>>
      tpu.enqueue_dma source(%arg8 : memref<128xi32, #tpu.memory_space<vmem>>) target(%dma_start3A_232 : memref<128xi32, #tpu.memory_space<vmem_shared>>) target_semaphore(%run_scoped3A : memref<!tpu.dma_semaphore, #tpu.memory_space<semaphore_mem>>)
      %dma_wait3A_233 = tpu.memref_slice %arg14[%mul3A_228] : memref<2048xi32, #tpu.memory_space<vmem_shared>> -> memref<128xi32, #tpu.memory_space<vmem_shared>>
      %dma_wait3A_234 = tpu.memref_slice %arg14[%mul3A_228] : memref<2048xi32, #tpu.memory_space<vmem_shared>> -> memref<128xi32, #tpu.memory_space<vmem_shared>>
      tpu.wait_dma2 semaphore(%run_scoped3A : memref<!tpu.dma_semaphore, #tpu.memory_space<semaphore_mem>>) src(%arg8 : memref<128xi32, #tpu.memory_space<vmem>>) dst(%dma_wait3A_234 : memref<128xi32, #tpu.memory_space<vmem_shared>>)
      tpu.yield
    }) : () -> ()
    %barrier3A = arith.constant 0 : index
    tpu.barrier barrier_id(%barrier3A)
    %lt3A = arith.constant 8 : i32
    %lt3A_229 = arith.cmpi slt, %arg1, %lt3A : i32
    %convert_element_type3A = arith.extui %lt3A_229 : i1 to i32
    %cond3A = arith.constant 0 : i32
    %cond3A_230 = arith.cmpi ne, %convert_element_type3A, %cond3A : i32
    scf.if %cond3A_230 {
      %mul3A_231 = arith.constant 16 : i32
      %mul3A_232 = arith.muli %arg1, %mul3A_231 : i32
      %add3A_233 = arith.constant 0 : i32
      %add3A_234 = arith.addi %add3A_233, %mul3A_232 : i32
      "tpu.region"() ({
        %run_scoped3A = tpu.sem_alloc : memref<!tpu.dma_semaphore, #tpu.memory_space<semaphore_mem>>
        %dma_start3A_572 = arith.constant 0 : i32
        %dma_start3A_573 = tpu.memref_slice %arg9[%dma_start3A_572] : memref<256xf32, #tpu.memory_space<vmem>> -> memref<16xf32, #tpu.memory_space<vmem>>
        %dma_start3A_574 = tpu.memref_slice %arg13[%add3A_234] : memref<2048xf32, #tpu.memory_space<vmem_shared>> -> memref<16xf32, #tpu.memory_space<vmem_shared>>
        %dma_start3A_575 = arith.constant 0 : i32
        %dma_start3A_576 = tpu.memref_slice %arg9[%dma_start3A_575] : memref<256xf32, #tpu.memory_space<vmem>> -> memref<16xf32, #tpu.memory_space<vmem>>
        %dma_start3A_577 = tpu.memref_slice %arg13[%add3A_234] : memref<2048xf32, #tpu.memory_space<vmem_shared>> -> memref<16xf32, #tpu.memory_space<vmem_shared>>
        tpu.enqueue_dma source(%dma_start3A_577 : memref<16xf32, #tpu.memory_space<vmem_shared>>) target(%dma_start3A_576 : memref<16xf32, #tpu.memory_space<vmem>>) target_semaphore(%run_scoped3A : memref<!tpu.dma_semaphore, #tpu.memory_space<semaphore_mem>>)
        %dma_wait3A_578 = arith.constant 0 : i32
        %dma_wait3A_579 = tpu.memref_slice %arg9[%dma_wait3A_578] : memref<256xf32, #tpu.memory_space<vmem>> -> memref<16xf32, #tpu.memory_space<vmem>>
        %dma_wait3A_580 = tpu.memref_slice %arg13[%add3A_234] : memref<2048xf32, #tpu.memory_space<vmem_shared>> -> memref<16xf32, #tpu.memory_space<vmem_shared>>
        %dma_wait3A_581 = arith.constant 0 : i32
        %dma_wait3A_582 = tpu.memref_slice %arg9[%dma_wait3A_581] : memref<256xf32, #tpu.memory_space<vmem>> -> memref<16xf32, #tpu.memory_space<vmem>>
        %dma_wait3A_583 = tpu.memref_slice %arg13[%add3A_234] : memref<2048xf32, #tpu.memory_space<vmem_shared>> -> memref<16xf32, #tpu.memory_space<vmem_shared>>
        tpu.wait_dma2 semaphore(%run_scoped3A : memref<!tpu.dma_semaphore, #tpu.memory_space<semaphore_mem>>) src(%dma_wait3A_583 : memref<16xf32, #tpu.memory_space<vmem_shared>>) dst(%dma_wait3A_582 : memref<16xf32, #tpu.memory_space<vmem>>)
        tpu.yield
      }) : () -> ()
      %mul3A_235 = arith.constant 16 : i32
      %mul3A_236 = arith.muli %arg1, %mul3A_235 : i32
      %add3A_237 = arith.constant 0 : i32
      %add3A_238 = arith.addi %add3A_237, %mul3A_236 : i32
      "tpu.region"() ({
        %run_scoped3A = tpu.sem_alloc : memref<!tpu.dma_semaphore, #tpu.memory_space<semaphore_mem>>
        %dma_start3A_572 = arith.constant 0 : i32
        %dma_start3A_573 = tpu.memref_slice %arg10[%dma_start3A_572] : memref<256xi32, #tpu.memory_space<vmem>> -> memref<16xi32, #tpu.memory_space<vmem>>
        %dma_start3A_574 = tpu.memref_slice %arg14[%add3A_238] : memref<2048xi32, #tpu.memory_space<vmem_shared>> -> memref<16xi32, #tpu.memory_space<vmem_shared>>
        %dma_start3A_575 = arith.constant 0 : i32
        %dma_start3A_576 = tpu.memref_slice %arg10[%dma_start3A_575] : memref<256xi32, #tpu.memory_space<vmem>> -> memref<16xi32, #tpu.memory_space<vmem>>
        %dma_start3A_577 = tpu.memref_slice %arg14[%add3A_238] : memref<2048xi32, #tpu.memory_space<vmem_shared>> -> memref<16xi32, #tpu.memory_space<vmem_shared>>
        tpu.enqueue_dma source(%dma_start3A_577 : memref<16xi32, #tpu.memory_space<vmem_shared>>) target(%dma_start3A_576 : memref<16xi32, #tpu.memory_space<vmem>>) target_semaphore(%run_scoped3A : memref<!tpu.dma_semaphore, #tpu.memory_space<semaphore_mem>>)
        %dma_wait3A_578 = arith.constant 0 : i32
        %dma_wait3A_579 = tpu.memref_slice %arg10[%dma_wait3A_578] : memref<256xi32, #tpu.memory_space<vmem>> -> memref<16xi32, #tpu.memory_space<vmem>>
        %dma_wait3A_580 = tpu.memref_slice %arg14[%add3A_238] : memref<2048xi32, #tpu.memory_space<vmem_shared>> -> memref<16xi32, #tpu.memory_space<vmem_shared>>
        %dma_wait3A_581 = arith.constant 0 : i32
        %dma_wait3A_582 = tpu.memref_slice %arg10[%dma_wait3A_581] : memref<256xi32, #tpu.memory_space<vmem>> -> memref<16xi32, #tpu.memory_space<vmem>>
        %dma_wait3A_583 = tpu.memref_slice %arg14[%add3A_238] : memref<2048xi32, #tpu.memory_space<vmem_shared>> -> memref<16xi32, #tpu.memory_space<vmem_shared>>
        tpu.wait_dma2 semaphore(%run_scoped3A : memref<!tpu.dma_semaphore, #tpu.memory_space<semaphore_mem>>) src(%dma_wait3A_583 : memref<16xi32, #tpu.memory_space<vmem_shared>>) dst(%dma_wait3A_582 : memref<16xi32, #tpu.memory_space<vmem>>)
        tpu.yield
      }) : () -> ()
      %mul3A_239 = arith.constant 16 : i32
      %mul3A_240 = arith.muli %arg1, %mul3A_239 : i32
      %add3A_241 = arith.constant 128 : i32
      %add3A_242 = arith.addi %add3A_241, %mul3A_240 : i32
      "tpu.region"() ({
        %run_scoped3A = tpu.sem_alloc : memref<!tpu.dma_semaphore, #tpu.memory_space<semaphore_mem>>
        %dma_start3A_572 = arith.constant 16 : i32
        %dma_start3A_573 = tpu.memref_slice %arg9[%dma_start3A_572] : memref<256xf32, #tpu.memory_space<vmem>> -> memref<16xf32, #tpu.memory_space<vmem>>
        %dma_start3A_574 = tpu.memref_slice %arg13[%add3A_242] : memref<2048xf32, #tpu.memory_space<vmem_shared>> -> memref<16xf32, #tpu.memory_space<vmem_shared>>
        %dma_start3A_575 = arith.constant 16 : i32
        %dma_start3A_576 = tpu.memref_slice %arg9[%dma_start3A_575] : memref<256xf32, #tpu.memory_space<vmem>> -> memref<16xf32, #tpu.memory_space<vmem>>
        %dma_start3A_577 = tpu.memref_slice %arg13[%add3A_242] : memref<2048xf32, #tpu.memory_space<vmem_shared>> -> memref<16xf32, #tpu.memory_space<vmem_shared>>
        tpu.enqueue_dma source(%dma_start3A_577 : memref<16xf32, #tpu.memory_space<vmem_shared>>) target(%dma_start3A_576 : memref<16xf32, #tpu.memory_space<vmem>>) target_semaphore(%run_scoped3A : memref<!tpu.dma_semaphore, #tpu.memory_space<semaphore_mem>>)
        %dma_wait3A_578 = arith.constant 16 : i32
        %dma_wait3A_579 = tpu.memref_slice %arg9[%dma_wait3A_578] : memref<256xf32, #tpu.memory_space<vmem>> -> memref<16xf32, #tpu.memory_space<vmem>>
        %dma_wait3A_580 = tpu.memref_slice %arg13[%add3A_242] : memref<2048xf32, #tpu.memory_space<vmem_shared>> -> memref<16xf32, #tpu.memory_space<vmem_shared>>
        %dma_wait3A_581 = arith.constant 16 : i32
        %dma_wait3A_582 = tpu.memref_slice %arg9[%dma_wait3A_581] : memref<256xf32, #tpu.memory_space<vmem>> -> memref<16xf32, #tpu.memory_space<vmem>>
        %dma_wait3A_583 = tpu.memref_slice %arg13[%add3A_242] : memref<2048xf32, #tpu.memory_space<vmem_shared>> -> memref<16xf32, #tpu.memory_space<vmem_shared>>
        tpu.wait_dma2 semaphore(%run_scoped3A : memref<!tpu.dma_semaphore, #tpu.memory_space<semaphore_mem>>) src(%dma_wait3A_583 : memref<16xf32, #tpu.memory_space<vmem_shared>>) dst(%dma_wait3A_582 : memref<16xf32, #tpu.memory_space<vmem>>)
        tpu.yield
      }) : () -> ()
      %mul3A_243 = arith.constant 16 : i32
      %mul3A_244 = arith.muli %arg1, %mul3A_243 : i32
      %add3A_245 = arith.constant 128 : i32
      %add3A_246 = arith.addi %add3A_245, %mul3A_244 : i32
      "tpu.region"() ({
        %run_scoped3A = tpu.sem_alloc : memref<!tpu.dma_semaphore, #tpu.memory_space<semaphore_mem>>
        %dma_start3A_572 = arith.constant 16 : i32
        %dma_start3A_573 = tpu.memref_slice %arg10[%dma_start3A_572] : memref<256xi32, #tpu.memory_space<vmem>> -> memref<16xi32, #tpu.memory_space<vmem>>
        %dma_start3A_574 = tpu.memref_slice %arg14[%add3A_246] : memref<2048xi32, #tpu.memory_space<vmem_shared>> -> memref<16xi32, #tpu.memory_space<vmem_shared>>
        %dma_start3A_575 = arith.constant 16 : i32
        %dma_start3A_576 = tpu.memref_slice %arg10[%dma_start3A_575] : memref<256xi32, #tpu.memory_space<vmem>> -> memref<16xi32, #tpu.memory_space<vmem>>
        %dma_start3A_577 = tpu.memref_slice %arg14[%add3A_246] : memref<2048xi32, #tpu.memory_space<vmem_shared>> -> memref<16xi32, #tpu.memory_space<vmem_shared>>
        tpu.enqueue_dma source(%dma_start3A_577 : memref<16xi32, #tpu.memory_space<vmem_shared>>) target(%dma_start3A_576 : memref<16xi32, #tpu.memory_space<vmem>>) target_semaphore(%run_scoped3A : memref<!tpu.dma_semaphore, #tpu.memory_space<semaphore_mem>>)
        %dma_wait3A_578 = arith.constant 16 : i32
        %dma_wait3A_579 = tpu.memref_slice %arg10[%dma_wait3A_578] : memref<256xi32, #tpu.memory_space<vmem>> -> memref<16xi32, #tpu.memory_space<vmem>>
        %dma_wait3A_580 = tpu.memref_slice %arg14[%add3A_246] : memref<2048xi32, #tpu.memory_space<vmem_shared>> -> memref<16xi32, #tpu.memory_space<vmem_shared>>
        %dma_wait3A_581 = arith.constant 16 : i32
        %dma_wait3A_582 = tpu.memref_slice %arg10[%dma_wait3A_581] : memref<256xi32, #tpu.memory_space<vmem>> -> memref<16xi32, #tpu.memory_space<vmem>>
        %dma_wait3A_583 = tpu.memref_slice %arg14[%add3A_246] : memref<2048xi32, #tpu.memory_space<vmem_shared>> -> memref<16xi32, #tpu.memory_space<vmem_shared>>
        tpu.wait_dma2 semaphore(%run_scoped3A : memref<!tpu.dma_semaphore, #tpu.memory_space<semaphore_mem>>) src(%dma_wait3A_583 : memref<16xi32, #tpu.memory_space<vmem_shared>>) dst(%dma_wait3A_582 : memref<16xi32, #tpu.memory_space<vmem>>)
        tpu.yield
      }) : () -> ()
      %mul3A_247 = arith.constant 16 : i32
      %mul3A_248 = arith.muli %arg1, %mul3A_247 : i32
      %add3A_249 = arith.constant 256 : i32
      %add3A_250 = arith.addi %add3A_249, %mul3A_248 : i32
      "tpu.region"() ({
        %run_scoped3A = tpu.sem_alloc : memref<!tpu.dma_semaphore, #tpu.memory_space<semaphore_mem>>
        %dma_start3A_572 = arith.constant 32 : i32
        %dma_start3A_573 = tpu.memref_slice %arg9[%dma_start3A_572] : memref<256xf32, #tpu.memory_space<vmem>> -> memref<16xf32, #tpu.memory_space<vmem>>
        %dma_start3A_574 = tpu.memref_slice %arg13[%add3A_250] : memref<2048xf32, #tpu.memory_space<vmem_shared>> -> memref<16xf32, #tpu.memory_space<vmem_shared>>
        %dma_start3A_575 = arith.constant 32 : i32
        %dma_start3A_576 = tpu.memref_slice %arg9[%dma_start3A_575] : memref<256xf32, #tpu.memory_space<vmem>> -> memref<16xf32, #tpu.memory_space<vmem>>
        %dma_start3A_577 = tpu.memref_slice %arg13[%add3A_250] : memref<2048xf32, #tpu.memory_space<vmem_shared>> -> memref<16xf32, #tpu.memory_space<vmem_shared>>
        tpu.enqueue_dma source(%dma_start3A_577 : memref<16xf32, #tpu.memory_space<vmem_shared>>) target(%dma_start3A_576 : memref<16xf32, #tpu.memory_space<vmem>>) target_semaphore(%run_scoped3A : memref<!tpu.dma_semaphore, #tpu.memory_space<semaphore_mem>>)
        %dma_wait3A_578 = arith.constant 32 : i32
        %dma_wait3A_579 = tpu.memref_slice %arg9[%dma_wait3A_578] : memref<256xf32, #tpu.memory_space<vmem>> -> memref<16xf32, #tpu.memory_space<vmem>>
        %dma_wait3A_580 = tpu.memref_slice %arg13[%add3A_250] : memref<2048xf32, #tpu.memory_space<vmem_shared>> -> memref<16xf32, #tpu.memory_space<vmem_shared>>
        %dma_wait3A_581 = arith.constant 32 : i32
        %dma_wait3A_582 = tpu.memref_slice %arg9[%dma_wait3A_581] : memref<256xf32, #tpu.memory_space<vmem>> -> memref<16xf32, #tpu.memory_space<vmem>>
        %dma_wait3A_583 = tpu.memref_slice %arg13[%add3A_250] : memref<2048xf32, #tpu.memory_space<vmem_shared>> -> memref<16xf32, #tpu.memory_space<vmem_shared>>
        tpu.wait_dma2 semaphore(%run_scoped3A : memref<!tpu.dma_semaphore, #tpu.memory_space<semaphore_mem>>) src(%dma_wait3A_583 : memref<16xf32, #tpu.memory_space<vmem_shared>>) dst(%dma_wait3A_582 : memref<16xf32, #tpu.memory_space<vmem>>)
        tpu.yield
      }) : () -> ()
      %mul3A_251 = arith.constant 16 : i32
      %mul3A_252 = arith.muli %arg1, %mul3A_251 : i32
      %add3A_253 = arith.constant 256 : i32
      %add3A_254 = arith.addi %add3A_253, %mul3A_252 : i32
      "tpu.region"() ({
        %run_scoped3A = tpu.sem_alloc : memref<!tpu.dma_semaphore, #tpu.memory_space<semaphore_mem>>
        %dma_start3A_572 = arith.constant 32 : i32
        %dma_start3A_573 = tpu.memref_slice %arg10[%dma_start3A_572] : memref<256xi32, #tpu.memory_space<vmem>> -> memref<16xi32, #tpu.memory_space<vmem>>
        %dma_start3A_574 = tpu.memref_slice %arg14[%add3A_254] : memref<2048xi32, #tpu.memory_space<vmem_shared>> -> memref<16xi32, #tpu.memory_space<vmem_shared>>
        %dma_start3A_575 = arith.constant 32 : i32
        %dma_start3A_576 = tpu.memref_slice %arg10[%dma_start3A_575] : memref<256xi32, #tpu.memory_space<vmem>> -> memref<16xi32, #tpu.memory_space<vmem>>
        %dma_start3A_577 = tpu.memref_slice %arg14[%add3A_254] : memref<2048xi32, #tpu.memory_space<vmem_shared>> -> memref<16xi32, #tpu.memory_space<vmem_shared>>
        tpu.enqueue_dma source(%dma_start3A_577 : memref<16xi32, #tpu.memory_space<vmem_shared>>) target(%dma_start3A_576 : memref<16xi32, #tpu.memory_space<vmem>>) target_semaphore(%run_scoped3A : memref<!tpu.dma_semaphore, #tpu.memory_space<semaphore_mem>>)
        %dma_wait3A_578 = arith.constant 32 : i32
        %dma_wait3A_579 = tpu.memref_slice %arg10[%dma_wait3A_578] : memref<256xi32, #tpu.memory_space<vmem>> -> memref<16xi32, #tpu.memory_space<vmem>>
        %dma_wait3A_580 = tpu.memref_slice %arg14[%add3A_254] : memref<2048xi32, #tpu.memory_space<vmem_shared>> -> memref<16xi32, #tpu.memory_space<vmem_shared>>
        %dma_wait3A_581 = arith.constant 32 : i32
        %dma_wait3A_582 = tpu.memref_slice %arg10[%dma_wait3A_581] : memref<256xi32, #tpu.memory_space<vmem>> -> memref<16xi32, #tpu.memory_space<vmem>>
        %dma_wait3A_583 = tpu.memref_slice %arg14[%add3A_254] : memref<2048xi32, #tpu.memory_space<vmem_shared>> -> memref<16xi32, #tpu.memory_space<vmem_shared>>
        tpu.wait_dma2 semaphore(%run_scoped3A : memref<!tpu.dma_semaphore, #tpu.memory_space<semaphore_mem>>) src(%dma_wait3A_583 : memref<16xi32, #tpu.memory_space<vmem_shared>>) dst(%dma_wait3A_582 : memref<16xi32, #tpu.memory_space<vmem>>)
        tpu.yield
      }) : () -> ()
      %mul3A_255 = arith.constant 16 : i32
      %mul3A_256 = arith.muli %arg1, %mul3A_255 : i32
      %add3A_257 = arith.constant 384 : i32
      %add3A_258 = arith.addi %add3A_257, %mul3A_256 : i32
      "tpu.region"() ({
        %run_scoped3A = tpu.sem_alloc : memref<!tpu.dma_semaphore, #tpu.memory_space<semaphore_mem>>
        %dma_start3A_572 = arith.constant 48 : i32
        %dma_start3A_573 = tpu.memref_slice %arg9[%dma_start3A_572] : memref<256xf32, #tpu.memory_space<vmem>> -> memref<16xf32, #tpu.memory_space<vmem>>
        %dma_start3A_574 = tpu.memref_slice %arg13[%add3A_258] : memref<2048xf32, #tpu.memory_space<vmem_shared>> -> memref<16xf32, #tpu.memory_space<vmem_shared>>
        %dma_start3A_575 = arith.constant 48 : i32
        %dma_start3A_576 = tpu.memref_slice %arg9[%dma_start3A_575] : memref<256xf32, #tpu.memory_space<vmem>> -> memref<16xf32, #tpu.memory_space<vmem>>
        %dma_start3A_577 = tpu.memref_slice %arg13[%add3A_258] : memref<2048xf32, #tpu.memory_space<vmem_shared>> -> memref<16xf32, #tpu.memory_space<vmem_shared>>
        tpu.enqueue_dma source(%dma_start3A_577 : memref<16xf32, #tpu.memory_space<vmem_shared>>) target(%dma_start3A_576 : memref<16xf32, #tpu.memory_space<vmem>>) target_semaphore(%run_scoped3A : memref<!tpu.dma_semaphore, #tpu.memory_space<semaphore_mem>>)
        %dma_wait3A_578 = arith.constant 48 : i32
        %dma_wait3A_579 = tpu.memref_slice %arg9[%dma_wait3A_578] : memref<256xf32, #tpu.memory_space<vmem>> -> memref<16xf32, #tpu.memory_space<vmem>>
        %dma_wait3A_580 = tpu.memref_slice %arg13[%add3A_258] : memref<2048xf32, #tpu.memory_space<vmem_shared>> -> memref<16xf32, #tpu.memory_space<vmem_shared>>
        %dma_wait3A_581 = arith.constant 48 : i32
        %dma_wait3A_582 = tpu.memref_slice %arg9[%dma_wait3A_581] : memref<256xf32, #tpu.memory_space<vmem>> -> memref<16xf32, #tpu.memory_space<vmem>>
        %dma_wait3A_583 = tpu.memref_slice %arg13[%add3A_258] : memref<2048xf32, #tpu.memory_space<vmem_shared>> -> memref<16xf32, #tpu.memory_space<vmem_shared>>
        tpu.wait_dma2 semaphore(%run_scoped3A : memref<!tpu.dma_semaphore, #tpu.memory_space<semaphore_mem>>) src(%dma_wait3A_583 : memref<16xf32, #tpu.memory_space<vmem_shared>>) dst(%dma_wait3A_582 : memref<16xf32, #tpu.memory_space<vmem>>)
        tpu.yield
      }) : () -> ()
      %mul3A_259 = arith.constant 16 : i32
      %mul3A_260 = arith.muli %arg1, %mul3A_259 : i32
      %add3A_261 = arith.constant 384 : i32
      %add3A_262 = arith.addi %add3A_261, %mul3A_260 : i32
      "tpu.region"() ({
        %run_scoped3A = tpu.sem_alloc : memref<!tpu.dma_semaphore, #tpu.memory_space<semaphore_mem>>
        %dma_start3A_572 = arith.constant 48 : i32
        %dma_start3A_573 = tpu.memref_slice %arg10[%dma_start3A_572] : memref<256xi32, #tpu.memory_space<vmem>> -> memref<16xi32, #tpu.memory_space<vmem>>
        %dma_start3A_574 = tpu.memref_slice %arg14[%add3A_262] : memref<2048xi32, #tpu.memory_space<vmem_shared>> -> memref<16xi32, #tpu.memory_space<vmem_shared>>
        %dma_start3A_575 = arith.constant 48 : i32
        %dma_start3A_576 = tpu.memref_slice %arg10[%dma_start3A_575] : memref<256xi32, #tpu.memory_space<vmem>> -> memref<16xi32, #tpu.memory_space<vmem>>
        %dma_start3A_577 = tpu.memref_slice %arg14[%add3A_262] : memref<2048xi32, #tpu.memory_space<vmem_shared>> -> memref<16xi32, #tpu.memory_space<vmem_shared>>
        tpu.enqueue_dma source(%dma_start3A_577 : memref<16xi32, #tpu.memory_space<vmem_shared>>) target(%dma_start3A_576 : memref<16xi32, #tpu.memory_space<vmem>>) target_semaphore(%run_scoped3A : memref<!tpu.dma_semaphore, #tpu.memory_space<semaphore_mem>>)
        %dma_wait3A_578 = arith.constant 48 : i32
        %dma_wait3A_579 = tpu.memref_slice %arg10[%dma_wait3A_578] : memref<256xi32, #tpu.memory_space<vmem>> -> memref<16xi32, #tpu.memory_space<vmem>>
        %dma_wait3A_580 = tpu.memref_slice %arg14[%add3A_262] : memref<2048xi32, #tpu.memory_space<vmem_shared>> -> memref<16xi32, #tpu.memory_space<vmem_shared>>
        %dma_wait3A_581 = arith.constant 48 : i32
        %dma_wait3A_582 = tpu.memref_slice %arg10[%dma_wait3A_581] : memref<256xi32, #tpu.memory_space<vmem>> -> memref<16xi32, #tpu.memory_space<vmem>>
        %dma_wait3A_583 = tpu.memref_slice %arg14[%add3A_262] : memref<2048xi32, #tpu.memory_space<vmem_shared>> -> memref<16xi32, #tpu.memory_space<vmem_shared>>
        tpu.wait_dma2 semaphore(%run_scoped3A : memref<!tpu.dma_semaphore, #tpu.memory_space<semaphore_mem>>) src(%dma_wait3A_583 : memref<16xi32, #tpu.memory_space<vmem_shared>>) dst(%dma_wait3A_582 : memref<16xi32, #tpu.memory_space<vmem>>)
        tpu.yield
      }) : () -> ()
      %mul3A_263 = arith.constant 16 : i32
      %mul3A_264 = arith.muli %arg1, %mul3A_263 : i32
      %add3A_265 = arith.constant 512 : i32
      %add3A_266 = arith.addi %add3A_265, %mul3A_264 : i32
      "tpu.region"() ({
        %run_scoped3A = tpu.sem_alloc : memref<!tpu.dma_semaphore, #tpu.memory_space<semaphore_mem>>
        %dma_start3A_572 = arith.constant 64 : i32
        %dma_start3A_573 = tpu.memref_slice %arg9[%dma_start3A_572] : memref<256xf32, #tpu.memory_space<vmem>> -> memref<16xf32, #tpu.memory_space<vmem>>
        %dma_start3A_574 = tpu.memref_slice %arg13[%add3A_266] : memref<2048xf32, #tpu.memory_space<vmem_shared>> -> memref<16xf32, #tpu.memory_space<vmem_shared>>
        %dma_start3A_575 = arith.constant 64 : i32
        %dma_start3A_576 = tpu.memref_slice %arg9[%dma_start3A_575] : memref<256xf32, #tpu.memory_space<vmem>> -> memref<16xf32, #tpu.memory_space<vmem>>
        %dma_start3A_577 = tpu.memref_slice %arg13[%add3A_266] : memref<2048xf32, #tpu.memory_space<vmem_shared>> -> memref<16xf32, #tpu.memory_space<vmem_shared>>
        tpu.enqueue_dma source(%dma_start3A_577 : memref<16xf32, #tpu.memory_space<vmem_shared>>) target(%dma_start3A_576 : memref<16xf32, #tpu.memory_space<vmem>>) target_semaphore(%run_scoped3A : memref<!tpu.dma_semaphore, #tpu.memory_space<semaphore_mem>>)
        %dma_wait3A_578 = arith.constant 64 : i32
        %dma_wait3A_579 = tpu.memref_slice %arg9[%dma_wait3A_578] : memref<256xf32, #tpu.memory_space<vmem>> -> memref<16xf32, #tpu.memory_space<vmem>>
        %dma_wait3A_580 = tpu.memref_slice %arg13[%add3A_266] : memref<2048xf32, #tpu.memory_space<vmem_shared>> -> memref<16xf32, #tpu.memory_space<vmem_shared>>
        %dma_wait3A_581 = arith.constant 64 : i32
        %dma_wait3A_582 = tpu.memref_slice %arg9[%dma_wait3A_581] : memref<256xf32, #tpu.memory_space<vmem>> -> memref<16xf32, #tpu.memory_space<vmem>>
        %dma_wait3A_583 = tpu.memref_slice %arg13[%add3A_266] : memref<2048xf32, #tpu.memory_space<vmem_shared>> -> memref<16xf32, #tpu.memory_space<vmem_shared>>
        tpu.wait_dma2 semaphore(%run_scoped3A : memref<!tpu.dma_semaphore, #tpu.memory_space<semaphore_mem>>) src(%dma_wait3A_583 : memref<16xf32, #tpu.memory_space<vmem_shared>>) dst(%dma_wait3A_582 : memref<16xf32, #tpu.memory_space<vmem>>)
        tpu.yield
      }) : () -> ()
      %mul3A_267 = arith.constant 16 : i32
      %mul3A_268 = arith.muli %arg1, %mul3A_267 : i32
      %add3A_269 = arith.constant 512 : i32
      %add3A_270 = arith.addi %add3A_269, %mul3A_268 : i32
      "tpu.region"() ({
        %run_scoped3A = tpu.sem_alloc : memref<!tpu.dma_semaphore, #tpu.memory_space<semaphore_mem>>
        %dma_start3A_572 = arith.constant 64 : i32
        %dma_start3A_573 = tpu.memref_slice %arg10[%dma_start3A_572] : memref<256xi32, #tpu.memory_space<vmem>> -> memref<16xi32, #tpu.memory_space<vmem>>
        %dma_start3A_574 = tpu.memref_slice %arg14[%add3A_270] : memref<2048xi32, #tpu.memory_space<vmem_shared>> -> memref<16xi32, #tpu.memory_space<vmem_shared>>
        %dma_start3A_575 = arith.constant 64 : i32
        %dma_start3A_576 = tpu.memref_slice %arg10[%dma_start3A_575] : memref<256xi32, #tpu.memory_space<vmem>> -> memref<16xi32, #tpu.memory_space<vmem>>
        %dma_start3A_577 = tpu.memref_slice %arg14[%add3A_270] : memref<2048xi32, #tpu.memory_space<vmem_shared>> -> memref<16xi32, #tpu.memory_space<vmem_shared>>
        tpu.enqueue_dma source(%dma_start3A_577 : memref<16xi32, #tpu.memory_space<vmem_shared>>) target(%dma_start3A_576 : memref<16xi32, #tpu.memory_space<vmem>>) target_semaphore(%run_scoped3A : memref<!tpu.dma_semaphore, #tpu.memory_space<semaphore_mem>>)
        %dma_wait3A_578 = arith.constant 64 : i32
        %dma_wait3A_579 = tpu.memref_slice %arg10[%dma_wait3A_578] : memref<256xi32, #tpu.memory_space<vmem>> -> memref<16xi32, #tpu.memory_space<vmem>>
        %dma_wait3A_580 = tpu.memref_slice %arg14[%add3A_270] : memref<2048xi32, #tpu.memory_space<vmem_shared>> -> memref<16xi32, #tpu.memory_space<vmem_shared>>
        %dma_wait3A_581 = arith.constant 64 : i32
        %dma_wait3A_582 = tpu.memref_slice %arg10[%dma_wait3A_581] : memref<256xi32, #tpu.memory_space<vmem>> -> memref<16xi32, #tpu.memory_space<vmem>>
        %dma_wait3A_583 = tpu.memref_slice %arg14[%add3A_270] : memref<2048xi32, #tpu.memory_space<vmem_shared>> -> memref<16xi32, #tpu.memory_space<vmem_shared>>
        tpu.wait_dma2 semaphore(%run_scoped3A : memref<!tpu.dma_semaphore, #tpu.memory_space<semaphore_mem>>) src(%dma_wait3A_583 : memref<16xi32, #tpu.memory_space<vmem_shared>>) dst(%dma_wait3A_582 : memref<16xi32, #tpu.memory_space<vmem>>)
        tpu.yield
      }) : () -> ()
      %mul3A_271 = arith.constant 16 : i32
      %mul3A_272 = arith.muli %arg1, %mul3A_271 : i32
      %add3A_273 = arith.constant 640 : i32
      %add3A_274 = arith.addi %add3A_273, %mul3A_272 : i32
      "tpu.region"() ({
        %run_scoped3A = tpu.sem_alloc : memref<!tpu.dma_semaphore, #tpu.memory_space<semaphore_mem>>
        %dma_start3A_572 = arith.constant 80 : i32
        %dma_start3A_573 = tpu.memref_slice %arg9[%dma_start3A_572] : memref<256xf32, #tpu.memory_space<vmem>> -> memref<16xf32, #tpu.memory_space<vmem>>
        %dma_start3A_574 = tpu.memref_slice %arg13[%add3A_274] : memref<2048xf32, #tpu.memory_space<vmem_shared>> -> memref<16xf32, #tpu.memory_space<vmem_shared>>
        %dma_start3A_575 = arith.constant 80 : i32
        %dma_start3A_576 = tpu.memref_slice %arg9[%dma_start3A_575] : memref<256xf32, #tpu.memory_space<vmem>> -> memref<16xf32, #tpu.memory_space<vmem>>
        %dma_start3A_577 = tpu.memref_slice %arg13[%add3A_274] : memref<2048xf32, #tpu.memory_space<vmem_shared>> -> memref<16xf32, #tpu.memory_space<vmem_shared>>
        tpu.enqueue_dma source(%dma_start3A_577 : memref<16xf32, #tpu.memory_space<vmem_shared>>) target(%dma_start3A_576 : memref<16xf32, #tpu.memory_space<vmem>>) target_semaphore(%run_scoped3A : memref<!tpu.dma_semaphore, #tpu.memory_space<semaphore_mem>>)
        %dma_wait3A_578 = arith.constant 80 : i32
        %dma_wait3A_579 = tpu.memref_slice %arg9[%dma_wait3A_578] : memref<256xf32, #tpu.memory_space<vmem>> -> memref<16xf32, #tpu.memory_space<vmem>>
        %dma_wait3A_580 = tpu.memref_slice %arg13[%add3A_274] : memref<2048xf32, #tpu.memory_space<vmem_shared>> -> memref<16xf32, #tpu.memory_space<vmem_shared>>
        %dma_wait3A_581 = arith.constant 80 : i32
        %dma_wait3A_582 = tpu.memref_slice %arg9[%dma_wait3A_581] : memref<256xf32, #tpu.memory_space<vmem>> -> memref<16xf32, #tpu.memory_space<vmem>>
        %dma_wait3A_583 = tpu.memref_slice %arg13[%add3A_274] : memref<2048xf32, #tpu.memory_space<vmem_shared>> -> memref<16xf32, #tpu.memory_space<vmem_shared>>
        tpu.wait_dma2 semaphore(%run_scoped3A : memref<!tpu.dma_semaphore, #tpu.memory_space<semaphore_mem>>) src(%dma_wait3A_583 : memref<16xf32, #tpu.memory_space<vmem_shared>>) dst(%dma_wait3A_582 : memref<16xf32, #tpu.memory_space<vmem>>)
        tpu.yield
      }) : () -> ()
      %mul3A_275 = arith.constant 16 : i32
      %mul3A_276 = arith.muli %arg1, %mul3A_275 : i32
      %add3A_277 = arith.constant 640 : i32
      %add3A_278 = arith.addi %add3A_277, %mul3A_276 : i32
      "tpu.region"() ({
        %run_scoped3A = tpu.sem_alloc : memref<!tpu.dma_semaphore, #tpu.memory_space<semaphore_mem>>
        %dma_start3A_572 = arith.constant 80 : i32
        %dma_start3A_573 = tpu.memref_slice %arg10[%dma_start3A_572] : memref<256xi32, #tpu.memory_space<vmem>> -> memref<16xi32, #tpu.memory_space<vmem>>
        %dma_start3A_574 = tpu.memref_slice %arg14[%add3A_278] : memref<2048xi32, #tpu.memory_space<vmem_shared>> -> memref<16xi32, #tpu.memory_space<vmem_shared>>
        %dma_start3A_575 = arith.constant 80 : i32
        %dma_start3A_576 = tpu.memref_slice %arg10[%dma_start3A_575] : memref<256xi32, #tpu.memory_space<vmem>> -> memref<16xi32, #tpu.memory_space<vmem>>
        %dma_start3A_577 = tpu.memref_slice %arg14[%add3A_278] : memref<2048xi32, #tpu.memory_space<vmem_shared>> -> memref<16xi32, #tpu.memory_space<vmem_shared>>
        tpu.enqueue_dma source(%dma_start3A_577 : memref<16xi32, #tpu.memory_space<vmem_shared>>) target(%dma_start3A_576 : memref<16xi32, #tpu.memory_space<vmem>>) target_semaphore(%run_scoped3A : memref<!tpu.dma_semaphore, #tpu.memory_space<semaphore_mem>>)
        %dma_wait3A_578 = arith.constant 80 : i32
        %dma_wait3A_579 = tpu.memref_slice %arg10[%dma_wait3A_578] : memref<256xi32, #tpu.memory_space<vmem>> -> memref<16xi32, #tpu.memory_space<vmem>>
        %dma_wait3A_580 = tpu.memref_slice %arg14[%add3A_278] : memref<2048xi32, #tpu.memory_space<vmem_shared>> -> memref<16xi32, #tpu.memory_space<vmem_shared>>
        %dma_wait3A_581 = arith.constant 80 : i32
        %dma_wait3A_582 = tpu.memref_slice %arg10[%dma_wait3A_581] : memref<256xi32, #tpu.memory_space<vmem>> -> memref<16xi32, #tpu.memory_space<vmem>>
        %dma_wait3A_583 = tpu.memref_slice %arg14[%add3A_278] : memref<2048xi32, #tpu.memory_space<vmem_shared>> -> memref<16xi32, #tpu.memory_space<vmem_shared>>
        tpu.wait_dma2 semaphore(%run_scoped3A : memref<!tpu.dma_semaphore, #tpu.memory_space<semaphore_mem>>) src(%dma_wait3A_583 : memref<16xi32, #tpu.memory_space<vmem_shared>>) dst(%dma_wait3A_582 : memref<16xi32, #tpu.memory_space<vmem>>)
        tpu.yield
      }) : () -> ()
      %mul3A_279 = arith.constant 16 : i32
      %mul3A_280 = arith.muli %arg1, %mul3A_279 : i32
      %add3A_281 = arith.constant 768 : i32
      %add3A_282 = arith.addi %add3A_281, %mul3A_280 : i32
      "tpu.region"() ({
        %run_scoped3A = tpu.sem_alloc : memref<!tpu.dma_semaphore, #tpu.memory_space<semaphore_mem>>
        %dma_start3A_572 = arith.constant 96 : i32
        %dma_start3A_573 = tpu.memref_slice %arg9[%dma_start3A_572] : memref<256xf32, #tpu.memory_space<vmem>> -> memref<16xf32, #tpu.memory_space<vmem>>
        %dma_start3A_574 = tpu.memref_slice %arg13[%add3A_282] : memref<2048xf32, #tpu.memory_space<vmem_shared>> -> memref<16xf32, #tpu.memory_space<vmem_shared>>
        %dma_start3A_575 = arith.constant 96 : i32
        %dma_start3A_576 = tpu.memref_slice %arg9[%dma_start3A_575] : memref<256xf32, #tpu.memory_space<vmem>> -> memref<16xf32, #tpu.memory_space<vmem>>
        %dma_start3A_577 = tpu.memref_slice %arg13[%add3A_282] : memref<2048xf32, #tpu.memory_space<vmem_shared>> -> memref<16xf32, #tpu.memory_space<vmem_shared>>
        tpu.enqueue_dma source(%dma_start3A_577 : memref<16xf32, #tpu.memory_space<vmem_shared>>) target(%dma_start3A_576 : memref<16xf32, #tpu.memory_space<vmem>>) target_semaphore(%run_scoped3A : memref<!tpu.dma_semaphore, #tpu.memory_space<semaphore_mem>>)
        %dma_wait3A_578 = arith.constant 96 : i32
        %dma_wait3A_579 = tpu.memref_slice %arg9[%dma_wait3A_578] : memref<256xf32, #tpu.memory_space<vmem>> -> memref<16xf32, #tpu.memory_space<vmem>>
        %dma_wait3A_580 = tpu.memref_slice %arg13[%add3A_282] : memref<2048xf32, #tpu.memory_space<vmem_shared>> -> memref<16xf32, #tpu.memory_space<vmem_shared>>
        %dma_wait3A_581 = arith.constant 96 : i32
        %dma_wait3A_582 = tpu.memref_slice %arg9[%dma_wait3A_581] : memref<256xf32, #tpu.memory_space<vmem>> -> memref<16xf32, #tpu.memory_space<vmem>>
        %dma_wait3A_583 = tpu.memref_slice %arg13[%add3A_282] : memref<2048xf32, #tpu.memory_space<vmem_shared>> -> memref<16xf32, #tpu.memory_space<vmem_shared>>
        tpu.wait_dma2 semaphore(%run_scoped3A : memref<!tpu.dma_semaphore, #tpu.memory_space<semaphore_mem>>) src(%dma_wait3A_583 : memref<16xf32, #tpu.memory_space<vmem_shared>>) dst(%dma_wait3A_582 : memref<16xf32, #tpu.memory_space<vmem>>)
        tpu.yield
      }) : () -> ()
      %mul3A_283 = arith.constant 16 : i32
      %mul3A_284 = arith.muli %arg1, %mul3A_283 : i32
      %add3A_285 = arith.constant 768 : i32
      %add3A_286 = arith.addi %add3A_285, %mul3A_284 : i32
      "tpu.region"() ({
        %run_scoped3A = tpu.sem_alloc : memref<!tpu.dma_semaphore, #tpu.memory_space<semaphore_mem>>
        %dma_start3A_572 = arith.constant 96 : i32
        %dma_start3A_573 = tpu.memref_slice %arg10[%dma_start3A_572] : memref<256xi32, #tpu.memory_space<vmem>> -> memref<16xi32, #tpu.memory_space<vmem>>
        %dma_start3A_574 = tpu.memref_slice %arg14[%add3A_286] : memref<2048xi32, #tpu.memory_space<vmem_shared>> -> memref<16xi32, #tpu.memory_space<vmem_shared>>
        %dma_start3A_575 = arith.constant 96 : i32
        %dma_start3A_576 = tpu.memref_slice %arg10[%dma_start3A_575] : memref<256xi32, #tpu.memory_space<vmem>> -> memref<16xi32, #tpu.memory_space<vmem>>
        %dma_start3A_577 = tpu.memref_slice %arg14[%add3A_286] : memref<2048xi32, #tpu.memory_space<vmem_shared>> -> memref<16xi32, #tpu.memory_space<vmem_shared>>
        tpu.enqueue_dma source(%dma_start3A_577 : memref<16xi32, #tpu.memory_space<vmem_shared>>) target(%dma_start3A_576 : memref<16xi32, #tpu.memory_space<vmem>>) target_semaphore(%run_scoped3A : memref<!tpu.dma_semaphore, #tpu.memory_space<semaphore_mem>>)
        %dma_wait3A_578 = arith.constant 96 : i32
        %dma_wait3A_579 = tpu.memref_slice %arg10[%dma_wait3A_578] : memref<256xi32, #tpu.memory_space<vmem>> -> memref<16xi32, #tpu.memory_space<vmem>>
        %dma_wait3A_580 = tpu.memref_slice %arg14[%add3A_286] : memref<2048xi32, #tpu.memory_space<vmem_shared>> -> memref<16xi32, #tpu.memory_space<vmem_shared>>
        %dma_wait3A_581 = arith.constant 96 : i32
        %dma_wait3A_582 = tpu.memref_slice %arg10[%dma_wait3A_581] : memref<256xi32, #tpu.memory_space<vmem>> -> memref<16xi32, #tpu.memory_space<vmem>>
        %dma_wait3A_583 = tpu.memref_slice %arg14[%add3A_286] : memref<2048xi32, #tpu.memory_space<vmem_shared>> -> memref<16xi32, #tpu.memory_space<vmem_shared>>
        tpu.wait_dma2 semaphore(%run_scoped3A : memref<!tpu.dma_semaphore, #tpu.memory_space<semaphore_mem>>) src(%dma_wait3A_583 : memref<16xi32, #tpu.memory_space<vmem_shared>>) dst(%dma_wait3A_582 : memref<16xi32, #tpu.memory_space<vmem>>)
        tpu.yield
      }) : () -> ()
      %mul3A_287 = arith.constant 16 : i32
      %mul3A_288 = arith.muli %arg1, %mul3A_287 : i32
      %add3A_289 = arith.constant 896 : i32
      %add3A_290 = arith.addi %add3A_289, %mul3A_288 : i32
      "tpu.region"() ({
        %run_scoped3A = tpu.sem_alloc : memref<!tpu.dma_semaphore, #tpu.memory_space<semaphore_mem>>
        %dma_start3A_572 = arith.constant 112 : i32
        %dma_start3A_573 = tpu.memref_slice %arg9[%dma_start3A_572] : memref<256xf32, #tpu.memory_space<vmem>> -> memref<16xf32, #tpu.memory_space<vmem>>
        %dma_start3A_574 = tpu.memref_slice %arg13[%add3A_290] : memref<2048xf32, #tpu.memory_space<vmem_shared>> -> memref<16xf32, #tpu.memory_space<vmem_shared>>
        %dma_start3A_575 = arith.constant 112 : i32
        %dma_start3A_576 = tpu.memref_slice %arg9[%dma_start3A_575] : memref<256xf32, #tpu.memory_space<vmem>> -> memref<16xf32, #tpu.memory_space<vmem>>
        %dma_start3A_577 = tpu.memref_slice %arg13[%add3A_290] : memref<2048xf32, #tpu.memory_space<vmem_shared>> -> memref<16xf32, #tpu.memory_space<vmem_shared>>
        tpu.enqueue_dma source(%dma_start3A_577 : memref<16xf32, #tpu.memory_space<vmem_shared>>) target(%dma_start3A_576 : memref<16xf32, #tpu.memory_space<vmem>>) target_semaphore(%run_scoped3A : memref<!tpu.dma_semaphore, #tpu.memory_space<semaphore_mem>>)
        %dma_wait3A_578 = arith.constant 112 : i32
        %dma_wait3A_579 = tpu.memref_slice %arg9[%dma_wait3A_578] : memref<256xf32, #tpu.memory_space<vmem>> -> memref<16xf32, #tpu.memory_space<vmem>>
        %dma_wait3A_580 = tpu.memref_slice %arg13[%add3A_290] : memref<2048xf32, #tpu.memory_space<vmem_shared>> -> memref<16xf32, #tpu.memory_space<vmem_shared>>
        %dma_wait3A_581 = arith.constant 112 : i32
        %dma_wait3A_582 = tpu.memref_slice %arg9[%dma_wait3A_581] : memref<256xf32, #tpu.memory_space<vmem>> -> memref<16xf32, #tpu.memory_space<vmem>>
        %dma_wait3A_583 = tpu.memref_slice %arg13[%add3A_290] : memref<2048xf32, #tpu.memory_space<vmem_shared>> -> memref<16xf32, #tpu.memory_space<vmem_shared>>
        tpu.wait_dma2 semaphore(%run_scoped3A : memref<!tpu.dma_semaphore, #tpu.memory_space<semaphore_mem>>) src(%dma_wait3A_583 : memref<16xf32, #tpu.memory_space<vmem_shared>>) dst(%dma_wait3A_582 : memref<16xf32, #tpu.memory_space<vmem>>)
        tpu.yield
      }) : () -> ()
      %mul3A_291 = arith.constant 16 : i32
      %mul3A_292 = arith.muli %arg1, %mul3A_291 : i32
      %add3A_293 = arith.constant 896 : i32
      %add3A_294 = arith.addi %add3A_293, %mul3A_292 : i32
      "tpu.region"() ({
        %run_scoped3A = tpu.sem_alloc : memref<!tpu.dma_semaphore, #tpu.memory_space<semaphore_mem>>
        %dma_start3A_572 = arith.constant 112 : i32
        %dma_start3A_573 = tpu.memref_slice %arg10[%dma_start3A_572] : memref<256xi32, #tpu.memory_space<vmem>> -> memref<16xi32, #tpu.memory_space<vmem>>
        %dma_start3A_574 = tpu.memref_slice %arg14[%add3A_294] : memref<2048xi32, #tpu.memory_space<vmem_shared>> -> memref<16xi32, #tpu.memory_space<vmem_shared>>
        %dma_start3A_575 = arith.constant 112 : i32
        %dma_start3A_576 = tpu.memref_slice %arg10[%dma_start3A_575] : memref<256xi32, #tpu.memory_space<vmem>> -> memref<16xi32, #tpu.memory_space<vmem>>
        %dma_start3A_577 = tpu.memref_slice %arg14[%add3A_294] : memref<2048xi32, #tpu.memory_space<vmem_shared>> -> memref<16xi32, #tpu.memory_space<vmem_shared>>
        tpu.enqueue_dma source(%dma_start3A_577 : memref<16xi32, #tpu.memory_space<vmem_shared>>) target(%dma_start3A_576 : memref<16xi32, #tpu.memory_space<vmem>>) target_semaphore(%run_scoped3A : memref<!tpu.dma_semaphore, #tpu.memory_space<semaphore_mem>>)
        %dma_wait3A_578 = arith.constant 112 : i32
        %dma_wait3A_579 = tpu.memref_slice %arg10[%dma_wait3A_578] : memref<256xi32, #tpu.memory_space<vmem>> -> memref<16xi32, #tpu.memory_space<vmem>>
        %dma_wait3A_580 = tpu.memref_slice %arg14[%add3A_294] : memref<2048xi32, #tpu.memory_space<vmem_shared>> -> memref<16xi32, #tpu.memory_space<vmem_shared>>
        %dma_wait3A_581 = arith.constant 112 : i32
        %dma_wait3A_582 = tpu.memref_slice %arg10[%dma_wait3A_581] : memref<256xi32, #tpu.memory_space<vmem>> -> memref<16xi32, #tpu.memory_space<vmem>>
        %dma_wait3A_583 = tpu.memref_slice %arg14[%add3A_294] : memref<2048xi32, #tpu.memory_space<vmem_shared>> -> memref<16xi32, #tpu.memory_space<vmem_shared>>
        tpu.wait_dma2 semaphore(%run_scoped3A : memref<!tpu.dma_semaphore, #tpu.memory_space<semaphore_mem>>) src(%dma_wait3A_583 : memref<16xi32, #tpu.memory_space<vmem_shared>>) dst(%dma_wait3A_582 : memref<16xi32, #tpu.memory_space<vmem>>)
        tpu.yield
      }) : () -> ()
      %mul3A_295 = arith.constant 16 : i32
      %mul3A_296 = arith.muli %arg1, %mul3A_295 : i32
      %add3A_297 = arith.constant 1024 : i32
      %add3A_298 = arith.addi %add3A_297, %mul3A_296 : i32
      "tpu.region"() ({
        %run_scoped3A = tpu.sem_alloc : memref<!tpu.dma_semaphore, #tpu.memory_space<semaphore_mem>>
        %dma_start3A_572 = arith.constant 128 : i32
        %dma_start3A_573 = tpu.memref_slice %arg9[%dma_start3A_572] : memref<256xf32, #tpu.memory_space<vmem>> -> memref<16xf32, #tpu.memory_space<vmem>>
        %dma_start3A_574 = tpu.memref_slice %arg13[%add3A_298] : memref<2048xf32, #tpu.memory_space<vmem_shared>> -> memref<16xf32, #tpu.memory_space<vmem_shared>>
        %dma_start3A_575 = arith.constant 128 : i32
        %dma_start3A_576 = tpu.memref_slice %arg9[%dma_start3A_575] : memref<256xf32, #tpu.memory_space<vmem>> -> memref<16xf32, #tpu.memory_space<vmem>>
        %dma_start3A_577 = tpu.memref_slice %arg13[%add3A_298] : memref<2048xf32, #tpu.memory_space<vmem_shared>> -> memref<16xf32, #tpu.memory_space<vmem_shared>>
        tpu.enqueue_dma source(%dma_start3A_577 : memref<16xf32, #tpu.memory_space<vmem_shared>>) target(%dma_start3A_576 : memref<16xf32, #tpu.memory_space<vmem>>) target_semaphore(%run_scoped3A : memref<!tpu.dma_semaphore, #tpu.memory_space<semaphore_mem>>)
        %dma_wait3A_578 = arith.constant 128 : i32
        %dma_wait3A_579 = tpu.memref_slice %arg9[%dma_wait3A_578] : memref<256xf32, #tpu.memory_space<vmem>> -> memref<16xf32, #tpu.memory_space<vmem>>
        %dma_wait3A_580 = tpu.memref_slice %arg13[%add3A_298] : memref<2048xf32, #tpu.memory_space<vmem_shared>> -> memref<16xf32, #tpu.memory_space<vmem_shared>>
        %dma_wait3A_581 = arith.constant 128 : i32
        %dma_wait3A_582 = tpu.memref_slice %arg9[%dma_wait3A_581] : memref<256xf32, #tpu.memory_space<vmem>> -> memref<16xf32, #tpu.memory_space<vmem>>
        %dma_wait3A_583 = tpu.memref_slice %arg13[%add3A_298] : memref<2048xf32, #tpu.memory_space<vmem_shared>> -> memref<16xf32, #tpu.memory_space<vmem_shared>>
        tpu.wait_dma2 semaphore(%run_scoped3A : memref<!tpu.dma_semaphore, #tpu.memory_space<semaphore_mem>>) src(%dma_wait3A_583 : memref<16xf32, #tpu.memory_space<vmem_shared>>) dst(%dma_wait3A_582 : memref<16xf32, #tpu.memory_space<vmem>>)
        tpu.yield
      }) : () -> ()
      %mul3A_299 = arith.constant 16 : i32
      %mul3A_300 = arith.muli %arg1, %mul3A_299 : i32
      %add3A_301 = arith.constant 1024 : i32
      %add3A_302 = arith.addi %add3A_301, %mul3A_300 : i32
      "tpu.region"() ({
        %run_scoped3A = tpu.sem_alloc : memref<!tpu.dma_semaphore, #tpu.memory_space<semaphore_mem>>
        %dma_start3A_572 = arith.constant 128 : i32
        %dma_start3A_573 = tpu.memref_slice %arg10[%dma_start3A_572] : memref<256xi32, #tpu.memory_space<vmem>> -> memref<16xi32, #tpu.memory_space<vmem>>
        %dma_start3A_574 = tpu.memref_slice %arg14[%add3A_302] : memref<2048xi32, #tpu.memory_space<vmem_shared>> -> memref<16xi32, #tpu.memory_space<vmem_shared>>
        %dma_start3A_575 = arith.constant 128 : i32
        %dma_start3A_576 = tpu.memref_slice %arg10[%dma_start3A_575] : memref<256xi32, #tpu.memory_space<vmem>> -> memref<16xi32, #tpu.memory_space<vmem>>
        %dma_start3A_577 = tpu.memref_slice %arg14[%add3A_302] : memref<2048xi32, #tpu.memory_space<vmem_shared>> -> memref<16xi32, #tpu.memory_space<vmem_shared>>
        tpu.enqueue_dma source(%dma_start3A_577 : memref<16xi32, #tpu.memory_space<vmem_shared>>) target(%dma_start3A_576 : memref<16xi32, #tpu.memory_space<vmem>>) target_semaphore(%run_scoped3A : memref<!tpu.dma_semaphore, #tpu.memory_space<semaphore_mem>>)
        %dma_wait3A_578 = arith.constant 128 : i32
        %dma_wait3A_579 = tpu.memref_slice %arg10[%dma_wait3A_578] : memref<256xi32, #tpu.memory_space<vmem>> -> memref<16xi32, #tpu.memory_space<vmem>>
        %dma_wait3A_580 = tpu.memref_slice %arg14[%add3A_302] : memref<2048xi32, #tpu.memory_space<vmem_shared>> -> memref<16xi32, #tpu.memory_space<vmem_shared>>
        %dma_wait3A_581 = arith.constant 128 : i32
        %dma_wait3A_582 = tpu.memref_slice %arg10[%dma_wait3A_581] : memref<256xi32, #tpu.memory_space<vmem>> -> memref<16xi32, #tpu.memory_space<vmem>>
        %dma_wait3A_583 = tpu.memref_slice %arg14[%add3A_302] : memref<2048xi32, #tpu.memory_space<vmem_shared>> -> memref<16xi32, #tpu.memory_space<vmem_shared>>
        tpu.wait_dma2 semaphore(%run_scoped3A : memref<!tpu.dma_semaphore, #tpu.memory_space<semaphore_mem>>) src(%dma_wait3A_583 : memref<16xi32, #tpu.memory_space<vmem_shared>>) dst(%dma_wait3A_582 : memref<16xi32, #tpu.memory_space<vmem>>)
        tpu.yield
      }) : () -> ()
      %mul3A_303 = arith.constant 16 : i32
      %mul3A_304 = arith.muli %arg1, %mul3A_303 : i32
      %add3A_305 = arith.constant 1152 : i32
      %add3A_306 = arith.addi %add3A_305, %mul3A_304 : i32
      "tpu.region"() ({
        %run_scoped3A = tpu.sem_alloc : memref<!tpu.dma_semaphore, #tpu.memory_space<semaphore_mem>>
        %dma_start3A_572 = arith.constant 144 : i32
        %dma_start3A_573 = tpu.memref_slice %arg9[%dma_start3A_572] : memref<256xf32, #tpu.memory_space<vmem>> -> memref<16xf32, #tpu.memory_space<vmem>>
        %dma_start3A_574 = tpu.memref_slice %arg13[%add3A_306] : memref<2048xf32, #tpu.memory_space<vmem_shared>> -> memref<16xf32, #tpu.memory_space<vmem_shared>>
        %dma_start3A_575 = arith.constant 144 : i32
        %dma_start3A_576 = tpu.memref_slice %arg9[%dma_start3A_575] : memref<256xf32, #tpu.memory_space<vmem>> -> memref<16xf32, #tpu.memory_space<vmem>>
        %dma_start3A_577 = tpu.memref_slice %arg13[%add3A_306] : memref<2048xf32, #tpu.memory_space<vmem_shared>> -> memref<16xf32, #tpu.memory_space<vmem_shared>>
        tpu.enqueue_dma source(%dma_start3A_577 : memref<16xf32, #tpu.memory_space<vmem_shared>>) target(%dma_start3A_576 : memref<16xf32, #tpu.memory_space<vmem>>) target_semaphore(%run_scoped3A : memref<!tpu.dma_semaphore, #tpu.memory_space<semaphore_mem>>)
        %dma_wait3A_578 = arith.constant 144 : i32
        %dma_wait3A_579 = tpu.memref_slice %arg9[%dma_wait3A_578] : memref<256xf32, #tpu.memory_space<vmem>> -> memref<16xf32, #tpu.memory_space<vmem>>
        %dma_wait3A_580 = tpu.memref_slice %arg13[%add3A_306] : memref<2048xf32, #tpu.memory_space<vmem_shared>> -> memref<16xf32, #tpu.memory_space<vmem_shared>>
        %dma_wait3A_581 = arith.constant 144 : i32
        %dma_wait3A_582 = tpu.memref_slice %arg9[%dma_wait3A_581] : memref<256xf32, #tpu.memory_space<vmem>> -> memref<16xf32, #tpu.memory_space<vmem>>
        %dma_wait3A_583 = tpu.memref_slice %arg13[%add3A_306] : memref<2048xf32, #tpu.memory_space<vmem_shared>> -> memref<16xf32, #tpu.memory_space<vmem_shared>>
        tpu.wait_dma2 semaphore(%run_scoped3A : memref<!tpu.dma_semaphore, #tpu.memory_space<semaphore_mem>>) src(%dma_wait3A_583 : memref<16xf32, #tpu.memory_space<vmem_shared>>) dst(%dma_wait3A_582 : memref<16xf32, #tpu.memory_space<vmem>>)
        tpu.yield
      }) : () -> ()
      %mul3A_307 = arith.constant 16 : i32
      %mul3A_308 = arith.muli %arg1, %mul3A_307 : i32
      %add3A_309 = arith.constant 1152 : i32
      %add3A_310 = arith.addi %add3A_309, %mul3A_308 : i32
      "tpu.region"() ({
        %run_scoped3A = tpu.sem_alloc : memref<!tpu.dma_semaphore, #tpu.memory_space<semaphore_mem>>
        %dma_start3A_572 = arith.constant 144 : i32
        %dma_start3A_573 = tpu.memref_slice %arg10[%dma_start3A_572] : memref<256xi32, #tpu.memory_space<vmem>> -> memref<16xi32, #tpu.memory_space<vmem>>
        %dma_start3A_574 = tpu.memref_slice %arg14[%add3A_310] : memref<2048xi32, #tpu.memory_space<vmem_shared>> -> memref<16xi32, #tpu.memory_space<vmem_shared>>
        %dma_start3A_575 = arith.constant 144 : i32
        %dma_start3A_576 = tpu.memref_slice %arg10[%dma_start3A_575] : memref<256xi32, #tpu.memory_space<vmem>> -> memref<16xi32, #tpu.memory_space<vmem>>
        %dma_start3A_577 = tpu.memref_slice %arg14[%add3A_310] : memref<2048xi32, #tpu.memory_space<vmem_shared>> -> memref<16xi32, #tpu.memory_space<vmem_shared>>
        tpu.enqueue_dma source(%dma_start3A_577 : memref<16xi32, #tpu.memory_space<vmem_shared>>) target(%dma_start3A_576 : memref<16xi32, #tpu.memory_space<vmem>>) target_semaphore(%run_scoped3A : memref<!tpu.dma_semaphore, #tpu.memory_space<semaphore_mem>>)
        %dma_wait3A_578 = arith.constant 144 : i32
        %dma_wait3A_579 = tpu.memref_slice %arg10[%dma_wait3A_578] : memref<256xi32, #tpu.memory_space<vmem>> -> memref<16xi32, #tpu.memory_space<vmem>>
        %dma_wait3A_580 = tpu.memref_slice %arg14[%add3A_310] : memref<2048xi32, #tpu.memory_space<vmem_shared>> -> memref<16xi32, #tpu.memory_space<vmem_shared>>
        %dma_wait3A_581 = arith.constant 144 : i32
        %dma_wait3A_582 = tpu.memref_slice %arg10[%dma_wait3A_581] : memref<256xi32, #tpu.memory_space<vmem>> -> memref<16xi32, #tpu.memory_space<vmem>>
        %dma_wait3A_583 = tpu.memref_slice %arg14[%add3A_310] : memref<2048xi32, #tpu.memory_space<vmem_shared>> -> memref<16xi32, #tpu.memory_space<vmem_shared>>
        tpu.wait_dma2 semaphore(%run_scoped3A : memref<!tpu.dma_semaphore, #tpu.memory_space<semaphore_mem>>) src(%dma_wait3A_583 : memref<16xi32, #tpu.memory_space<vmem_shared>>) dst(%dma_wait3A_582 : memref<16xi32, #tpu.memory_space<vmem>>)
        tpu.yield
      }) : () -> ()
      %mul3A_311 = arith.constant 16 : i32
      %mul3A_312 = arith.muli %arg1, %mul3A_311 : i32
      %add3A_313 = arith.constant 1280 : i32
      %add3A_314 = arith.addi %add3A_313, %mul3A_312 : i32
      "tpu.region"() ({
        %run_scoped3A = tpu.sem_alloc : memref<!tpu.dma_semaphore, #tpu.memory_space<semaphore_mem>>
        %dma_start3A_572 = arith.constant 160 : i32
        %dma_start3A_573 = tpu.memref_slice %arg9[%dma_start3A_572] : memref<256xf32, #tpu.memory_space<vmem>> -> memref<16xf32, #tpu.memory_space<vmem>>
        %dma_start3A_574 = tpu.memref_slice %arg13[%add3A_314] : memref<2048xf32, #tpu.memory_space<vmem_shared>> -> memref<16xf32, #tpu.memory_space<vmem_shared>>
        %dma_start3A_575 = arith.constant 160 : i32
        %dma_start3A_576 = tpu.memref_slice %arg9[%dma_start3A_575] : memref<256xf32, #tpu.memory_space<vmem>> -> memref<16xf32, #tpu.memory_space<vmem>>
        %dma_start3A_577 = tpu.memref_slice %arg13[%add3A_314] : memref<2048xf32, #tpu.memory_space<vmem_shared>> -> memref<16xf32, #tpu.memory_space<vmem_shared>>
        tpu.enqueue_dma source(%dma_start3A_577 : memref<16xf32, #tpu.memory_space<vmem_shared>>) target(%dma_start3A_576 : memref<16xf32, #tpu.memory_space<vmem>>) target_semaphore(%run_scoped3A : memref<!tpu.dma_semaphore, #tpu.memory_space<semaphore_mem>>)
        %dma_wait3A_578 = arith.constant 160 : i32
        %dma_wait3A_579 = tpu.memref_slice %arg9[%dma_wait3A_578] : memref<256xf32, #tpu.memory_space<vmem>> -> memref<16xf32, #tpu.memory_space<vmem>>
        %dma_wait3A_580 = tpu.memref_slice %arg13[%add3A_314] : memref<2048xf32, #tpu.memory_space<vmem_shared>> -> memref<16xf32, #tpu.memory_space<vmem_shared>>
        %dma_wait3A_581 = arith.constant 160 : i32
        %dma_wait3A_582 = tpu.memref_slice %arg9[%dma_wait3A_581] : memref<256xf32, #tpu.memory_space<vmem>> -> memref<16xf32, #tpu.memory_space<vmem>>
        %dma_wait3A_583 = tpu.memref_slice %arg13[%add3A_314] : memref<2048xf32, #tpu.memory_space<vmem_shared>> -> memref<16xf32, #tpu.memory_space<vmem_shared>>
        tpu.wait_dma2 semaphore(%run_scoped3A : memref<!tpu.dma_semaphore, #tpu.memory_space<semaphore_mem>>) src(%dma_wait3A_583 : memref<16xf32, #tpu.memory_space<vmem_shared>>) dst(%dma_wait3A_582 : memref<16xf32, #tpu.memory_space<vmem>>)
        tpu.yield
      }) : () -> ()
      %mul3A_315 = arith.constant 16 : i32
      %mul3A_316 = arith.muli %arg1, %mul3A_315 : i32
      %add3A_317 = arith.constant 1280 : i32
      %add3A_318 = arith.addi %add3A_317, %mul3A_316 : i32
      "tpu.region"() ({
        %run_scoped3A = tpu.sem_alloc : memref<!tpu.dma_semaphore, #tpu.memory_space<semaphore_mem>>
        %dma_start3A_572 = arith.constant 160 : i32
        %dma_start3A_573 = tpu.memref_slice %arg10[%dma_start3A_572] : memref<256xi32, #tpu.memory_space<vmem>> -> memref<16xi32, #tpu.memory_space<vmem>>
        %dma_start3A_574 = tpu.memref_slice %arg14[%add3A_318] : memref<2048xi32, #tpu.memory_space<vmem_shared>> -> memref<16xi32, #tpu.memory_space<vmem_shared>>
        %dma_start3A_575 = arith.constant 160 : i32
        %dma_start3A_576 = tpu.memref_slice %arg10[%dma_start3A_575] : memref<256xi32, #tpu.memory_space<vmem>> -> memref<16xi32, #tpu.memory_space<vmem>>
        %dma_start3A_577 = tpu.memref_slice %arg14[%add3A_318] : memref<2048xi32, #tpu.memory_space<vmem_shared>> -> memref<16xi32, #tpu.memory_space<vmem_shared>>
        tpu.enqueue_dma source(%dma_start3A_577 : memref<16xi32, #tpu.memory_space<vmem_shared>>) target(%dma_start3A_576 : memref<16xi32, #tpu.memory_space<vmem>>) target_semaphore(%run_scoped3A : memref<!tpu.dma_semaphore, #tpu.memory_space<semaphore_mem>>)
        %dma_wait3A_578 = arith.constant 160 : i32
        %dma_wait3A_579 = tpu.memref_slice %arg10[%dma_wait3A_578] : memref<256xi32, #tpu.memory_space<vmem>> -> memref<16xi32, #tpu.memory_space<vmem>>
        %dma_wait3A_580 = tpu.memref_slice %arg14[%add3A_318] : memref<2048xi32, #tpu.memory_space<vmem_shared>> -> memref<16xi32, #tpu.memory_space<vmem_shared>>
        %dma_wait3A_581 = arith.constant 160 : i32
        %dma_wait3A_582 = tpu.memref_slice %arg10[%dma_wait3A_581] : memref<256xi32, #tpu.memory_space<vmem>> -> memref<16xi32, #tpu.memory_space<vmem>>
        %dma_wait3A_583 = tpu.memref_slice %arg14[%add3A_318] : memref<2048xi32, #tpu.memory_space<vmem_shared>> -> memref<16xi32, #tpu.memory_space<vmem_shared>>
        tpu.wait_dma2 semaphore(%run_scoped3A : memref<!tpu.dma_semaphore, #tpu.memory_space<semaphore_mem>>) src(%dma_wait3A_583 : memref<16xi32, #tpu.memory_space<vmem_shared>>) dst(%dma_wait3A_582 : memref<16xi32, #tpu.memory_space<vmem>>)
        tpu.yield
      }) : () -> ()
      %mul3A_319 = arith.constant 16 : i32
      %mul3A_320 = arith.muli %arg1, %mul3A_319 : i32
      %add3A_321 = arith.constant 1408 : i32
      %add3A_322 = arith.addi %add3A_321, %mul3A_320 : i32
      "tpu.region"() ({
        %run_scoped3A = tpu.sem_alloc : memref<!tpu.dma_semaphore, #tpu.memory_space<semaphore_mem>>
        %dma_start3A_572 = arith.constant 176 : i32
        %dma_start3A_573 = tpu.memref_slice %arg9[%dma_start3A_572] : memref<256xf32, #tpu.memory_space<vmem>> -> memref<16xf32, #tpu.memory_space<vmem>>
        %dma_start3A_574 = tpu.memref_slice %arg13[%add3A_322] : memref<2048xf32, #tpu.memory_space<vmem_shared>> -> memref<16xf32, #tpu.memory_space<vmem_shared>>
        %dma_start3A_575 = arith.constant 176 : i32
        %dma_start3A_576 = tpu.memref_slice %arg9[%dma_start3A_575] : memref<256xf32, #tpu.memory_space<vmem>> -> memref<16xf32, #tpu.memory_space<vmem>>
        %dma_start3A_577 = tpu.memref_slice %arg13[%add3A_322] : memref<2048xf32, #tpu.memory_space<vmem_shared>> -> memref<16xf32, #tpu.memory_space<vmem_shared>>
        tpu.enqueue_dma source(%dma_start3A_577 : memref<16xf32, #tpu.memory_space<vmem_shared>>) target(%dma_start3A_576 : memref<16xf32, #tpu.memory_space<vmem>>) target_semaphore(%run_scoped3A : memref<!tpu.dma_semaphore, #tpu.memory_space<semaphore_mem>>)
        %dma_wait3A_578 = arith.constant 176 : i32
        %dma_wait3A_579 = tpu.memref_slice %arg9[%dma_wait3A_578] : memref<256xf32, #tpu.memory_space<vmem>> -> memref<16xf32, #tpu.memory_space<vmem>>
        %dma_wait3A_580 = tpu.memref_slice %arg13[%add3A_322] : memref<2048xf32, #tpu.memory_space<vmem_shared>> -> memref<16xf32, #tpu.memory_space<vmem_shared>>
        %dma_wait3A_581 = arith.constant 176 : i32
        %dma_wait3A_582 = tpu.memref_slice %arg9[%dma_wait3A_581] : memref<256xf32, #tpu.memory_space<vmem>> -> memref<16xf32, #tpu.memory_space<vmem>>
        %dma_wait3A_583 = tpu.memref_slice %arg13[%add3A_322] : memref<2048xf32, #tpu.memory_space<vmem_shared>> -> memref<16xf32, #tpu.memory_space<vmem_shared>>
        tpu.wait_dma2 semaphore(%run_scoped3A : memref<!tpu.dma_semaphore, #tpu.memory_space<semaphore_mem>>) src(%dma_wait3A_583 : memref<16xf32, #tpu.memory_space<vmem_shared>>) dst(%dma_wait3A_582 : memref<16xf32, #tpu.memory_space<vmem>>)
        tpu.yield
      }) : () -> ()
      %mul3A_323 = arith.constant 16 : i32
      %mul3A_324 = arith.muli %arg1, %mul3A_323 : i32
      %add3A_325 = arith.constant 1408 : i32
      %add3A_326 = arith.addi %add3A_325, %mul3A_324 : i32
      "tpu.region"() ({
        %run_scoped3A = tpu.sem_alloc : memref<!tpu.dma_semaphore, #tpu.memory_space<semaphore_mem>>
        %dma_start3A_572 = arith.constant 176 : i32
        %dma_start3A_573 = tpu.memref_slice %arg10[%dma_start3A_572] : memref<256xi32, #tpu.memory_space<vmem>> -> memref<16xi32, #tpu.memory_space<vmem>>
        %dma_start3A_574 = tpu.memref_slice %arg14[%add3A_326] : memref<2048xi32, #tpu.memory_space<vmem_shared>> -> memref<16xi32, #tpu.memory_space<vmem_shared>>
        %dma_start3A_575 = arith.constant 176 : i32
        %dma_start3A_576 = tpu.memref_slice %arg10[%dma_start3A_575] : memref<256xi32, #tpu.memory_space<vmem>> -> memref<16xi32, #tpu.memory_space<vmem>>
        %dma_start3A_577 = tpu.memref_slice %arg14[%add3A_326] : memref<2048xi32, #tpu.memory_space<vmem_shared>> -> memref<16xi32, #tpu.memory_space<vmem_shared>>
        tpu.enqueue_dma source(%dma_start3A_577 : memref<16xi32, #tpu.memory_space<vmem_shared>>) target(%dma_start3A_576 : memref<16xi32, #tpu.memory_space<vmem>>) target_semaphore(%run_scoped3A : memref<!tpu.dma_semaphore, #tpu.memory_space<semaphore_mem>>)
        %dma_wait3A_578 = arith.constant 176 : i32
        %dma_wait3A_579 = tpu.memref_slice %arg10[%dma_wait3A_578] : memref<256xi32, #tpu.memory_space<vmem>> -> memref<16xi32, #tpu.memory_space<vmem>>
        %dma_wait3A_580 = tpu.memref_slice %arg14[%add3A_326] : memref<2048xi32, #tpu.memory_space<vmem_shared>> -> memref<16xi32, #tpu.memory_space<vmem_shared>>
        %dma_wait3A_581 = arith.constant 176 : i32
        %dma_wait3A_582 = tpu.memref_slice %arg10[%dma_wait3A_581] : memref<256xi32, #tpu.memory_space<vmem>> -> memref<16xi32, #tpu.memory_space<vmem>>
        %dma_wait3A_583 = tpu.memref_slice %arg14[%add3A_326] : memref<2048xi32, #tpu.memory_space<vmem_shared>> -> memref<16xi32, #tpu.memory_space<vmem_shared>>
        tpu.wait_dma2 semaphore(%run_scoped3A : memref<!tpu.dma_semaphore, #tpu.memory_space<semaphore_mem>>) src(%dma_wait3A_583 : memref<16xi32, #tpu.memory_space<vmem_shared>>) dst(%dma_wait3A_582 : memref<16xi32, #tpu.memory_space<vmem>>)
        tpu.yield
      }) : () -> ()
      %mul3A_327 = arith.constant 16 : i32
      %mul3A_328 = arith.muli %arg1, %mul3A_327 : i32
      %add3A_329 = arith.constant 1536 : i32
      %add3A_330 = arith.addi %add3A_329, %mul3A_328 : i32
      "tpu.region"() ({
        %run_scoped3A = tpu.sem_alloc : memref<!tpu.dma_semaphore, #tpu.memory_space<semaphore_mem>>
        %dma_start3A_572 = arith.constant 192 : i32
        %dma_start3A_573 = tpu.memref_slice %arg9[%dma_start3A_572] : memref<256xf32, #tpu.memory_space<vmem>> -> memref<16xf32, #tpu.memory_space<vmem>>
        %dma_start3A_574 = tpu.memref_slice %arg13[%add3A_330] : memref<2048xf32, #tpu.memory_space<vmem_shared>> -> memref<16xf32, #tpu.memory_space<vmem_shared>>
        %dma_start3A_575 = arith.constant 192 : i32
        %dma_start3A_576 = tpu.memref_slice %arg9[%dma_start3A_575] : memref<256xf32, #tpu.memory_space<vmem>> -> memref<16xf32, #tpu.memory_space<vmem>>
        %dma_start3A_577 = tpu.memref_slice %arg13[%add3A_330] : memref<2048xf32, #tpu.memory_space<vmem_shared>> -> memref<16xf32, #tpu.memory_space<vmem_shared>>
        tpu.enqueue_dma source(%dma_start3A_577 : memref<16xf32, #tpu.memory_space<vmem_shared>>) target(%dma_start3A_576 : memref<16xf32, #tpu.memory_space<vmem>>) target_semaphore(%run_scoped3A : memref<!tpu.dma_semaphore, #tpu.memory_space<semaphore_mem>>)
        %dma_wait3A_578 = arith.constant 192 : i32
        %dma_wait3A_579 = tpu.memref_slice %arg9[%dma_wait3A_578] : memref<256xf32, #tpu.memory_space<vmem>> -> memref<16xf32, #tpu.memory_space<vmem>>
        %dma_wait3A_580 = tpu.memref_slice %arg13[%add3A_330] : memref<2048xf32, #tpu.memory_space<vmem_shared>> -> memref<16xf32, #tpu.memory_space<vmem_shared>>
        %dma_wait3A_581 = arith.constant 192 : i32
        %dma_wait3A_582 = tpu.memref_slice %arg9[%dma_wait3A_581] : memref<256xf32, #tpu.memory_space<vmem>> -> memref<16xf32, #tpu.memory_space<vmem>>
        %dma_wait3A_583 = tpu.memref_slice %arg13[%add3A_330] : memref<2048xf32, #tpu.memory_space<vmem_shared>> -> memref<16xf32, #tpu.memory_space<vmem_shared>>
        tpu.wait_dma2 semaphore(%run_scoped3A : memref<!tpu.dma_semaphore, #tpu.memory_space<semaphore_mem>>) src(%dma_wait3A_583 : memref<16xf32, #tpu.memory_space<vmem_shared>>) dst(%dma_wait3A_582 : memref<16xf32, #tpu.memory_space<vmem>>)
        tpu.yield
      }) : () -> ()
      %mul3A_331 = arith.constant 16 : i32
      %mul3A_332 = arith.muli %arg1, %mul3A_331 : i32
      %add3A_333 = arith.constant 1536 : i32
      %add3A_334 = arith.addi %add3A_333, %mul3A_332 : i32
      "tpu.region"() ({
        %run_scoped3A = tpu.sem_alloc : memref<!tpu.dma_semaphore, #tpu.memory_space<semaphore_mem>>
        %dma_start3A_572 = arith.constant 192 : i32
        %dma_start3A_573 = tpu.memref_slice %arg10[%dma_start3A_572] : memref<256xi32, #tpu.memory_space<vmem>> -> memref<16xi32, #tpu.memory_space<vmem>>
        %dma_start3A_574 = tpu.memref_slice %arg14[%add3A_334] : memref<2048xi32, #tpu.memory_space<vmem_shared>> -> memref<16xi32, #tpu.memory_space<vmem_shared>>
        %dma_start3A_575 = arith.constant 192 : i32
        %dma_start3A_576 = tpu.memref_slice %arg10[%dma_start3A_575] : memref<256xi32, #tpu.memory_space<vmem>> -> memref<16xi32, #tpu.memory_space<vmem>>
        %dma_start3A_577 = tpu.memref_slice %arg14[%add3A_334] : memref<2048xi32, #tpu.memory_space<vmem_shared>> -> memref<16xi32, #tpu.memory_space<vmem_shared>>
        tpu.enqueue_dma source(%dma_start3A_577 : memref<16xi32, #tpu.memory_space<vmem_shared>>) target(%dma_start3A_576 : memref<16xi32, #tpu.memory_space<vmem>>) target_semaphore(%run_scoped3A : memref<!tpu.dma_semaphore, #tpu.memory_space<semaphore_mem>>)
        %dma_wait3A_578 = arith.constant 192 : i32
        %dma_wait3A_579 = tpu.memref_slice %arg10[%dma_wait3A_578] : memref<256xi32, #tpu.memory_space<vmem>> -> memref<16xi32, #tpu.memory_space<vmem>>
        %dma_wait3A_580 = tpu.memref_slice %arg14[%add3A_334] : memref<2048xi32, #tpu.memory_space<vmem_shared>> -> memref<16xi32, #tpu.memory_space<vmem_shared>>
        %dma_wait3A_581 = arith.constant 192 : i32
        %dma_wait3A_582 = tpu.memref_slice %arg10[%dma_wait3A_581] : memref<256xi32, #tpu.memory_space<vmem>> -> memref<16xi32, #tpu.memory_space<vmem>>
        %dma_wait3A_583 = tpu.memref_slice %arg14[%add3A_334] : memref<2048xi32, #tpu.memory_space<vmem_shared>> -> memref<16xi32, #tpu.memory_space<vmem_shared>>
        tpu.wait_dma2 semaphore(%run_scoped3A : memref<!tpu.dma_semaphore, #tpu.memory_space<semaphore_mem>>) src(%dma_wait3A_583 : memref<16xi32, #tpu.memory_space<vmem_shared>>) dst(%dma_wait3A_582 : memref<16xi32, #tpu.memory_space<vmem>>)
        tpu.yield
      }) : () -> ()
      %mul3A_335 = arith.constant 16 : i32
      %mul3A_336 = arith.muli %arg1, %mul3A_335 : i32
      %add3A_337 = arith.constant 1664 : i32
      %add3A_338 = arith.addi %add3A_337, %mul3A_336 : i32
      "tpu.region"() ({
        %run_scoped3A = tpu.sem_alloc : memref<!tpu.dma_semaphore, #tpu.memory_space<semaphore_mem>>
        %dma_start3A_572 = arith.constant 208 : i32
        %dma_start3A_573 = tpu.memref_slice %arg9[%dma_start3A_572] : memref<256xf32, #tpu.memory_space<vmem>> -> memref<16xf32, #tpu.memory_space<vmem>>
        %dma_start3A_574 = tpu.memref_slice %arg13[%add3A_338] : memref<2048xf32, #tpu.memory_space<vmem_shared>> -> memref<16xf32, #tpu.memory_space<vmem_shared>>
        %dma_start3A_575 = arith.constant 208 : i32
        %dma_start3A_576 = tpu.memref_slice %arg9[%dma_start3A_575] : memref<256xf32, #tpu.memory_space<vmem>> -> memref<16xf32, #tpu.memory_space<vmem>>
        %dma_start3A_577 = tpu.memref_slice %arg13[%add3A_338] : memref<2048xf32, #tpu.memory_space<vmem_shared>> -> memref<16xf32, #tpu.memory_space<vmem_shared>>
        tpu.enqueue_dma source(%dma_start3A_577 : memref<16xf32, #tpu.memory_space<vmem_shared>>) target(%dma_start3A_576 : memref<16xf32, #tpu.memory_space<vmem>>) target_semaphore(%run_scoped3A : memref<!tpu.dma_semaphore, #tpu.memory_space<semaphore_mem>>)
        %dma_wait3A_578 = arith.constant 208 : i32
        %dma_wait3A_579 = tpu.memref_slice %arg9[%dma_wait3A_578] : memref<256xf32, #tpu.memory_space<vmem>> -> memref<16xf32, #tpu.memory_space<vmem>>
        %dma_wait3A_580 = tpu.memref_slice %arg13[%add3A_338] : memref<2048xf32, #tpu.memory_space<vmem_shared>> -> memref<16xf32, #tpu.memory_space<vmem_shared>>
        %dma_wait3A_581 = arith.constant 208 : i32
        %dma_wait3A_582 = tpu.memref_slice %arg9[%dma_wait3A_581] : memref<256xf32, #tpu.memory_space<vmem>> -> memref<16xf32, #tpu.memory_space<vmem>>
        %dma_wait3A_583 = tpu.memref_slice %arg13[%add3A_338] : memref<2048xf32, #tpu.memory_space<vmem_shared>> -> memref<16xf32, #tpu.memory_space<vmem_shared>>
        tpu.wait_dma2 semaphore(%run_scoped3A : memref<!tpu.dma_semaphore, #tpu.memory_space<semaphore_mem>>) src(%dma_wait3A_583 : memref<16xf32, #tpu.memory_space<vmem_shared>>) dst(%dma_wait3A_582 : memref<16xf32, #tpu.memory_space<vmem>>)
        tpu.yield
      }) : () -> ()
      %mul3A_339 = arith.constant 16 : i32
      %mul3A_340 = arith.muli %arg1, %mul3A_339 : i32
      %add3A_341 = arith.constant 1664 : i32
      %add3A_342 = arith.addi %add3A_341, %mul3A_340 : i32
      "tpu.region"() ({
        %run_scoped3A = tpu.sem_alloc : memref<!tpu.dma_semaphore, #tpu.memory_space<semaphore_mem>>
        %dma_start3A_572 = arith.constant 208 : i32
        %dma_start3A_573 = tpu.memref_slice %arg10[%dma_start3A_572] : memref<256xi32, #tpu.memory_space<vmem>> -> memref<16xi32, #tpu.memory_space<vmem>>
        %dma_start3A_574 = tpu.memref_slice %arg14[%add3A_342] : memref<2048xi32, #tpu.memory_space<vmem_shared>> -> memref<16xi32, #tpu.memory_space<vmem_shared>>
        %dma_start3A_575 = arith.constant 208 : i32
        %dma_start3A_576 = tpu.memref_slice %arg10[%dma_start3A_575] : memref<256xi32, #tpu.memory_space<vmem>> -> memref<16xi32, #tpu.memory_space<vmem>>
        %dma_start3A_577 = tpu.memref_slice %arg14[%add3A_342] : memref<2048xi32, #tpu.memory_space<vmem_shared>> -> memref<16xi32, #tpu.memory_space<vmem_shared>>
        tpu.enqueue_dma source(%dma_start3A_577 : memref<16xi32, #tpu.memory_space<vmem_shared>>) target(%dma_start3A_576 : memref<16xi32, #tpu.memory_space<vmem>>) target_semaphore(%run_scoped3A : memref<!tpu.dma_semaphore, #tpu.memory_space<semaphore_mem>>)
        %dma_wait3A_578 = arith.constant 208 : i32
        %dma_wait3A_579 = tpu.memref_slice %arg10[%dma_wait3A_578] : memref<256xi32, #tpu.memory_space<vmem>> -> memref<16xi32, #tpu.memory_space<vmem>>
        %dma_wait3A_580 = tpu.memref_slice %arg14[%add3A_342] : memref<2048xi32, #tpu.memory_space<vmem_shared>> -> memref<16xi32, #tpu.memory_space<vmem_shared>>
        %dma_wait3A_581 = arith.constant 208 : i32
        %dma_wait3A_582 = tpu.memref_slice %arg10[%dma_wait3A_581] : memref<256xi32, #tpu.memory_space<vmem>> -> memref<16xi32, #tpu.memory_space<vmem>>
        %dma_wait3A_583 = tpu.memref_slice %arg14[%add3A_342] : memref<2048xi32, #tpu.memory_space<vmem_shared>> -> memref<16xi32, #tpu.memory_space<vmem_shared>>
        tpu.wait_dma2 semaphore(%run_scoped3A : memref<!tpu.dma_semaphore, #tpu.memory_space<semaphore_mem>>) src(%dma_wait3A_583 : memref<16xi32, #tpu.memory_space<vmem_shared>>) dst(%dma_wait3A_582 : memref<16xi32, #tpu.memory_space<vmem>>)
        tpu.yield
      }) : () -> ()
      %mul3A_343 = arith.constant 16 : i32
      %mul3A_344 = arith.muli %arg1, %mul3A_343 : i32
      %add3A_345 = arith.constant 1792 : i32
      %add3A_346 = arith.addi %add3A_345, %mul3A_344 : i32
      "tpu.region"() ({
        %run_scoped3A = tpu.sem_alloc : memref<!tpu.dma_semaphore, #tpu.memory_space<semaphore_mem>>
        %dma_start3A_572 = arith.constant 224 : i32
        %dma_start3A_573 = tpu.memref_slice %arg9[%dma_start3A_572] : memref<256xf32, #tpu.memory_space<vmem>> -> memref<16xf32, #tpu.memory_space<vmem>>
        %dma_start3A_574 = tpu.memref_slice %arg13[%add3A_346] : memref<2048xf32, #tpu.memory_space<vmem_shared>> -> memref<16xf32, #tpu.memory_space<vmem_shared>>
        %dma_start3A_575 = arith.constant 224 : i32
        %dma_start3A_576 = tpu.memref_slice %arg9[%dma_start3A_575] : memref<256xf32, #tpu.memory_space<vmem>> -> memref<16xf32, #tpu.memory_space<vmem>>
        %dma_start3A_577 = tpu.memref_slice %arg13[%add3A_346] : memref<2048xf32, #tpu.memory_space<vmem_shared>> -> memref<16xf32, #tpu.memory_space<vmem_shared>>
        tpu.enqueue_dma source(%dma_start3A_577 : memref<16xf32, #tpu.memory_space<vmem_shared>>) target(%dma_start3A_576 : memref<16xf32, #tpu.memory_space<vmem>>) target_semaphore(%run_scoped3A : memref<!tpu.dma_semaphore, #tpu.memory_space<semaphore_mem>>)
        %dma_wait3A_578 = arith.constant 224 : i32
        %dma_wait3A_579 = tpu.memref_slice %arg9[%dma_wait3A_578] : memref<256xf32, #tpu.memory_space<vmem>> -> memref<16xf32, #tpu.memory_space<vmem>>
        %dma_wait3A_580 = tpu.memref_slice %arg13[%add3A_346] : memref<2048xf32, #tpu.memory_space<vmem_shared>> -> memref<16xf32, #tpu.memory_space<vmem_shared>>
        %dma_wait3A_581 = arith.constant 224 : i32
        %dma_wait3A_582 = tpu.memref_slice %arg9[%dma_wait3A_581] : memref<256xf32, #tpu.memory_space<vmem>> -> memref<16xf32, #tpu.memory_space<vmem>>
        %dma_wait3A_583 = tpu.memref_slice %arg13[%add3A_346] : memref<2048xf32, #tpu.memory_space<vmem_shared>> -> memref<16xf32, #tpu.memory_space<vmem_shared>>
        tpu.wait_dma2 semaphore(%run_scoped3A : memref<!tpu.dma_semaphore, #tpu.memory_space<semaphore_mem>>) src(%dma_wait3A_583 : memref<16xf32, #tpu.memory_space<vmem_shared>>) dst(%dma_wait3A_582 : memref<16xf32, #tpu.memory_space<vmem>>)
        tpu.yield
      }) : () -> ()
      %mul3A_347 = arith.constant 16 : i32
      %mul3A_348 = arith.muli %arg1, %mul3A_347 : i32
      %add3A_349 = arith.constant 1792 : i32
      %add3A_350 = arith.addi %add3A_349, %mul3A_348 : i32
      "tpu.region"() ({
        %run_scoped3A = tpu.sem_alloc : memref<!tpu.dma_semaphore, #tpu.memory_space<semaphore_mem>>
        %dma_start3A_572 = arith.constant 224 : i32
        %dma_start3A_573 = tpu.memref_slice %arg10[%dma_start3A_572] : memref<256xi32, #tpu.memory_space<vmem>> -> memref<16xi32, #tpu.memory_space<vmem>>
        %dma_start3A_574 = tpu.memref_slice %arg14[%add3A_350] : memref<2048xi32, #tpu.memory_space<vmem_shared>> -> memref<16xi32, #tpu.memory_space<vmem_shared>>
        %dma_start3A_575 = arith.constant 224 : i32
        %dma_start3A_576 = tpu.memref_slice %arg10[%dma_start3A_575] : memref<256xi32, #tpu.memory_space<vmem>> -> memref<16xi32, #tpu.memory_space<vmem>>
        %dma_start3A_577 = tpu.memref_slice %arg14[%add3A_350] : memref<2048xi32, #tpu.memory_space<vmem_shared>> -> memref<16xi32, #tpu.memory_space<vmem_shared>>
        tpu.enqueue_dma source(%dma_start3A_577 : memref<16xi32, #tpu.memory_space<vmem_shared>>) target(%dma_start3A_576 : memref<16xi32, #tpu.memory_space<vmem>>) target_semaphore(%run_scoped3A : memref<!tpu.dma_semaphore, #tpu.memory_space<semaphore_mem>>)
        %dma_wait3A_578 = arith.constant 224 : i32
        %dma_wait3A_579 = tpu.memref_slice %arg10[%dma_wait3A_578] : memref<256xi32, #tpu.memory_space<vmem>> -> memref<16xi32, #tpu.memory_space<vmem>>
        %dma_wait3A_580 = tpu.memref_slice %arg14[%add3A_350] : memref<2048xi32, #tpu.memory_space<vmem_shared>> -> memref<16xi32, #tpu.memory_space<vmem_shared>>
        %dma_wait3A_581 = arith.constant 224 : i32
        %dma_wait3A_582 = tpu.memref_slice %arg10[%dma_wait3A_581] : memref<256xi32, #tpu.memory_space<vmem>> -> memref<16xi32, #tpu.memory_space<vmem>>
        %dma_wait3A_583 = tpu.memref_slice %arg14[%add3A_350] : memref<2048xi32, #tpu.memory_space<vmem_shared>> -> memref<16xi32, #tpu.memory_space<vmem_shared>>
        tpu.wait_dma2 semaphore(%run_scoped3A : memref<!tpu.dma_semaphore, #tpu.memory_space<semaphore_mem>>) src(%dma_wait3A_583 : memref<16xi32, #tpu.memory_space<vmem_shared>>) dst(%dma_wait3A_582 : memref<16xi32, #tpu.memory_space<vmem>>)
        tpu.yield
      }) : () -> ()
      %mul3A_351 = arith.constant 16 : i32
      %mul3A_352 = arith.muli %arg1, %mul3A_351 : i32
      %add3A_353 = arith.constant 1920 : i32
      %add3A_354 = arith.addi %add3A_353, %mul3A_352 : i32
      "tpu.region"() ({
        %run_scoped3A = tpu.sem_alloc : memref<!tpu.dma_semaphore, #tpu.memory_space<semaphore_mem>>
        %dma_start3A_572 = arith.constant 240 : i32
        %dma_start3A_573 = tpu.memref_slice %arg9[%dma_start3A_572] : memref<256xf32, #tpu.memory_space<vmem>> -> memref<16xf32, #tpu.memory_space<vmem>>
        %dma_start3A_574 = tpu.memref_slice %arg13[%add3A_354] : memref<2048xf32, #tpu.memory_space<vmem_shared>> -> memref<16xf32, #tpu.memory_space<vmem_shared>>
        %dma_start3A_575 = arith.constant 240 : i32
        %dma_start3A_576 = tpu.memref_slice %arg9[%dma_start3A_575] : memref<256xf32, #tpu.memory_space<vmem>> -> memref<16xf32, #tpu.memory_space<vmem>>
        %dma_start3A_577 = tpu.memref_slice %arg13[%add3A_354] : memref<2048xf32, #tpu.memory_space<vmem_shared>> -> memref<16xf32, #tpu.memory_space<vmem_shared>>
        tpu.enqueue_dma source(%dma_start3A_577 : memref<16xf32, #tpu.memory_space<vmem_shared>>) target(%dma_start3A_576 : memref<16xf32, #tpu.memory_space<vmem>>) target_semaphore(%run_scoped3A : memref<!tpu.dma_semaphore, #tpu.memory_space<semaphore_mem>>)
        %dma_wait3A_578 = arith.constant 240 : i32
        %dma_wait3A_579 = tpu.memref_slice %arg9[%dma_wait3A_578] : memref<256xf32, #tpu.memory_space<vmem>> -> memref<16xf32, #tpu.memory_space<vmem>>
        %dma_wait3A_580 = tpu.memref_slice %arg13[%add3A_354] : memref<2048xf32, #tpu.memory_space<vmem_shared>> -> memref<16xf32, #tpu.memory_space<vmem_shared>>
        %dma_wait3A_581 = arith.constant 240 : i32
        %dma_wait3A_582 = tpu.memref_slice %arg9[%dma_wait3A_581] : memref<256xf32, #tpu.memory_space<vmem>> -> memref<16xf32, #tpu.memory_space<vmem>>
        %dma_wait3A_583 = tpu.memref_slice %arg13[%add3A_354] : memref<2048xf32, #tpu.memory_space<vmem_shared>> -> memref<16xf32, #tpu.memory_space<vmem_shared>>
        tpu.wait_dma2 semaphore(%run_scoped3A : memref<!tpu.dma_semaphore, #tpu.memory_space<semaphore_mem>>) src(%dma_wait3A_583 : memref<16xf32, #tpu.memory_space<vmem_shared>>) dst(%dma_wait3A_582 : memref<16xf32, #tpu.memory_space<vmem>>)
        tpu.yield
      }) : () -> ()
      %mul3A_355 = arith.constant 16 : i32
      %mul3A_356 = arith.muli %arg1, %mul3A_355 : i32
      %add3A_357 = arith.constant 1920 : i32
      %add3A_358 = arith.addi %add3A_357, %mul3A_356 : i32
      "tpu.region"() ({
        %run_scoped3A = tpu.sem_alloc : memref<!tpu.dma_semaphore, #tpu.memory_space<semaphore_mem>>
        %dma_start3A_572 = arith.constant 240 : i32
        %dma_start3A_573 = tpu.memref_slice %arg10[%dma_start3A_572] : memref<256xi32, #tpu.memory_space<vmem>> -> memref<16xi32, #tpu.memory_space<vmem>>
        %dma_start3A_574 = tpu.memref_slice %arg14[%add3A_358] : memref<2048xi32, #tpu.memory_space<vmem_shared>> -> memref<16xi32, #tpu.memory_space<vmem_shared>>
        %dma_start3A_575 = arith.constant 240 : i32
        %dma_start3A_576 = tpu.memref_slice %arg10[%dma_start3A_575] : memref<256xi32, #tpu.memory_space<vmem>> -> memref<16xi32, #tpu.memory_space<vmem>>
        %dma_start3A_577 = tpu.memref_slice %arg14[%add3A_358] : memref<2048xi32, #tpu.memory_space<vmem_shared>> -> memref<16xi32, #tpu.memory_space<vmem_shared>>
        tpu.enqueue_dma source(%dma_start3A_577 : memref<16xi32, #tpu.memory_space<vmem_shared>>) target(%dma_start3A_576 : memref<16xi32, #tpu.memory_space<vmem>>) target_semaphore(%run_scoped3A : memref<!tpu.dma_semaphore, #tpu.memory_space<semaphore_mem>>)
        %dma_wait3A_578 = arith.constant 240 : i32
        %dma_wait3A_579 = tpu.memref_slice %arg10[%dma_wait3A_578] : memref<256xi32, #tpu.memory_space<vmem>> -> memref<16xi32, #tpu.memory_space<vmem>>
        %dma_wait3A_580 = tpu.memref_slice %arg14[%add3A_358] : memref<2048xi32, #tpu.memory_space<vmem_shared>> -> memref<16xi32, #tpu.memory_space<vmem_shared>>
        %dma_wait3A_581 = arith.constant 240 : i32
        %dma_wait3A_582 = tpu.memref_slice %arg10[%dma_wait3A_581] : memref<256xi32, #tpu.memory_space<vmem>> -> memref<16xi32, #tpu.memory_space<vmem>>
        %dma_wait3A_583 = tpu.memref_slice %arg14[%add3A_358] : memref<2048xi32, #tpu.memory_space<vmem_shared>> -> memref<16xi32, #tpu.memory_space<vmem_shared>>
        tpu.wait_dma2 semaphore(%run_scoped3A : memref<!tpu.dma_semaphore, #tpu.memory_space<semaphore_mem>>) src(%dma_wait3A_583 : memref<16xi32, #tpu.memory_space<vmem_shared>>) dst(%dma_wait3A_582 : memref<16xi32, #tpu.memory_space<vmem>>)
        tpu.yield
      }) : () -> ()
      %get3A = arith.constant 0 : index
      %get3A_359 = tpu.vector_load %arg9[%get3A] {strides = array<i32>} : memref<256xf32, #tpu.memory_space<vmem>>, vector<16xf32>,
      %get3A_360 = vector.shape_cast %get3A_359 : vector<16xf32> to vector<16xf32>
      %get3A_361 = arith.constant 0 : index
      %get3A_362 = tpu.vector_load %arg10[%get3A_361] {strides = array<i32>} : memref<256xi32, #tpu.memory_space<vmem>>, vector<16xi32>,
      %get3A_363 = vector.shape_cast %get3A_362 : vector<16xi32> to vector<16xi32>
      %get3A_364 = arith.constant 16 : index
      %get3A_365 = tpu.vector_load %arg9[%get3A_364] {strides = array<i32>} : memref<256xf32, #tpu.memory_space<vmem>>, vector<16xf32>,
      %get3A_366 = vector.shape_cast %get3A_365 : vector<16xf32> to vector<16xf32>
      %get3A_367 = arith.constant 16 : index
      %get3A_368 = tpu.vector_load %arg10[%get3A_367] {strides = array<i32>} : memref<256xi32, #tpu.memory_space<vmem>>, vector<16xi32>,
      %get3A_369 = vector.shape_cast %get3A_368 : vector<16xi32> to vector<16xi32>
      %gt3A = arith.cmpf ogt, %get3A_366, %get3A_360 : vector<16xf32>
      %eq3A = arith.cmpf oeq, %get3A_366, %get3A_360 : vector<16xf32>
      %lt3A_370 = arith.cmpi slt, %get3A_369, %get3A_363 : vector<16xi32>
      %and3A = arith.andi %eq3A, %lt3A_370 : vector<16xi1>
      %or3A = arith.ori %gt3A, %and3A : vector<16xi1>
      %select_n3A = arith.select %or3A, %get3A_366, %get3A_360 : vector<16xi1>, vector<16xf32>
      %select_n3A_371 = arith.select %or3A, %get3A_369, %get3A_363 : vector<16xi1>, vector<16xi32>
      %get3A_372 = arith.constant 32 : index
      %get3A_373 = tpu.vector_load %arg9[%get3A_372] {strides = array<i32>} : memref<256xf32, #tpu.memory_space<vmem>>, vector<16xf32>,
      %get3A_374 = vector.shape_cast %get3A_373 : vector<16xf32> to vector<16xf32>
      %get3A_375 = arith.constant 32 : index
      %get3A_376 = tpu.vector_load %arg10[%get3A_375] {strides = array<i32>} : memref<256xi32, #tpu.memory_space<vmem>>, vector<16xi32>,
      %get3A_377 = vector.shape_cast %get3A_376 : vector<16xi32> to vector<16xi32>
      %gt3A_378 = arith.cmpf ogt, %get3A_374, %select_n3A : vector<16xf32>
      %eq3A_379 = arith.cmpf oeq, %get3A_374, %select_n3A : vector<16xf32>
      %lt3A_380 = arith.cmpi slt, %get3A_377, %select_n3A_371 : vector<16xi32>
      %and3A_381 = arith.andi %eq3A_379, %lt3A_380 : vector<16xi1>
      %or3A_382 = arith.ori %gt3A_378, %and3A_381 : vector<16xi1>
      %select_n3A_383 = arith.select %or3A_382, %get3A_374, %select_n3A : vector<16xi1>, vector<16xf32>
      %select_n3A_384 = arith.select %or3A_382, %get3A_377, %select_n3A_371 : vector<16xi1>, vector<16xi32>
      %get3A_385 = arith.constant 48 : index
      %get3A_386 = tpu.vector_load %arg9[%get3A_385] {strides = array<i32>} : memref<256xf32, #tpu.memory_space<vmem>>, vector<16xf32>,
      %get3A_387 = vector.shape_cast %get3A_386 : vector<16xf32> to vector<16xf32>
      %get3A_388 = arith.constant 48 : index
      %get3A_389 = tpu.vector_load %arg10[%get3A_388] {strides = array<i32>} : memref<256xi32, #tpu.memory_space<vmem>>, vector<16xi32>,
      %get3A_390 = vector.shape_cast %get3A_389 : vector<16xi32> to vector<16xi32>
      %gt3A_391 = arith.cmpf ogt, %get3A_387, %select_n3A_383 : vector<16xf32>
      %eq3A_392 = arith.cmpf oeq, %get3A_387, %select_n3A_383 : vector<16xf32>
      %lt3A_393 = arith.cmpi slt, %get3A_390, %select_n3A_384 : vector<16xi32>
      %and3A_394 = arith.andi %eq3A_392, %lt3A_393 : vector<16xi1>
      %or3A_395 = arith.ori %gt3A_391, %and3A_394 : vector<16xi1>
      %select_n3A_396 = arith.select %or3A_395, %get3A_387, %select_n3A_383 : vector<16xi1>, vector<16xf32>
      %select_n3A_397 = arith.select %or3A_395, %get3A_390, %select_n3A_384 : vector<16xi1>, vector<16xi32>
      %get3A_398 = arith.constant 64 : index
      %get3A_399 = tpu.vector_load %arg9[%get3A_398] {strides = array<i32>} : memref<256xf32, #tpu.memory_space<vmem>>, vector<16xf32>,
      %get3A_400 = vector.shape_cast %get3A_399 : vector<16xf32> to vector<16xf32>
      %get3A_401 = arith.constant 64 : index
      %get3A_402 = tpu.vector_load %arg10[%get3A_401] {strides = array<i32>} : memref<256xi32, #tpu.memory_space<vmem>>, vector<16xi32>,
      %get3A_403 = vector.shape_cast %get3A_402 : vector<16xi32> to vector<16xi32>
      %gt3A_404 = arith.cmpf ogt, %get3A_400, %select_n3A_396 : vector<16xf32>
      %eq3A_405 = arith.cmpf oeq, %get3A_400, %select_n3A_396 : vector<16xf32>
      %lt3A_406 = arith.cmpi slt, %get3A_403, %select_n3A_397 : vector<16xi32>
      %and3A_407 = arith.andi %eq3A_405, %lt3A_406 : vector<16xi1>
      %or3A_408 = arith.ori %gt3A_404, %and3A_407 : vector<16xi1>
      %select_n3A_409 = arith.select %or3A_408, %get3A_400, %select_n3A_396 : vector<16xi1>, vector<16xf32>
      %select_n3A_410 = arith.select %or3A_408, %get3A_403, %select_n3A_397 : vector<16xi1>, vector<16xi32>
      %get3A_411 = arith.constant 80 : index
      %get3A_412 = tpu.vector_load %arg9[%get3A_411] {strides = array<i32>} : memref<256xf32, #tpu.memory_space<vmem>>, vector<16xf32>,
      %get3A_413 = vector.shape_cast %get3A_412 : vector<16xf32> to vector<16xf32>
      %get3A_414 = arith.constant 80 : index
      %get3A_415 = tpu.vector_load %arg10[%get3A_414] {strides = array<i32>} : memref<256xi32, #tpu.memory_space<vmem>>, vector<16xi32>,
      %get3A_416 = vector.shape_cast %get3A_415 : vector<16xi32> to vector<16xi32>
      %gt3A_417 = arith.cmpf ogt, %get3A_413, %select_n3A_409 : vector<16xf32>
      %eq3A_418 = arith.cmpf oeq, %get3A_413, %select_n3A_409 : vector<16xf32>
      %lt3A_419 = arith.cmpi slt, %get3A_416, %select_n3A_410 : vector<16xi32>
      %and3A_420 = arith.andi %eq3A_418, %lt3A_419 : vector<16xi1>
      %or3A_421 = arith.ori %gt3A_417, %and3A_420 : vector<16xi1>
      %select_n3A_422 = arith.select %or3A_421, %get3A_413, %select_n3A_409 : vector<16xi1>, vector<16xf32>
      %select_n3A_423 = arith.select %or3A_421, %get3A_416, %select_n3A_410 : vector<16xi1>, vector<16xi32>
      %get3A_424 = arith.constant 96 : index
      %get3A_425 = tpu.vector_load %arg9[%get3A_424] {strides = array<i32>} : memref<256xf32, #tpu.memory_space<vmem>>, vector<16xf32>,
      %get3A_426 = vector.shape_cast %get3A_425 : vector<16xf32> to vector<16xf32>
      %get3A_427 = arith.constant 96 : index
      %get3A_428 = tpu.vector_load %arg10[%get3A_427] {strides = array<i32>} : memref<256xi32, #tpu.memory_space<vmem>>, vector<16xi32>,
      %get3A_429 = vector.shape_cast %get3A_428 : vector<16xi32> to vector<16xi32>
      %gt3A_430 = arith.cmpf ogt, %get3A_426, %select_n3A_422 : vector<16xf32>
      %eq3A_431 = arith.cmpf oeq, %get3A_426, %select_n3A_422 : vector<16xf32>
      %lt3A_432 = arith.cmpi slt, %get3A_429, %select_n3A_423 : vector<16xi32>
      %and3A_433 = arith.andi %eq3A_431, %lt3A_432 : vector<16xi1>
      %or3A_434 = arith.ori %gt3A_430, %and3A_433 : vector<16xi1>
      %select_n3A_435 = arith.select %or3A_434, %get3A_426, %select_n3A_422 : vector<16xi1>, vector<16xf32>
      %select_n3A_436 = arith.select %or3A_434, %get3A_429, %select_n3A_423 : vector<16xi1>, vector<16xi32>
      %get3A_437 = arith.constant 112 : index
      %get3A_438 = tpu.vector_load %arg9[%get3A_437] {strides = array<i32>} : memref<256xf32, #tpu.memory_space<vmem>>, vector<16xf32>,
      %get3A_439 = vector.shape_cast %get3A_438 : vector<16xf32> to vector<16xf32>
      %get3A_440 = arith.constant 112 : index
      %get3A_441 = tpu.vector_load %arg10[%get3A_440] {strides = array<i32>} : memref<256xi32, #tpu.memory_space<vmem>>, vector<16xi32>,
      %get3A_442 = vector.shape_cast %get3A_441 : vector<16xi32> to vector<16xi32>
      %gt3A_443 = arith.cmpf ogt, %get3A_439, %select_n3A_435 : vector<16xf32>
      %eq3A_444 = arith.cmpf oeq, %get3A_439, %select_n3A_435 : vector<16xf32>
      %lt3A_445 = arith.cmpi slt, %get3A_442, %select_n3A_436 : vector<16xi32>
      %and3A_446 = arith.andi %eq3A_444, %lt3A_445 : vector<16xi1>
      %or3A_447 = arith.ori %gt3A_443, %and3A_446 : vector<16xi1>
      %select_n3A_448 = arith.select %or3A_447, %get3A_439, %select_n3A_435 : vector<16xi1>, vector<16xf32>
      %select_n3A_449 = arith.select %or3A_447, %get3A_442, %select_n3A_436 : vector<16xi1>, vector<16xi32>
      %get3A_450 = arith.constant 128 : index
      %get3A_451 = tpu.vector_load %arg9[%get3A_450] {strides = array<i32>} : memref<256xf32, #tpu.memory_space<vmem>>, vector<16xf32>,
      %get3A_452 = vector.shape_cast %get3A_451 : vector<16xf32> to vector<16xf32>
      %get3A_453 = arith.constant 128 : index
      %get3A_454 = tpu.vector_load %arg10[%get3A_453] {strides = array<i32>} : memref<256xi32, #tpu.memory_space<vmem>>, vector<16xi32>,
      %get3A_455 = vector.shape_cast %get3A_454 : vector<16xi32> to vector<16xi32>
      %gt3A_456 = arith.cmpf ogt, %get3A_452, %select_n3A_448 : vector<16xf32>
      %eq3A_457 = arith.cmpf oeq, %get3A_452, %select_n3A_448 : vector<16xf32>
      %lt3A_458 = arith.cmpi slt, %get3A_455, %select_n3A_449 : vector<16xi32>
      %and3A_459 = arith.andi %eq3A_457, %lt3A_458 : vector<16xi1>
      %or3A_460 = arith.ori %gt3A_456, %and3A_459 : vector<16xi1>
      %select_n3A_461 = arith.select %or3A_460, %get3A_452, %select_n3A_448 : vector<16xi1>, vector<16xf32>
      %select_n3A_462 = arith.select %or3A_460, %get3A_455, %select_n3A_449 : vector<16xi1>, vector<16xi32>
      %get3A_463 = arith.constant 144 : index
      %get3A_464 = tpu.vector_load %arg9[%get3A_463] {strides = array<i32>} : memref<256xf32, #tpu.memory_space<vmem>>, vector<16xf32>,
      %get3A_465 = vector.shape_cast %get3A_464 : vector<16xf32> to vector<16xf32>
      %get3A_466 = arith.constant 144 : index
      %get3A_467 = tpu.vector_load %arg10[%get3A_466] {strides = array<i32>} : memref<256xi32, #tpu.memory_space<vmem>>, vector<16xi32>,
      %get3A_468 = vector.shape_cast %get3A_467 : vector<16xi32> to vector<16xi32>
      %gt3A_469 = arith.cmpf ogt, %get3A_465, %select_n3A_461 : vector<16xf32>
      %eq3A_470 = arith.cmpf oeq, %get3A_465, %select_n3A_461 : vector<16xf32>
      %lt3A_471 = arith.cmpi slt, %get3A_468, %select_n3A_462 : vector<16xi32>
      %and3A_472 = arith.andi %eq3A_470, %lt3A_471 : vector<16xi1>
      %or3A_473 = arith.ori %gt3A_469, %and3A_472 : vector<16xi1>
      %select_n3A_474 = arith.select %or3A_473, %get3A_465, %select_n3A_461 : vector<16xi1>, vector<16xf32>
      %select_n3A_475 = arith.select %or3A_473, %get3A_468, %select_n3A_462 : vector<16xi1>, vector<16xi32>
      %get3A_476 = arith.constant 160 : index
      %get3A_477 = tpu.vector_load %arg9[%get3A_476] {strides = array<i32>} : memref<256xf32, #tpu.memory_space<vmem>>, vector<16xf32>,
      %get3A_478 = vector.shape_cast %get3A_477 : vector<16xf32> to vector<16xf32>
      %get3A_479 = arith.constant 160 : index
      %get3A_480 = tpu.vector_load %arg10[%get3A_479] {strides = array<i32>} : memref<256xi32, #tpu.memory_space<vmem>>, vector<16xi32>,
      %get3A_481 = vector.shape_cast %get3A_480 : vector<16xi32> to vector<16xi32>
      %gt3A_482 = arith.cmpf ogt, %get3A_478, %select_n3A_474 : vector<16xf32>
      %eq3A_483 = arith.cmpf oeq, %get3A_478, %select_n3A_474 : vector<16xf32>
      %lt3A_484 = arith.cmpi slt, %get3A_481, %select_n3A_475 : vector<16xi32>
      %and3A_485 = arith.andi %eq3A_483, %lt3A_484 : vector<16xi1>
      %or3A_486 = arith.ori %gt3A_482, %and3A_485 : vector<16xi1>
      %select_n3A_487 = arith.select %or3A_486, %get3A_478, %select_n3A_474 : vector<16xi1>, vector<16xf32>
      %select_n3A_488 = arith.select %or3A_486, %get3A_481, %select_n3A_475 : vector<16xi1>, vector<16xi32>
      %get3A_489 = arith.constant 176 : index
      %get3A_490 = tpu.vector_load %arg9[%get3A_489] {strides = array<i32>} : memref<256xf32, #tpu.memory_space<vmem>>, vector<16xf32>,
      %get3A_491 = vector.shape_cast %get3A_490 : vector<16xf32> to vector<16xf32>
      %get3A_492 = arith.constant 176 : index
      %get3A_493 = tpu.vector_load %arg10[%get3A_492] {strides = array<i32>} : memref<256xi32, #tpu.memory_space<vmem>>, vector<16xi32>,
      %get3A_494 = vector.shape_cast %get3A_493 : vector<16xi32> to vector<16xi32>
      %gt3A_495 = arith.cmpf ogt, %get3A_491, %select_n3A_487 : vector<16xf32>
      %eq3A_496 = arith.cmpf oeq, %get3A_491, %select_n3A_487 : vector<16xf32>
      %lt3A_497 = arith.cmpi slt, %get3A_494, %select_n3A_488 : vector<16xi32>
      %and3A_498 = arith.andi %eq3A_496, %lt3A_497 : vector<16xi1>
      %or3A_499 = arith.ori %gt3A_495, %and3A_498 : vector<16xi1>
      %select_n3A_500 = arith.select %or3A_499, %get3A_491, %select_n3A_487 : vector<16xi1>, vector<16xf32>
      %select_n3A_501 = arith.select %or3A_499, %get3A_494, %select_n3A_488 : vector<16xi1>, vector<16xi32>
      %get3A_502 = arith.constant 192 : index
      %get3A_503 = tpu.vector_load %arg9[%get3A_502] {strides = array<i32>} : memref<256xf32, #tpu.memory_space<vmem>>, vector<16xf32>,
      %get3A_504 = vector.shape_cast %get3A_503 : vector<16xf32> to vector<16xf32>
      %get3A_505 = arith.constant 192 : index
      %get3A_506 = tpu.vector_load %arg10[%get3A_505] {strides = array<i32>} : memref<256xi32, #tpu.memory_space<vmem>>, vector<16xi32>,
      %get3A_507 = vector.shape_cast %get3A_506 : vector<16xi32> to vector<16xi32>
      %gt3A_508 = arith.cmpf ogt, %get3A_504, %select_n3A_500 : vector<16xf32>
      %eq3A_509 = arith.cmpf oeq, %get3A_504, %select_n3A_500 : vector<16xf32>
      %lt3A_510 = arith.cmpi slt, %get3A_507, %select_n3A_501 : vector<16xi32>
      %and3A_511 = arith.andi %eq3A_509, %lt3A_510 : vector<16xi1>
      %or3A_512 = arith.ori %gt3A_508, %and3A_511 : vector<16xi1>
      %select_n3A_513 = arith.select %or3A_512, %get3A_504, %select_n3A_500 : vector<16xi1>, vector<16xf32>
      %select_n3A_514 = arith.select %or3A_512, %get3A_507, %select_n3A_501 : vector<16xi1>, vector<16xi32>
      %get3A_515 = arith.constant 208 : index
      %get3A_516 = tpu.vector_load %arg9[%get3A_515] {strides = array<i32>} : memref<256xf32, #tpu.memory_space<vmem>>, vector<16xf32>,
      %get3A_517 = vector.shape_cast %get3A_516 : vector<16xf32> to vector<16xf32>
      %get3A_518 = arith.constant 208 : index
      %get3A_519 = tpu.vector_load %arg10[%get3A_518] {strides = array<i32>} : memref<256xi32, #tpu.memory_space<vmem>>, vector<16xi32>,
      %get3A_520 = vector.shape_cast %get3A_519 : vector<16xi32> to vector<16xi32>
      %gt3A_521 = arith.cmpf ogt, %get3A_517, %select_n3A_513 : vector<16xf32>
      %eq3A_522 = arith.cmpf oeq, %get3A_517, %select_n3A_513 : vector<16xf32>
      %lt3A_523 = arith.cmpi slt, %get3A_520, %select_n3A_514 : vector<16xi32>
      %and3A_524 = arith.andi %eq3A_522, %lt3A_523 : vector<16xi1>
      %or3A_525 = arith.ori %gt3A_521, %and3A_524 : vector<16xi1>
      %select_n3A_526 = arith.select %or3A_525, %get3A_517, %select_n3A_513 : vector<16xi1>, vector<16xf32>
      %select_n3A_527 = arith.select %or3A_525, %get3A_520, %select_n3A_514 : vector<16xi1>, vector<16xi32>
      %get3A_528 = arith.constant 224 : index
      %get3A_529 = tpu.vector_load %arg9[%get3A_528] {strides = array<i32>} : memref<256xf32, #tpu.memory_space<vmem>>, vector<16xf32>,
      %get3A_530 = vector.shape_cast %get3A_529 : vector<16xf32> to vector<16xf32>
      %get3A_531 = arith.constant 224 : index
      %get3A_532 = tpu.vector_load %arg10[%get3A_531] {strides = array<i32>} : memref<256xi32, #tpu.memory_space<vmem>>, vector<16xi32>,
      %get3A_533 = vector.shape_cast %get3A_532 : vector<16xi32> to vector<16xi32>
      %gt3A_534 = arith.cmpf ogt, %get3A_530, %select_n3A_526 : vector<16xf32>
      %eq3A_535 = arith.cmpf oeq, %get3A_530, %select_n3A_526 : vector<16xf32>
      %lt3A_536 = arith.cmpi slt, %get3A_533, %select_n3A_527 : vector<16xi32>
      %and3A_537 = arith.andi %eq3A_535, %lt3A_536 : vector<16xi1>
      %or3A_538 = arith.ori %gt3A_534, %and3A_537 : vector<16xi1>
      %select_n3A_539 = arith.select %or3A_538, %get3A_530, %select_n3A_526 : vector<16xi1>, vector<16xf32>
      %select_n3A_540 = arith.select %or3A_538, %get3A_533, %select_n3A_527 : vector<16xi1>, vector<16xi32>
      %get3A_541 = arith.constant 240 : index
      %get3A_542 = tpu.vector_load %arg9[%get3A_541] {strides = array<i32>} : memref<256xf32, #tpu.memory_space<vmem>>, vector<16xf32>,
      %get3A_543 = vector.shape_cast %get3A_542 : vector<16xf32> to vector<16xf32>
      %get3A_544 = arith.constant 240 : index
      %get3A_545 = tpu.vector_load %arg10[%get3A_544] {strides = array<i32>} : memref<256xi32, #tpu.memory_space<vmem>>, vector<16xi32>,
      %get3A_546 = vector.shape_cast %get3A_545 : vector<16xi32> to vector<16xi32>
      %gt3A_547 = arith.cmpf ogt, %get3A_543, %select_n3A_539 : vector<16xf32>
      %eq3A_548 = arith.cmpf oeq, %get3A_543, %select_n3A_539 : vector<16xf32>
      %lt3A_549 = arith.cmpi slt, %get3A_546, %select_n3A_540 : vector<16xi32>
      %and3A_550 = arith.andi %eq3A_548, %lt3A_549 : vector<16xi1>
      %or3A_551 = arith.ori %gt3A_547, %and3A_550 : vector<16xi1>
      %select_n3A_552 = arith.select %or3A_551, %get3A_543, %select_n3A_539 : vector<16xi1>, vector<16xf32>
      %select_n3A_553 = arith.select %or3A_551, %get3A_546, %select_n3A_540 : vector<16xi1>, vector<16xi32>
      %swap3A_554 = arith.constant 0 : index
      %swap3A_555 = tpu.vector_load %arg11[%swap3A_554] {strides = array<i32>} : memref<16xf32, #tpu.memory_space<vmem>>, vector<16xf32>,
      %swap3A_556 = vector.shape_cast %swap3A_555 : vector<16xf32> to vector<16xf32>
      %swap3A_557 = vector.shape_cast %select_n3A_552 : vector<16xf32> to vector<16xf32>
      tpu.vector_store %arg11[%swap3A_554], %swap3A_557 {strides = array<i32>} : memref<16xf32, #tpu.memory_space<vmem>>, vector<16xf32>,
      %swap3A_558 = arith.constant 0 : index
      %swap3A_559 = tpu.vector_load %arg12[%swap3A_558] {strides = array<i32>} : memref<16xi32, #tpu.memory_space<vmem>>, vector<16xi32>,
      %swap3A_560 = vector.shape_cast %swap3A_559 : vector<16xi32> to vector<16xi32>
      %swap3A_561 = vector.shape_cast %select_n3A_553 : vector<16xi32> to vector<16xi32>
      tpu.vector_store %arg12[%swap3A_558], %swap3A_561 {strides = array<i32>} : memref<16xi32, #tpu.memory_space<vmem>>, vector<16xi32>,
      %mul3A_562 = arith.constant 128 : i32
      %mul3A_563 = arith.muli %arg0, %mul3A_562 : i32
      %mul3A_564 = arith.constant 16 : i32
      %mul3A_565 = arith.muli %arg1, %mul3A_564 : i32
      %add3A_566 = arith.addi %mul3A_563, %mul3A_565 : i32
      "tpu.region"() ({
        %run_scoped3A = tpu.sem_alloc : memref<!tpu.dma_semaphore, #tpu.memory_space<semaphore_mem>>
        %dma_start3A_572 = tpu.memref_slice %arg3[%add3A_566] : memref<256xi32, #tpu.memory_space<hbm>> -> memref<16xi32, #tpu.memory_space<hbm>>
        %dma_start3A_573 = tpu.memref_slice %arg3[%add3A_566] : memref<256xi32, #tpu.memory_space<hbm>> -> memref<16xi32, #tpu.memory_space<hbm>>
        tpu.enqueue_dma source(%arg12 : memref<16xi32, #tpu.memory_space<vmem>>) target(%dma_start3A_573 : memref<16xi32, #tpu.memory_space<hbm>>) target_semaphore(%run_scoped3A : memref<!tpu.dma_semaphore, #tpu.memory_space<semaphore_mem>>)
        %dma_wait3A_574 = tpu.memref_slice %arg3[%add3A_566] : memref<256xi32, #tpu.memory_space<hbm>> -> memref<16xi32, #tpu.memory_space<hbm>>
        %dma_wait3A_575 = tpu.memref_slice %arg3[%add3A_566] : memref<256xi32, #tpu.memory_space<hbm>> -> memref<16xi32, #tpu.memory_space<hbm>>
        tpu.wait_dma2 semaphore(%run_scoped3A : memref<!tpu.dma_semaphore, #tpu.memory_space<semaphore_mem>>) src(%arg12 : memref<16xi32, #tpu.memory_space<vmem>>) dst(%dma_wait3A_575 : memref<16xi32, #tpu.memory_space<hbm>>)
        tpu.yield
      }) : () -> ()
      %mul3A_567 = arith.constant 128 : i32
      %mul3A_568 = arith.muli %arg0, %mul3A_567 : i32
      %mul3A_569 = arith.constant 16 : i32
      %mul3A_570 = arith.muli %arg1, %mul3A_569 : i32
      %add3A_571 = arith.addi %mul3A_568, %mul3A_570 : i32
      "tpu.region"() ({
        %run_scoped3A = tpu.sem_alloc : memref<!tpu.dma_semaphore, #tpu.memory_space<semaphore_mem>>
        %dma_start3A_572 = tpu.memref_slice %arg4[%add3A_571] : memref<256xf32, #tpu.memory_space<hbm>> -> memref<16xf32, #tpu.memory_space<hbm>>
        %dma_start3A_573 = tpu.memref_slice %arg4[%add3A_571] : memref<256xf32, #tpu.memory_space<hbm>> -> memref<16xf32, #tpu.memory_space<hbm>>
        tpu.enqueue_dma source(%arg11 : memref<16xf32, #tpu.memory_space<vmem>>) target(%dma_start3A_573 : memref<16xf32, #tpu.memory_space<hbm>>) target_semaphore(%run_scoped3A : memref<!tpu.dma_semaphore, #tpu.memory_space<semaphore_mem>>)
        %dma_wait3A_574 = tpu.memref_slice %arg4[%add3A_571] : memref<256xf32, #tpu.memory_space<hbm>> -> memref<16xf32, #tpu.memory_space<hbm>>
        %dma_wait3A_575 = tpu.memref_slice %arg4[%add3A_571] : memref<256xf32, #tpu.memory_space<hbm>> -> memref<16xf32, #tpu.memory_space<hbm>>
        tpu.wait_dma2 semaphore(%run_scoped3A : memref<!tpu.dma_semaphore, #tpu.memory_space<semaphore_mem>>) src(%arg11 : memref<16xf32, #tpu.memory_space<vmem>>) dst(%dma_wait3A_575 : memref<16xf32, #tpu.memory_space<hbm>>)
        tpu.yield
      }) : () -> ()
    } else {
    }
    return
  }
}

module attributes {stable_mosaic.version = 14 : i64} {
  func.func @_tc_body(%arg0: i32, %arg1: memref<512x128xf32, #tpu.memory_space<vmem>>, %arg2: memref<1x128xf32, #tpu.memory_space<vmem>>, %arg3: memref<1x128xi32, #tpu.memory_space<vmem>>) attributes {dimension_semantics = [#tpu.dimension_semantics<arbitrary>], iteration_bounds = array<i64: 104>, scalar_prefetch = 0 : i64, scratch_operands = 0 : i64, tpu.core_type = #tpu.core_type<tc>, window_params = [{transform_indices = @transform_0, window_bounds = array<i64: 512, 128>}, {pipeline_mode = #tpu.pipeline_mode<synchronous>, transform_indices = @transform_1, window_bounds = array<i64: 1, 128>}, {pipeline_mode = #tpu.pipeline_mode<synchronous>, transform_indices = @transform_2, window_bounds = array<i64: 1, 128>}]} {
    %get3A = arith.constant 0 : index
    %get3A_0 = arith.constant 0 : index
    %get3A_1 = vector.load %arg1[%get3A, %get3A_0] : memref<512x128xf32, #tpu.memory_space<vmem>>, vector<512x128xf32>
    %reduce_max3A = arith.constant dense<0xFF800000> : vector<128xf32>
    %reduce_max3A_2 = vector.multi_reduction <maximumf>, %get3A_1, %reduce_max3A [0] : vector<512x128xf32> to vector<128xf32>
    %iota3A = tpu.iota {dimensions = array<i32: 0>} : vector<512x128xi32>
    %broadcast_in_dim3A = vector.shape_cast %reduce_max3A_2 : vector<128xf32> to vector<1x128xf32>
    %eq3A = vector.broadcast %broadcast_in_dim3A : vector<1x128xf32> to vector<512x128xf32>
    %eq3A_3 = arith.cmpf oeq, %get3A_1, %eq3A : vector<512x128xf32>
    %jit3A = arith.constant 512 : i32
    %broadcast_in_dim3A_4 = vector.broadcast %jit3A : i32 to vector<512x128xi32>
    %select_n3A = arith.select %eq3A_3, %iota3A, %broadcast_in_dim3A_4 : vector<512x128xi1>, vector<512x128xi32>
    %reduce_min3A = arith.constant dense<2147483647> : vector<128xi32>
    %reduce_min3A_5 = vector.multi_reduction <minsi>, %select_n3A, %reduce_min3A [0] : vector<512x128xi32> to vector<128xi32>
    %mul3A = arith.constant 512 : i32
    %mul3A_6 = arith.muli %arg0, %mul3A : i32
    %add3A = vector.broadcast %mul3A_6 : i32 to vector<128xi32>
    %add3A_7 = arith.addi %reduce_min3A_5, %add3A : vector<128xi32>
    %broadcast_in_dim3A_8 = vector.shape_cast %reduce_max3A_2 : vector<128xf32> to vector<1x128xf32>
    %broadcast_in_dim3A_9 = vector.shape_cast %add3A_7 : vector<128xi32> to vector<1x128xi32>
    %eq3A_10 = arith.constant 0 : i32
    %eq3A_11 = arith.cmpi eq, %arg0, %eq3A_10 : i32
    %convert_element_type3A = arith.extui %eq3A_11 : i1 to i32
    %cond3A = arith.constant 0 : i32
    %cond3A_12 = arith.cmpi ne, %convert_element_type3A, %cond3A : i32
    scf.if %cond3A_12 {
      %swap3A = arith.constant 0 : index
      %swap3A_17 = arith.constant 0 : index
      %swap3A_18 = vector.load %arg2[%swap3A, %swap3A_17] : memref<1x128xf32, #tpu.memory_space<vmem>>, vector<1x128xf32>
      tpu.vector_store %arg2[%swap3A, %swap3A_17], %broadcast_in_dim3A_8 {strides = array<i32>} : memref<1x128xf32, #tpu.memory_space<vmem>>, vector<1x128xf32>,
      %swap3A_19 = arith.constant 0 : index
      %swap3A_20 = arith.constant 0 : index
      %swap3A_21 = vector.load %arg3[%swap3A_19, %swap3A_20] : memref<1x128xi32, #tpu.memory_space<vmem>>, vector<1x128xi32>
      tpu.vector_store %arg3[%swap3A_19, %swap3A_20], %broadcast_in_dim3A_9 {strides = array<i32>} : memref<1x128xi32, #tpu.memory_space<vmem>>, vector<1x128xi32>,
    } else {
    }
    %gt3A = arith.constant 0 : i32
    %gt3A_13 = arith.cmpi sgt, %arg0, %gt3A : i32
    %convert_element_type3A_14 = arith.extui %gt3A_13 : i1 to i32
    %cond3A_15 = arith.constant 0 : i32
    %cond3A_16 = arith.cmpi ne, %convert_element_type3A_14, %cond3A_15 : i32
    scf.if %cond3A_16 {
      %get3A_17 = arith.constant 0 : index
      %get3A_18 = arith.constant 0 : index
      %get3A_19 = vector.load %arg2[%get3A_17, %get3A_18] : memref<1x128xf32, #tpu.memory_space<vmem>>, vector<1x128xf32>
      %gt3A_20 = arith.cmpf ogt, %broadcast_in_dim3A_8, %get3A_19 : vector<1x128xf32>
      %select_n3A_21 = arith.select %gt3A_20, %broadcast_in_dim3A_8, %get3A_19 : vector<1x128xi1>, vector<1x128xf32>
      %swap3A = arith.constant 0 : index
      %swap3A_22 = arith.constant 0 : index
      %swap3A_23 = vector.load %arg2[%swap3A, %swap3A_22] : memref<1x128xf32, #tpu.memory_space<vmem>>, vector<1x128xf32>
      tpu.vector_store %arg2[%swap3A, %swap3A_22], %select_n3A_21 {strides = array<i32>} : memref<1x128xf32, #tpu.memory_space<vmem>>, vector<1x128xf32>,
      %get3A_24 = arith.constant 0 : index
      %get3A_25 = arith.constant 0 : index
      %get3A_26 = vector.load %arg3[%get3A_24, %get3A_25] : memref<1x128xi32, #tpu.memory_space<vmem>>, vector<1x128xi32>
      %select_n3A_27 = arith.select %gt3A_20, %broadcast_in_dim3A_9, %get3A_26 : vector<1x128xi1>, vector<1x128xi32>
      %swap3A_28 = arith.constant 0 : index
      %swap3A_29 = arith.constant 0 : index
      %swap3A_30 = vector.load %arg3[%swap3A_28, %swap3A_29] : memref<1x128xi32, #tpu.memory_space<vmem>>, vector<1x128xi32>
      tpu.vector_store %arg3[%swap3A_28, %swap3A_29], %select_n3A_27 {strides = array<i32>} : memref<1x128xi32, #tpu.memory_space<vmem>>, vector<1x128xi32>,
    } else {
    }
    return
  }
  func.func @transform_0(%arg0: i32) -> (i32, i32) {
    %c0_i32 = arith.constant 0 : i32
    %c0_i32_0 = arith.constant 0 : i32
    return %arg0, %c0_i32 : i32, i32
  }
  func.func @transform_1(%arg0: i32) -> (i32, i32) {
    %c0_i32 = arith.constant 0 : i32
    %c0_i32_0 = arith.constant 0 : i32
    %c0_i32_1 = arith.constant 0 : i32
    return %c0_i32, %c0_i32_0 : i32, i32
  }
  func.func @transform_2(%arg0: i32) -> (i32, i32) {
    %c0_i32 = arith.constant 0 : i32
    %c0_i32_0 = arith.constant 0 : i32
    %c0_i32_1 = arith.constant 0 : i32
    return %c0_i32, %c0_i32_0 : i32, i32
  }
}

</mosaic_0001>

<sc_bundles>
// kernel: kernel.4.cloned.1.call-start
scs
__scs_entry_jumppad:
0x0: {  	(pc) =	sbr.rel $0x88, $3  }
0x1: {  	(tag) =	ssettag $0x0;
	lr =	simm.s32 $0x1  }
0x2: {  	[smem:$0x3FA0] =	sst lr;
	_ =	strace $0xD0000000  }
0x3: {  	_ = 	snop  }
0x4: {  	_ = 	snop  }
0x5: {  	_ = 	snop  }
0x6: {  	_ = 	snop  }
0x7: {  	_ = 	snop  }
__scs_overlays_trampoline_lowered:
0x8: {  	[smem:$0x3FAF] =	sst s0  }
0x9: {  	[smem:$0x3FB0] =	sst s1  }
0xa: {  	[smem:$0x3FB1] =	sst s2  }
0xb: {  	[smem:$0x3FB2] =	sst s3  }
0xc: {  	[smem:$0x3FB3] =	sst s4  }
0xd: {  	[smem:$0x3FB4] =	sst s5  }
0xe: {  	[smem:$0x3FB5] =	sst s6  }
0xf: {  	[smem:$0x3FB6] =	sst s7  }
0x10: {  	[smem:$0x3FB7] =	sst s8  }
0x11: {  	[smem:$0x3FB8] =	sst s9;
	s0 =	simm.s32 @!p0 $0x0  }
0x12: {  	s1 =	sld [smem:$0x3F9E];
	s0 =	simm.s32 @p0 $0x1  }
0x13: {  	[smem:$0x3FB9] =	sst s0;
	s0 =	simm.s32 @!p1 $0x0  }
0x14: {  	s2 =	sld [smem:$0x3F9D];
	s0 =	simm.s32 @p1 $0x1  }
0x15: {  	[smem:$0x3FBA] =	sst s0;
	s0 =	simm.s32 @!p2 $0x0  }
0x16: {  	s3 =	sld [smem:$0x3FDB];
	s0 =	simm.s32 @p2 $0x1  }
0x17: {  	s4 =	simm.s32 $0x1BF5;
	[smem:$0x3FBC] =	sst s0  }
0x18: {  	s0 =	sld [smem:$0x3F9F];
	_ =	swait.ge [sflag:s4], $0x0  }
0x19: {  	s7 =	sld [smem:$0x3FA0]  }
0x1a: {  	s8 =	sadd.s32 $0xFFFFE003, lr  }
0x1b: {  	s9 =	sadd.s32 $0xFFFFFEF7, lr;
	s5 =	simm.s32 $0xFFFFFFFF;
	p2 =	slt.u32 s8, $0xFFFFF086  }
0x1c: {  	p1 =	slt.u32 s9, $0xF7A;
	s5 =	simm.s32 @!p2 $0x0  }
0x1d: {  	s5 =	simm.s32 @p1 $0x1;
	p0 =	seq.s32 s7, s2  }
0x1e: {  	s7 =	smul.u32 @!p0 $0xF7A, s2;
	p2 =	seq.s32 @!p0 s5, $0x0  }
0x1f: {  	s9 =	smul.u32 $0xF7A, s1;
	s8 =	simm.s32 @!p0 $0x1BF5;
	p2 =	por !p2, p0  }
0x20: {  	[sflag:s8] =	ssyncset.s32 @!p0 $0xFFFFF086;
	s6 =	sadd.s32 @!p0 s3, s7;
	s7 =	simm.s32 @!p0 $0x108  }
0x21: {  	s3 =	sadd.s32 s3, s9;
	s6 =	sadd.s32 @!p0 $0x88, s6;
	s7 =	simm.s32 @p2 $0x1082  }
0x22: {  	[simem:s7], [sflag:s8] =	dma.local @!p0 [hbm:s6], $0xF7A  }
0x23: {  	s9 =	sor.u32 $0xD0000000, s2;
	s6 =	simm.s32 $0x108;
	_ =	swait.ge @!p0 [sflag:s8], $0x0  }
0x24: {  	s3 =	sadd.s32 $0x88, s3;
	s6 =	simm.s32 @!p1 $0x1082;
	[sflag:s4] =	ssyncset.s32 $0xFFFFF086  }
0x25: {  	[simem:s6], [sflag:s4] =	dma.local [hbm:s3], $0xF7A  }
0x26: {  	[smem:$0x3FA0] =	sst s1;
	(tag) =	ssettag s2;
	_ =	strace s9  }
0x27: {  	s1 =	sld [smem:$0x3FB0]  }
0x28: {  	s2 =	sld [smem:$0x3FB1]  }
0x29: {  	s4 =	sld [smem:$0x3FB3]  }
0x2a: {  	p0 =	seq.s32 s5, $0x0;
	s5 =	sld [smem:$0x3FB4]  }
0x2b: {  	s6 =	sld [smem:$0x3FB5]  }
0x2c: {  	s7 =	sld [smem:$0x3FB6]  }
0x2d: {  	s3 =	simm.s32 $0x108;
	s8 =	sld [smem:$0x3FB7]  }
0x2e: {  	s3 =	simm.s32 @!p0 $0x1082;
	s9 =	sld [smem:$0x3FB8]  }
0x2f: {  	lr =	sadd.s32 s0, s3;
	s0 =	sld [smem:$0x3FAF]  }
0x30: {  	s3 =	sld [smem:$0x3FB2]  }
0x31: {  	[smem:$0x3FBB] =	sst s10  }
0x32: {  	s10 =	sld [smem:$0x3FB9];
	_ =	sdelay $0x3  }
0x33: {  	p0 =	seq.s32 s10, $0x1;
	s10 =	sld [smem:$0x3FBB];
	_ =	sdelay $0x3  }
0x34: {  	[smem:$0x3FBB] =	sst s10  }
0x35: {  	s10 =	sld [smem:$0x3FBA];
	_ =	sdelay $0x3  }
0x36: {  	p1 =	seq.s32 s10, $0x1;
	s10 =	sld [smem:$0x3FBB];
	_ =	sdelay $0x3  }
0x37: {  	[smem:$0x3FBB] =	sst s10  }
0x38: {  	s10 =	sld [smem:$0x3FBC]  }
0x39: {  	_ = 	snop;
	(pc) =	sbr.ind lr, $3  }
0x3a: {  	_ = 	snop  }
0x3b: {  	_ = 	snop  }
0x3c: {  	p2 =	seq.s32 s10, $0x1;
	s10 =	sld [smem:$0x3FBB]  }
0x3d: {  	_ =	shalt  }
0x3e: {  	_ =	shalt  }
0x3f: {  	_ =	shalt  }
0x40: {  	_ =	shalt  }
0x41: {  	_ =	shalt  }
0x42: {  	_ =	shalt  }
0x43: {  	_ =	shalt  }
0x44: {  	_ =	shalt  }
0x45: {  	_ =	shalt  }
0x46: {  	_ =	shalt  }
0x47: {  	_ =	shalt  }
0x48: {  	_ =	shalt  }
0x49: {  	_ =	shalt  }
0x4a: {  	_ =	shalt  }
0x4b: {  	_ =	shalt  }
0x4c: {  	_ =	shalt  }
0x4d: {  	_ =	shalt  }
0x4e: {  	_ =	shalt  }
0x4f: {  	_ =	shalt  }
0x50: {  	_ =	shalt  }
0x51: {  	_ =	shalt  }
0x52: {  	_ =	shalt  }
0x53: {  	_ =	shalt  }
0x54: {  	_ =	shalt  }
0x55: {  	_ =	shalt  }
0x56: {  	_ =	shalt  }
0x57: {  	_ =	shalt  }
0x58: {  	_ =	shalt  }
0x59: {  	_ =	shalt  }
0x5a: {  	_ =	shalt  }
0x5b: {  	_ =	shalt  }
0x5c: {  	_ =	shalt  }
0x5d: {  	_ =	shalt  }
0x5e: {  	_ =	shalt  }
0x5f: {  	_ =	shalt  }
0x60: {  	_ =	shalt  }
0x61: {  	_ =	shalt  }
0x62: {  	_ =	shalt  }
0x63: {  	_ =	shalt  }
0x64: {  	_ =	shalt  }
0x65: {  	_ =	shalt  }
0x66: {  	_ =	shalt  }
0x67: {  	_ =	shalt  }
0x68: {  	_ =	shalt  }
0x69: {  	_ =	shalt  }
0x6a: {  	_ =	shalt  }
0x6b: {  	_ =	shalt  }
0x6c: {  	_ =	shalt  }
0x6d: {  	_ =	shalt  }
0x6e: {  	_ =	shalt  }
0x6f: {  	_ =	shalt  }
0x70: {  	_ =	shalt  }
0x71: {  	_ =	shalt  }
0x72: {  	_ =	shalt  }
0x73: {  	_ =	shalt  }
0x74: {  	_ =	shalt  }
0x75: {  	_ =	shalt  }
0x76: {  	_ =	shalt  }
0x77: {  	_ =	shalt  }
0x78: {  	_ =	shalt  }
0x79: {  	_ =	shalt  }
0x7a: {  	_ =	shalt  }
0x7b: {  	_ =	shalt  }
0x7c: {  	_ =	shalt  }
0x7d: {  	_ =	shalt  }
0x7e: {  	_ =	shalt  }
0x7f: {  	_ =	shalt  }
0x80: {  	_ =	shalt  }
0x81: {  	_ =	shalt  }
0x82: {  	_ =	shalt  }
0x83: {  	_ =	shalt  }
0x84: {  	_ =	shalt  }
0x85: {  	_ =	shalt  }
0x86: {  	_ =	shalt  }
0x87: {  	_ =	shalt  }
.Lfunc_end0:
.L_simem_size_0:
called_computation_lowered:
.L_overlay_start_0:
0x88: {  	s2 =	sld [smem:$0x3FD9]  }
0x89: {  	s3 =	sld [smem:$0x3FFE];
	_ =	sdelay $0x1  }
0x8a: {  	s1 =	srdreg.scid  }
0x8b: {  	s0 =	sand.u32 $0x1, s1  }
0x8c: {  	s17 =	sshll.u32 s0, $0xA;
	s2 =	sadd.s32 s3, s2  }
0x8d: {  	s2 =	sadd.s32 s2, s17  }
0x8e: {  	[smem:$0x3FC7] =	sst s2  }
0x8f: {  	_ = 	snop  }
0x90: {  	s2 =	sld [smem:$0x3FC9];
	(tm) =	ssettm $0x1  }
0x91: {  	s18 =	sld [smem:$0x3FFB];
	_ =	sdelay $0x3  }
0x92: {  	_ =	strace s18  }
0x93: {  	s3 =	sld [smem:$0x3FFC];
	_ =	sdelay $0x3  }
0x94: {  	_ =	strace s3  }
0x95: {  	s3 =	sld [smem:$0x3FFD];
	_ =	sdelay $0x3  }
0x96: {  	_ =	strace s3  }
0x97: {  	_ =	strace $0x8FFFFFFF  }
0x98: {  	s19 =	sld [smem:$0x3FDB];
	_ =	sdelay $0x1  }
0x99: {  	s4 =	simm.s32 $_scs_section_size  }
0x9a: {  	s5 =	simm.s32 $_size__tile_overlayer_lowered;
	s6 =	simm.s32 $_tile_overlayer_lowered  }
0x9b: {  	s22 =	simm.s32 $0x1BFF;
	s21 =	sshll.u32 s6, $0x1;
	s3 =	sadd.s32 s4, s19  }
0x9c: {  	s7 =	simm.s32 $0x0;
	s20 =	sshll.u32 s5, $0x1;
	s5 =	sadd.s32 s21, s3  }
0x9d: {  	[timem:s7], [sflag:s22] =	dma.local [hbm:s5], s20  }
0x9e: {  	_ =	swait.ge [sflag:s22], s20  }
0x9f: {  	s4 =	ssub.s32 $0x0, s20;
	[sflag:s22] =	ssyncset.done $0x0  }
0xa0: {  	[sflag:s22] =	ssyncadd.s32 s4;
	_ =	sdelay $0x1  }
0xa1: {  	s23 =	simm.s32 $0x1B8B  }
0xa2: {  	_ =	swait.ge [sflag:s23], $0x1  }
0xa3: {  	[sflag:s23] =	ssyncset.done $0x0  }
0xa4: {  	s25 =	simm.s32 $0x1B8E;
	s24 =	sld [smem:$0x3FFE];
	[sflag:s23] =	ssyncadd.s32 $0xFFFFFFFF  }
0xa5: {  	s26 =	simm.s32 $execute0_lowered;
	[smem:$0x3FD2] =	sst s25  }
0xa6: {  	s5 =	sshll.u32 s26, $0x1;
	_ =	strace $0x80000046;
	[dreg:$0x1] =	wrdreg $0xFFFFFFFF  }
0xa7: {  	s28 =	simm.s32 $_size_execute0_lowered;
	s3 =	sadd.s32 s3, s5;
	[dreg:$0x0] =	wrdreg $0x0  }
0xa8: {  	s5 =	sshll.u32 s28, $0x1;
	[dreg:$0x2] =	wrdreg s3  }
0xa9: {  	[dreg:$0x3] =	wrdreg s5  }
0xaa: {  	[dreg:$0x4] =	wrdreg $0xC0  }
0xab: {  	_ =	task [dreg:s7], $0x5FFFF  }
0xac: {  	[dreg:$0x1] =	wrdreg $0xFFFFFFFF  }
0xad: {  	[dreg:$0x0] =	wrdreg $0x60  }
0xae: {  	[dreg:$0x2] =	wrdreg s2  }
0xaf: {  	[dreg:$0x3] =	wrdreg s24  }
0xb0: {  	[dreg:$0x4] =	wrdreg $0xBC000  }
0xb1: {  	[dreg:$0x5] =	wrdreg $0xBC800  }
0xb2: {  	[dreg:$0x6] =	wrdreg $0x9  }
0xb3: {  	_ =	task.clear_ibuf [dreg:s7], $0x7FFFF;
	_ =	strace $0x90000046  }
0xb4: {  	s29 =	simm.s32 $0x9;
	_ =	strace $0x80000048  }
0xb5: {  	_ =	swait.ge [sflag:s29], $0x1  }
0xb6: {  	[sflag:s29] =	ssyncadd.s32 $0xFFFFFFFF  }
0xb7: {  	_ =	strace $0x90000048  }
0xb8: {  	_ =	sfence  }
0xb9: {  	s30 =	sld [smem:$0x0];
	_ =	sdelay $0x2  }
0xba: {  	s31 =	sshll.u32 s1, $0xD;
	s1 =	sshrl.u32 s1, $0x2  }
0xbb: {  	s3 =	sand.u32 $0x4000, s31;
	s1 =	sadd.s32 s1, s30  }
0xbc: {  	s0 =	sor.u32 s3, s0;
	s1 =	sshll.u32 s1, $0x11  }
0xbd: {  	s0 =	sor.u32 s1, s0  }
0xbe: {  	s0 =	sadd.s32 $0x8F2B, s0  }
0xbf: {  	[sflag:s0] =	ssyncadd.remote.s32 $0x1  }
0xc0: {  	_ =	sfence.sel $0xFFFF  }
0xc1: {  	[dreg:$0x0] =	wrdreg $0xFFFFFFFF;
	(pc) =	sbr.abs _section_cstart, $3  }
0xc2: {  	[dreg:$0x1] =	wrdreg $0xFFFFFFFF  }
0xc3: {  	_ =	task.clear_ibuf [dreg:s7], $0x2FFFF;
	_ =	strace $0x9FFFFFFF  }
0xc4: {  	(tm) =	ssettm $0x7FFFFFFF  }
0xc5: {  	_ =	shalt  }
tec
execute0_lowered:
.L_overlay_start_1:
0x0: {  	(tag) =	ssettag $0x1  }
0x1: {  	s2 =	rddreg [dreg:$0x0]  }
0x2: {  	s3 =	rddreg [dreg:$0x1]  }
0x3: {  	s0 =	rddreg [dreg:$0x2];
	s1 =	srdreg.scid  }
0x4: {  	s28 =	stileid.u32;
	s7 =	rddreg [dreg:$0x3];
	s29 =	simm.s32 $0x1  }
0x5: {  	s30 =	simm.s32 $0x2;
	s31 =	simm.s32 $0x3;
	s5 =	sand.u32 $0x1, s1  }
0x6: {  	s20 =	sshll.u32 s28, $0x1;
	s6 =	sshll.u32 s28, $0x4;
	s1 =	simm.s32 $0x0  }
0x7: {  	s23 =	sshll.u32 s28, $0x7;
	p0 =	sgt.u32 s28, $0x7;
	s4 =	sshll.u32 s5, $0x7  }
0x8: {  	s8 =	sor.u32 s5, s20;
	[smem:$0x7FF] =	sst s1;
	s9 =	ssub.s32 $0x2, s5  }
0x9: {  	s24 =	sor.u32 $0x80, s6;
	s26 =	sor.u32 $0x100, s6;
	s11 =	sor.u32 $0x180, s6  }
0xa: {  	s13 =	sor.u32 $0x200, s6;
	s16 =	sor.u32 $0x280, s6;
	s19 =	sor.u32 $0x300, s6  }
0xb: {  	s5 =	smul.u32 $0x5B8, s5;
	s4 =	sadd.s32 s6, s4;
	s25 =	sadd.s32 s24, s0  }
0xc: {  	s8 =	smul.u32 $0x5B8, s8;
	s10 =	sadd.s32 s26, s0;
	[dreg:$0x5] =	wrdreg s25  }
0xd: {  	s21 =	sshrl.u32 s9, $0x1;
	s12 =	sadd.s32 s11, s0;
	[dreg:$0x7] =	wrdreg s10  }
0xe: {  	s14 =	sadd.s32 s13, s0;
	s17 =	sadd.s32 s16, s0;
	[dreg:$0x9] =	wrdreg s12  }
0xf: {  	s20 =	sadd.s32 s19, s0;
	s4 =	sshrl.u32 s4, $0x3;
	[dreg:$0xb] =	wrdreg s14  }
0x10: {  	s18 =	ssub.s32 s9, s21;
	s9 =	sadd.s32 s24, s7;
	[dreg:$0xd] =	wrdreg s17  }
0x11: {  	[dreg:$0xf] =	wrdreg s20;
	s21 =	sor.u32 $0x380, s6;
	s25 =	sor.u32 $0x480, s6  }
0x12: {  	s10 =	sor.u32 $0x500, s6;
	[dreg:$0x6] =	wrdreg s9;
	s9 =	sadd.s32 s11, s7  }
0x13: {  	s17 =	sor.u32 $0x680, s6;
	s11 =	sadd.s32 s10, s0;
	[dreg:$0xa] =	wrdreg s9  }
0x14: {  	s8 =	smin.u32 s8, $0xB0E0;
	s20 =	sadd.s32 s17, s7;
	[dreg:$0x17] =	wrdreg s11  }
0x15: {  	s22 =	sshll.u32 s8, $0x4;
	s8 =	sadd.s32 s26, s7;
	[dreg:$0x1e] =	wrdreg s20  }
0x16: {  	s12 =	sor.u32 $0x580, s6;
	s9 =	sadd.s32 s16, s7;
	[dreg:$0x8] =	wrdreg s8  }
0x17: {  	s14 =	sor.u32 $0x600, s6;
	s26 =	sadd.s32 s25, s0;
	[dreg:$0xe] =	wrdreg s9  }
0x18: {  	s4 =	sadd.s32 s4, s3;
	s16 =	sadd.s32 s14, s0;
	[dreg:$0x15] =	wrdreg s26  }
0x19: {  	s3 =	sadd.s32 s23, s7;
	s8 =	sadd.s32 s13, s7;
	[dreg:$0x1b] =	wrdreg s16  }
0x1a: {  	s15 =	sadd.s32 s2, s22;
	s22 =	sadd.s32 s21, s0;
	[dreg:$0xc] =	wrdreg s8  }
0x1b: {  	s18 =	smax.u32 s18, $0x1;
	s9 =	sadd.s32 s21, s7;
	[dreg:$0x11] =	wrdreg s22  }
0x1c: {  	s2 =	sadd.s32 s23, s0;
	s13 =	sadd.s32 s12, s0;
	[dreg:$0x12] =	wrdreg s9  }
0x1d: {  	s23 =	sor.u32 $0x400, s6;
	s21 =	sadd.s32 s6, s0;
	[dreg:$0x19] =	wrdreg s13  }
0x1e: {  	s16 =	sadd.s32 $0xA00, s4;
	s8 =	sadd.s32 s19, s7;
	[dreg:$0x1f] =	wrdreg s21  }
0x1f: {  	s24 =	sadd.s32 s23, s0;
	s9 =	sadd.s32 s25, s7;
	[dreg:$0x10] =	wrdreg s8  }
0x20: {  	s19 =	sadd.s32 s17, s0;
	s22 =	sadd.s32 s6, s7;
	[dreg:$0x13] =	wrdreg s24  }
0x21: {  	s11 =	sadd.s32 $0xD2280, s15;
	s13 =	sadd.s32 $0xD3980, s15;
	[dreg:$0x16] =	wrdreg s9  }
0x22: {  	s17 =	sadd.s32 $0xC00, s4;
	s8 =	sadd.s32 s23, s7;
	[dreg:$0x1d] =	wrdreg s19  }
0x23: {  	s9 =	sadd.s32 s12, s7;
	[smem:$0x7F9] =	sst s22;
	s23 =	sor.u32 $0x700, s6  }
0x24: {  	s6 =	sor.u32 $0x780, s6;
	s24 =	smul.u32 $0xB70, s28;
	[dreg:$0x14] =	wrdreg s8  }
0x25: {  	s12 =	sadd.s32 $0xD2E00, s15;
	s8 =	sadd.s32 s10, s7;
	[dreg:$0x1a] =	wrdreg s9  }
0x26: {  	s28 =	simm.s32 $0x5C00;
	s10 =	sadd.s32 s23, s0;
	[dreg:$0x18] =	wrdreg s8  }
0x27: {  	s0 =	sadd.s32 s6, s0;
	s25 =	sadd.s32 s6, s7;
	[smem:$0x7FA] =	sst s10  }
0x28: {  	s9 =	sadd.s32 $0xD0B80, s15;
	s8 =	sadd.s32 s14, s7;
	[smem:$0x7FC] =	sst s0  }
0x29: {  	[smem:$0x7FD] =	sst s25;
	s26 =	sadd.s32 s5, s24;
	s10 =	sadd.s32 $0xD1700, s15  }
0x2a: {  	s14 =	sadd.s32 $0xD4500, s15;
	[dreg:$0x1c] =	wrdreg s8;
	s8 =	sadd.s32 s23, s7  }
.Ltmp0:
0x2b: {  	s0 =	smin.u32 s26, $0xB0E0;
	[smem:$0x7FB] =	sst s8;
	(pc) =	sbr.rel .LBB2_1-.Ltmp0, $4  }
0x2c: {  	s8 =	sadd.s32 $0xD0000, s15;
	s15 =	sadd.s32 $0xD5080, s15;
	s19 =	sadd.s32 $0xD000, s0  }
0x2d: {  	s20 =	sadd.s32 $0xD0B8, s0;
	s21 =	sadd.s32 $0xD170, s0;
	s22 =	sadd.s32 $0xD228, s0  }
0x2e: {  	s23 =	sadd.s32 $0xD2E0, s0;
	s24 =	sadd.s32 $0xD398, s0;
	s25 =	sadd.s32 $0xD450, s0  }
0x2f: {  	s26 =	sadd.s32 $0xD508, s0;
	s0 =	simm.s32 $0x0;
	_ =	strace $0x80000047  }
.LBB2_19:
0x30: {  	s0 =	sadd.s32 $0x1, s0  }
0x31: {  	p1 =	sne.s32 s0, s18  }
.Ltmp1:
0x32: {  	_ = 	snop;
	(pc) =	sbr.rel @!p1 .LBB2_20-.Ltmp1, $1  }
0x33: {  	_ =	sdelay $0x3  }
.LBB2_1:
0x34: {  	[tilespmem:s1], [sflag:$0x1] =	stream.linear.gather [hbm4b:s8+s1], $0x5C00, $0x38;
	[tilespmem:$0xBD00] =	vst v63  }
0x35: {  	_ = 	snop  }
0x36: {  	[tilespmem:s28], [sflag:$0x2] =	stream.linear.gather [hbm4b:s9+s1], $0x5C00, $0x38;
	[tilespmem:$0xBD00] =	vst v63  }
0x37: {  	_ =	swait.ge [sflag:s29], $0x5C00  }
0x38: {  	[sflag:s29] =	ssyncset.done $0x0  }
0x39: {  	s4 =	simm.s32 $0x40;
	[sflag:s29] =	ssyncadd.s32 $0xFFFFA400  }
0x3a: {  	v2 =	vld [tilespmem:s4+$0xFFFFFFC0]  }
0x3b: {  	v4 =	vld [tilespmem:s4+$0xFFFFFFD0]  }
0x3c: {  	v6 =	vld [tilespmem:s4+$0xFFFFFFE0]  }
0x3d: {  	v7 =	vld [tilespmem:s4+$0xFFFFFFF0]  }
0x3e: {  	v8 =	vld [tilespmem:s4+$0x0]  }
0x3f: {  	v10 =	vld [tilespmem:s4+$0x10]  }
0x40: {  	v11 =	vld [tilespmem:s4+$0x20];
	_ =	sdelay $0x1  }
0x41: {  	v12 =	vimm.f32 $-Inf;
	s6 =	simm.s32 $0xC0;
	v13 =	vld [tilespmem:s4+$0x30]  }
0x42: {  	v0 =	vimm.s32 $0x0;
	v22 =	vld [tilespmem:s6+$0xFFFFFFC0];
	vm0 =	vgt.f32 v2, v12;
	vm1 =	vgt.f32 v4, v12  }
0x43: {  	v1 =	vld [tilespmem:s6+$0xFFFFFFD0];
	vm2 =	vgt.f32 v6, v12;
	vm3 =	vgt.f32 v7, v12;
	vm4 =	vgt.f32 v8, v12  }
0x44: {  	s4 =	sadd.s32 $0x0, s19;
	v23 =	vld [tilespmem:s6+$0xFFFFFFE0];
	vm5 =	vgt.f32 v10, v12;
	vm6 =	vgt.f32 v11, v12;
	v3 =	vsel vm0, v2, v12  }
0x45: {  	v16 =	vld [tilespmem:s6+$0x0];
	v5 =	vsel vm0, s4, v0;
	v4 =	vsel vm1, v4, v12;
	v6 =	vsel vm2, v6, v12  }
0x46: {  	v9 =	vld [tilespmem:s6+$0x10];
	v7 =	vsel vm3, v7, v12;
	v8 =	vsel vm4, v8, v12;
	vm0 =	vgt.f32 v13, v12  }
0x47: {  	v2 =	vld [tilespmem:s6+$0xFFFFFFF0];
	v10 =	vsel vm5, v10, v12;
	v11 =	vsel vm6, v11, v12;
	v14 =	vsel vm2, s4, v0  }
0x48: {  	v20 =	vld [tilespmem:s6+$0x20];
	v15 =	vsel vm3, s4, v0;
	v17 =	vsel vm4, s4, v0;
	v18 =	vsel vm5, s4, v0  }
0x49: {  	s5 =	simm.s32 $0x1;
	s7 =	simm.s32 $0x2;
	v21 =	vld [tilespmem:s6+$0x30];
	s6 =	simm.s32 $0x140;
	v19 =	vsel vm6, s4, v0;
	v12 =	vsel vm0, v13, v12;
	v13 =	vsel vm1, s4, v0  }
.LBB2_2:
0x4a: {  	v24 =	vld [tilespmem:s6+$0xFFFFFFC0];
	p1 =	sne.s32 s7, $0xB7;
	vm1 =	vgt.f32 v22, v3;
	vm2 =	vgt.f32 v1, v4;
	v0 =	vsel vm0, s4, v0;
	s4 =	sadd.s32 s5, s19;
	s5 =	smov.u32 s7  }
0x4b: {  	v3 =	vsel vm1, v22, v3;
	v5 =	vsel vm1, s4, v5;
	v4 =	vsel vm2, v1, v4;
	v1 =	vld [tilespmem:s6+$0xFFFFFFD0]  }
0x4c: {  	vm3 =	vgt.f32 v2, v7;
	vm1 =	vgt.f32 v23, v6;
	vm4 =	vgt.f32 v16, v8;
	v25 =	vld [tilespmem:s6+$0xFFFFFFE0]  }
.Ltmp2:
0x4d: {  	v7 =	vsel vm3, v2, v7;
	v6 =	vsel vm1, v23, v6;
	v8 =	vsel vm4, v16, v8;
	v2 =	vld [tilespmem:s6+$0xFFFFFFF0];
	(pc) =	sbr.rel @p1 .LBB2_2-.Ltmp2, $4  }
0x4e: {  	vm5 =	vgt.f32 v9, v10;
	vm6 =	vgt.f32 v20, v11;
	v16 =	vld [tilespmem:s6+$0x0];
	vm0 =	vgt.f32 v21, v12  }
0x4f: {  	v10 =	vsel vm5, v9, v10;
	v11 =	vsel vm6, v20, v11;
	v9 =	vld [tilespmem:s6+$0x10];
	v12 =	vsel vm0, v21, v12;
	v22 =	vmovc v24  }
0x50: {  	v13 =	vsel vm2, s4, v13;
	v15 =	vsel vm3, s4, v15;
	v14 =	vsel vm1, s4, v14;
	v20 =	vld [tilespmem:s6+$0x20]  }
0x51: {  	s7 =	sadd.s32 $0x1, s7;
	v17 =	vsel vm4, s4, v17;
	v18 =	vsel vm5, s4, v18;
	v19 =	vsel vm6, s4, v19;
	v21 =	vld [tilespmem:s6+$0x30];
	s6 =	sadd.s32 $0x80, s6;
	v23 =	vmovc v25  }
0x52: {  	s6 =	simm.s32 $0x0  }
0x53: {  	[tilespmem:s6], [sflag:$0x1] =	stream.linear.gather [hbm4b:s10+s6], $0x5C00, $0x38;
	[tilespmem:$0xBD00] =	vst v63  }
0x54: {  	_ =	swait.ge [sflag:s30], $0x5C00  }
0x55: {  	[sflag:s30] =	ssyncset.done $0x0  }
0x56: {  	s7 =	simm.s32 $0x5C40;
	[sflag:s30] =	ssyncadd.s32 $0xFFFFA400  }
0x57: {  	v24 =	vld [tilespmem:s7+$0xFFFFFFC0]  }
0x58: {  	vm1 =	vgt.f32 v22, v3;
	vm2 =	vgt.f32 v1, v4;
	v0 =	vsel vm0, s4, v0;
	v25 =	vld [tilespmem:s7+$0xFFFFFFD0]  }
0x59: {  	s5 =	sadd.s32 s5, s19;
	vm0 =	vgt.f32 v23, v6;
	v3 =	vsel vm1, v22, v3;
	vm3 =	vgt.f32 v16, v8;
	v26 =	vld [tilespmem:s7+$0xFFFFFFE0]  }
0x5a: {  	v5 =	vsel vm1, s5, v5;
	v4 =	vsel vm2, v1, v4;
	v8 =	vsel vm3, v16, v8;
	v16 =	vld [tilespmem:s7+$0xFFFFFFF0]  }
0x5b: {  	vm1 =	vgt.f32 v2, v7;
	v6 =	vsel vm0, v23, v6;
	vm5 =	vgt.f32 v20, v11;
	v27 =	vld [tilespmem:s7+$0x0]  }
0x5c: {  	v13 =	vsel vm2, s5, v13;
	vm6 =	vgt.f32 v21, v12;
	v11 =	vsel vm5, v20, v11;
	v20 =	vld [tilespmem:s7+$0x10]  }
0x5d: {  	v14 =	vsel vm0, s5, v14;
	v7 =	vsel vm1, v2, v7;
	v12 =	vsel vm6, v21, v12;
	v21 =	vld [tilespmem:s7+$0x20]  }
0x5e: {  	vm4 =	vgt.f32 v9, v10;
	v15 =	vsel vm1, s5, v15;
	v17 =	vsel vm3, s5, v17  }
0x5f: {  	v10 =	vsel vm4, v9, v10;
	v18 =	vsel vm4, s5, v18;
	v19 =	vsel vm5, s5, v19;
	v28 =	vld [tilespmem:s7+$0x30];
	s7 =	simm.s32 $0x5CC0  }
0x60: {  	v0 =	vsel vm6, s5, v0;
	v22 =	vld [tilespmem:s7+$0xFFFFFFC0];
	vm0 =	vgt.f32 v24, v3;
	vm1 =	vgt.f32 v25, v4  }
0x61: {  	v1 =	vld [tilespmem:s7+$0xFFFFFFD0];
	vm2 =	vgt.f32 v26, v6;
	vm3 =	vgt.f32 v16, v7;
	vm13 =	vgt.f32 v27, v8  }
0x62: {  	s4 =	sadd.s32 $0x0, s20;
	v23 =	vld [tilespmem:s7+$0xFFFFFFE0];
	vm14 =	vgt.f32 v20, v10;
	vm15 =	vgt.f32 v21, v11;
	v3 =	vsel vm0, v24, v3  }
0x63: {  	v2 =	vld [tilespmem:s7+$0xFFFFFFF0];
	v5 =	vsel vm0, s4, v5;
	v4 =	vsel vm1, v25, v4;
	v6 =	vsel vm2, v26, v6  }
0x64: {  	v9 =	vld [tilespmem:s7+$0x10];
	v7 =	vsel vm3, v16, v7;
	v8 =	vsel vm13, v27, v8;
	vm0 =	vgt.f32 v28, v12  }
0x65: {  	v16 =	vld [tilespmem:s7+$0x0];
	v10 =	vsel vm14, v20, v10;
	v11 =	vsel vm15, v21, v11;
	v13 =	vsel vm1, s4, v13  }
0x66: {  	v20 =	vld [tilespmem:s7+$0x20];
	v14 =	vsel vm2, s4, v14;
	v15 =	vsel vm3, s4, v15;
	v17 =	vsel vm13, s4, v17  }
0x67: {  	s6 =	simm.s32 $0x5D40;
	s5 =	simm.s32 $0x1;
	v21 =	vld [tilespmem:s7+$0x30];
	s7 =	simm.s32 $0x2;
	v18 =	vsel vm14, s4, v18;
	v19 =	vsel vm15, s4, v19;
	v12 =	vsel vm0, v28, v12  }
.LBB2_4:
0x68: {  	v24 =	vld [tilespmem:s6+$0xFFFFFFC0];
	p1 =	sne.s32 s7, $0xB7;
	vm1 =	vgt.f32 v22, v3;
	vm2 =	vgt.f32 v1, v4;
	v0 =	vsel vm0, s4, v0;
	s4 =	sadd.s32 s5, s20;
	s5 =	smov.u32 s7  }
0x69: {  	v3 =	vsel vm1, v22, v3;
	v5 =	vsel vm1, s4, v5;
	v4 =	vsel vm2, v1, v4;
	v1 =	vld [tilespmem:s6+$0xFFFFFFD0]  }
0x6a: {  	vm3 =	vgt.f32 v2, v7;
	vm1 =	vgt.f32 v23, v6;
	vm4 =	vgt.f32 v16, v8;
	v25 =	vld [tilespmem:s6+$0xFFFFFFE0]  }
.Ltmp3:
0x6b: {  	v7 =	vsel vm3, v2, v7;
	v6 =	vsel vm1, v23, v6;
	v8 =	vsel vm4, v16, v8;
	v2 =	vld [tilespmem:s6+$0xFFFFFFF0];
	(pc) =	sbr.rel @p1 .LBB2_4-.Ltmp3, $4  }
0x6c: {  	vm5 =	vgt.f32 v9, v10;
	vm6 =	vgt.f32 v20, v11;
	v16 =	vld [tilespmem:s6+$0x0];
	vm0 =	vgt.f32 v21, v12  }
0x6d: {  	v10 =	vsel vm5, v9, v10;
	v11 =	vsel vm6, v20, v11;
	v9 =	vld [tilespmem:s6+$0x10];
	v12 =	vsel vm0, v21, v12;
	v22 =	vmovc v24  }
0x6e: {  	v13 =	vsel vm2, s4, v13;
	v15 =	vsel vm3, s4, v15;
	v14 =	vsel vm1, s4, v14;
	v20 =	vld [tilespmem:s6+$0x20]  }
0x6f: {  	s7 =	sadd.s32 $0x1, s7;
	v17 =	vsel vm4, s4, v17;
	v18 =	vsel vm5, s4, v18;
	v19 =	vsel vm6, s4, v19;
	v21 =	vld [tilespmem:s6+$0x30];
	s6 =	sadd.s32 $0x80, s6;
	v23 =	vmovc v25  }
0x70: {  	s6 =	simm.s32 $0x0  }
0x71: {  	[tilespmem:s28], [sflag:$0x2] =	stream.linear.gather [hbm4b:s11+s6], $0x5C00, $0x38;
	[tilespmem:$0xBD00] =	vst v63  }
0x72: {  	_ =	swait.ge [sflag:s29], $0x5C00  }
0x73: {  	[sflag:s29] =	ssyncset.done $0x0  }
0x74: {  	s7 =	simm.s32 $0x40;
	[sflag:s29] =	ssyncadd.s32 $0xFFFFA400  }
0x75: {  	v24 =	vld [tilespmem:s7+$0xFFFFFFC0]  }
0x76: {  	vm1 =	vgt.f32 v22, v3;
	vm2 =	vgt.f32 v1, v4;
	v0 =	vsel vm0, s4, v0;
	v25 =	vld [tilespmem:s7+$0xFFFFFFD0]  }
0x77: {  	s5 =	sadd.s32 s5, s20;
	vm0 =	vgt.f32 v23, v6;
	v3 =	vsel vm1, v22, v3;
	vm3 =	vgt.f32 v16, v8;
	v26 =	vld [tilespmem:s7+$0xFFFFFFE0]  }
0x78: {  	v5 =	vsel vm1, s5, v5;
	v4 =	vsel vm2, v1, v4;
	v8 =	vsel vm3, v16, v8;
	v16 =	vld [tilespmem:s7+$0xFFFFFFF0]  }
0x79: {  	vm1 =	vgt.f32 v2, v7;
	v6 =	vsel vm0, v23, v6;
	vm5 =	vgt.f32 v20, v11;
	v27 =	vld [tilespmem:s7+$0x0]  }
0x7a: {  	v13 =	vsel vm2, s5, v13;
	vm6 =	vgt.f32 v21, v12;
	v11 =	vsel vm5, v20, v11;
	v20 =	vld [tilespmem:s7+$0x10]  }
0x7b: {  	v14 =	vsel vm0, s5, v14;
	v7 =	vsel vm1, v2, v7;
	v12 =	vsel vm6, v21, v12;
	v21 =	vld [tilespmem:s7+$0x20]  }
0x7c: {  	vm4 =	vgt.f32 v9, v10;
	v15 =	vsel vm1, s5, v15;
	v17 =	vsel vm3, s5, v17  }
0x7d: {  	v10 =	vsel vm4, v9, v10;
	v18 =	vsel vm4, s5, v18;
	v19 =	vsel vm5, s5, v19;
	v28 =	vld [tilespmem:s7+$0x30];
	s7 =	simm.s32 $0xC0  }
0x7e: {  	v0 =	vsel vm6, s5, v0;
	v22 =	vld [tilespmem:s7+$0xFFFFFFC0];
	vm0 =	vgt.f32 v24, v3;
	vm1 =	vgt.f32 v25, v4  }
0x7f: {  	v1 =	vld [tilespmem:s7+$0xFFFFFFD0];
	vm2 =	vgt.f32 v26, v6;
	vm3 =	vgt.f32 v16, v7;
	vm13 =	vgt.f32 v27, v8  }
0x80: {  	s4 =	sadd.s32 $0x0, s21;
	v23 =	vld [tilespmem:s7+$0xFFFFFFE0];
	vm14 =	vgt.f32 v20, v10;
	vm15 =	vgt.f32 v21, v11;
	v3 =	vsel vm0, v24, v3  }
0x81: {  	v2 =	vld [tilespmem:s7+$0xFFFFFFF0];
	v5 =	vsel vm0, s4, v5;
	v4 =	vsel vm1, v25, v4;
	v6 =	vsel vm2, v26, v6  }
0x82: {  	v9 =	vld [tilespmem:s7+$0x10];
	v7 =	vsel vm3, v16, v7;
	v8 =	vsel vm13, v27, v8;
	vm0 =	vgt.f32 v28, v12  }
0x83: {  	v16 =	vld [tilespmem:s7+$0x0];
	v10 =	vsel vm14, v20, v10;
	v11 =	vsel vm15, v21, v11;
	v13 =	vsel vm1, s4, v13  }
0x84: {  	v20 =	vld [tilespmem:s7+$0x20];
	v14 =	vsel vm2, s4, v14;
	v15 =	vsel vm3, s4, v15;
	v17 =	vsel vm13, s4, v17  }
0x85: {  	s6 =	simm.s32 $0x140;
	s5 =	simm.s32 $0x1;
	v21 =	vld [tilespmem:s7+$0x30];
	s7 =	simm.s32 $0x2;
	v18 =	vsel vm14, s4, v18;
	v19 =	vsel vm15, s4, v19;
	v12 =	vsel vm0, v28, v12  }
.LBB2_6:
0x86: {  	v24 =	vld [tilespmem:s6+$0xFFFFFFC0];
	p1 =	sne.s32 s7, $0xB7;
	vm1 =	vgt.f32 v22, v3;
	vm2 =	vgt.f32 v1, v4;
	v0 =	vsel vm0, s4, v0;
	s4 =	sadd.s32 s5, s21;
	s5 =	smov.u32 s7  }
0x87: {  	v3 =	vsel vm1, v22, v3;
	v5 =	vsel vm1, s4, v5;
	v4 =	vsel vm2, v1, v4;
	v1 =	vld [tilespmem:s6+$0xFFFFFFD0]  }
0x88: {  	vm3 =	vgt.f32 v2, v7;
	vm1 =	vgt.f32 v23, v6;
	vm4 =	vgt.f32 v16, v8;
	v25 =	vld [tilespmem:s6+$0xFFFFFFE0]  }
.Ltmp4:
0x89: {  	v7 =	vsel vm3, v2, v7;
	v6 =	vsel vm1, v23, v6;
	v8 =	vsel vm4, v16, v8;
	v2 =	vld [tilespmem:s6+$0xFFFFFFF0];
	(pc) =	sbr.rel @p1 .LBB2_6-.Ltmp4, $4  }
0x8a: {  	vm5 =	vgt.f32 v9, v10;
	vm6 =	vgt.f32 v20, v11;
	v16 =	vld [tilespmem:s6+$0x0];
	vm0 =	vgt.f32 v21, v12  }
0x8b: {  	v10 =	vsel vm5, v9, v10;
	v11 =	vsel vm6, v20, v11;
	v9 =	vld [tilespmem:s6+$0x10];
	v12 =	vsel vm0, v21, v12;
	v22 =	vmovc v24  }
0x8c: {  	v13 =	vsel vm2, s4, v13;
	v15 =	vsel vm3, s4, v15;
	v14 =	vsel vm1, s4, v14;
	v20 =	vld [tilespmem:s6+$0x20]  }
0x8d: {  	s7 =	sadd.s32 $0x1, s7;
	v17 =	vsel vm4, s4, v17;
	v18 =	vsel vm5, s4, v18;
	v19 =	vsel vm6, s4, v19;
	v21 =	vld [tilespmem:s6+$0x30];
	s6 =	sadd.s32 $0x80, s6;
	v23 =	vmovc v25  }
0x8e: {  	s6 =	simm.s32 $0x0  }
0x8f: {  	[tilespmem:s6], [sflag:$0x1] =	stream.linear.gather [hbm4b:s12+s6], $0x5C00, $0x38;
	[tilespmem:$0xBD00] =	vst v63  }
0x90: {  	_ =	swait.ge [sflag:s30], $0x5C00  }
0x91: {  	[sflag:s30] =	ssyncset.done $0x0  }
0x92: {  	s7 =	simm.s32 $0x5C40;
	[sflag:s30] =	ssyncadd.s32 $0xFFFFA400  }
0x93: {  	v24 =	vld [tilespmem:s7+$0xFFFFFFC0]  }
0x94: {  	vm1 =	vgt.f32 v22, v3;
	vm2 =	vgt.f32 v1, v4;
	v0 =	vsel vm0, s4, v0;
	v25 =	vld [tilespmem:s7+$0xFFFFFFD0]  }
0x95: {  	s5 =	sadd.s32 s5, s21;
	vm0 =	vgt.f32 v23, v6;
	v3 =	vsel vm1, v22, v3;
	vm3 =	vgt.f32 v16, v8;
	v26 =	vld [tilespmem:s7+$0xFFFFFFE0]  }
0x96: {  	v5 =	vsel vm1, s5, v5;
	v4 =	vsel vm2, v1, v4;
	v8 =	vsel vm3, v16, v8;
	v16 =	vld [tilespmem:s7+$0xFFFFFFF0]  }
0x97: {  	vm1 =	vgt.f32 v2, v7;
	v6 =	vsel vm0, v23, v6;
	vm5 =	vgt.f32 v20, v11;
	v27 =	vld [tilespmem:s7+$0x0]  }
0x98: {  	v13 =	vsel vm2, s5, v13;
	vm6 =	vgt.f32 v21, v12;
	v11 =	vsel vm5, v20, v11;
	v20 =	vld [tilespmem:s7+$0x10]  }
0x99: {  	v14 =	vsel vm0, s5, v14;
	v7 =	vsel vm1, v2, v7;
	v12 =	vsel vm6, v21, v12;
	v21 =	vld [tilespmem:s7+$0x20]  }
0x9a: {  	vm4 =	vgt.f32 v9, v10;
	v15 =	vsel vm1, s5, v15;
	v17 =	vsel vm3, s5, v17  }
0x9b: {  	v10 =	vsel vm4, v9, v10;
	v18 =	vsel vm4, s5, v18;
	v19 =	vsel vm5, s5, v19;
	v28 =	vld [tilespmem:s7+$0x30];
	s7 =	simm.s32 $0x5CC0  }
0x9c: {  	v0 =	vsel vm6, s5, v0;
	v22 =	vld [tilespmem:s7+$0xFFFFFFC0];
	vm0 =	vgt.f32 v24, v3;
	vm1 =	vgt.f32 v25, v4  }
0x9d: {  	v1 =	vld [tilespmem:s7+$0xFFFFFFD0];
	vm2 =	vgt.f32 v26, v6;
	vm3 =	vgt.f32 v16, v7;
	vm13 =	vgt.f32 v27, v8  }
0x9e: {  	s4 =	sadd.s32 $0x0, s22;
	v23 =	vld [tilespmem:s7+$0xFFFFFFE0];
	vm14 =	vgt.f32 v20, v10;
	vm15 =	vgt.f32 v21, v11;
	v3 =	vsel vm0, v24, v3  }
0x9f: {  	v2 =	vld [tilespmem:s7+$0xFFFFFFF0];
	v5 =	vsel vm0, s4, v5;
	v4 =	vsel vm1, v25, v4;
	v6 =	vsel vm2, v26, v6  }
0xa0: {  	v9 =	vld [tilespmem:s7+$0x10];
	v7 =	vsel vm3, v16, v7;
	v8 =	vsel vm13, v27, v8;
	vm0 =	vgt.f32 v28, v12  }
0xa1: {  	v16 =	vld [tilespmem:s7+$0x0];
	v10 =	vsel vm14, v20, v10;
	v11 =	vsel vm15, v21, v11;
	v13 =	vsel vm1, s4, v13  }
0xa2: {  	v20 =	vld [tilespmem:s7+$0x20];
	v14 =	vsel vm2, s4, v14;
	v15 =	vsel vm3, s4, v15;
	v17 =	vsel vm13, s4, v17  }
0xa3: {  	s6 =	simm.s32 $0x5D40;
	s5 =	simm.s32 $0x1;
	v21 =	vld [tilespmem:s7+$0x30];
	s7 =	simm.s32 $0x2;
	v18 =	vsel vm14, s4, v18;
	v19 =	vsel vm15, s4, v19;
	v12 =	vsel vm0, v28, v12  }
.LBB2_8:
0xa4: {  	v24 =	vld [tilespmem:s6+$0xFFFFFFC0];
	p1 =	sne.s32 s7, $0xB7;
	vm1 =	vgt.f32 v22, v3;
	vm2 =	vgt.f32 v1, v4;
	v0 =	vsel vm0, s4, v0;
	s4 =	sadd.s32 s5, s22;
	s5 =	smov.u32 s7  }
0xa5: {  	v3 =	vsel vm1, v22, v3;
	v5 =	vsel vm1, s4, v5;
	v4 =	vsel vm2, v1, v4;
	v1 =	vld [tilespmem:s6+$0xFFFFFFD0]  }
0xa6: {  	vm3 =	vgt.f32 v2, v7;
	vm1 =	vgt.f32 v23, v6;
	vm4 =	vgt.f32 v16, v8;
	v25 =	vld [tilespmem:s6+$0xFFFFFFE0]  }
.Ltmp5:
0xa7: {  	v7 =	vsel vm3, v2, v7;
	v6 =	vsel vm1, v23, v6;
	v8 =	vsel vm4, v16, v8;
	v2 =	vld [tilespmem:s6+$0xFFFFFFF0];
	(pc) =	sbr.rel @p1 .LBB2_8-.Ltmp5, $4  }
0xa8: {  	vm5 =	vgt.f32 v9, v10;
	vm6 =	vgt.f32 v20, v11;
	v16 =	vld [tilespmem:s6+$0x0];
	vm0 =	vgt.f32 v21, v12  }
0xa9: {  	v10 =	vsel vm5, v9, v10;
	v11 =	vsel vm6, v20, v11;
	v9 =	vld [tilespmem:s6+$0x10];
	v12 =	vsel vm0, v21, v12;
	v22 =	vmovc v24  }
0xaa: {  	v13 =	vsel vm2, s4, v13;
	v15 =	vsel vm3, s4, v15;
	v14 =	vsel vm1, s4, v14;
	v20 =	vld [tilespmem:s6+$0x20]  }
0xab: {  	s7 =	sadd.s32 $0x1, s7;
	v17 =	vsel vm4, s4, v17;
	v18 =	vsel vm5, s4, v18;
	v19 =	vsel vm6, s4, v19;
	v21 =	vld [tilespmem:s6+$0x30];
	s6 =	sadd.s32 $0x80, s6;
	v23 =	vmovc v25  }
0xac: {  	s6 =	simm.s32 $0x0  }
0xad: {  	[tilespmem:s28], [sflag:$0x2] =	stream.linear.gather [hbm4b:s13+s6], $0x5C00, $0x38;
	[tilespmem:$0xBD00] =	vst v63  }
0xae: {  	_ =	swait.ge [sflag:s29], $0x5C00  }
0xaf: {  	[sflag:s29] =	ssyncset.done $0x0  }
0xb0: {  	s7 =	simm.s32 $0x40;
	[sflag:s29] =	ssyncadd.s32 $0xFFFFA400  }
0xb1: {  	v24 =	vld [tilespmem:s7+$0xFFFFFFC0]  }
0xb2: {  	vm1 =	vgt.f32 v22, v3;
	vm2 =	vgt.f32 v1, v4;
	v0 =	vsel vm0, s4, v0;
	v25 =	vld [tilespmem:s7+$0xFFFFFFD0]  }
0xb3: {  	s5 =	sadd.s32 s5, s22;
	vm0 =	vgt.f32 v23, v6;
	v3 =	vsel vm1, v22, v3;
	vm3 =	vgt.f32 v16, v8;
	v26 =	vld [tilespmem:s7+$0xFFFFFFE0]  }
0xb4: {  	v5 =	vsel vm1, s5, v5;
	v4 =	vsel vm2, v1, v4;
	v8 =	vsel vm3, v16, v8;
	v16 =	vld [tilespmem:s7+$0xFFFFFFF0]  }
0xb5: {  	vm1 =	vgt.f32 v2, v7;
	v6 =	vsel vm0, v23, v6;
	vm5 =	vgt.f32 v20, v11;
	v27 =	vld [tilespmem:s7+$0x0]  }
0xb6: {  	v13 =	vsel vm2, s5, v13;
	vm6 =	vgt.f32 v21, v12;
	v11 =	vsel vm5, v20, v11;
	v20 =	vld [tilespmem:s7+$0x10]  }
0xb7: {  	v14 =	vsel vm0, s5, v14;
	v7 =	vsel vm1, v2, v7;
	v12 =	vsel vm6, v21, v12;
	v21 =	vld [tilespmem:s7+$0x20]  }
0xb8: {  	vm4 =	vgt.f32 v9, v10;
	v15 =	vsel vm1, s5, v15;
	v17 =	vsel vm3, s5, v17  }
0xb9: {  	v10 =	vsel vm4, v9, v10;
	v18 =	vsel vm4, s5, v18;
	v19 =	vsel vm5, s5, v19;
	v28 =	vld [tilespmem:s7+$0x30];
	s7 =	simm.s32 $0xC0  }
0xba: {  	v0 =	vsel vm6, s5, v0;
	v22 =	vld [tilespmem:s7+$0xFFFFFFC0];
	vm0 =	vgt.f32 v24, v3;
	vm1 =	vgt.f32 v25, v4  }
0xbb: {  	v1 =	vld [tilespmem:s7+$0xFFFFFFD0];
	vm2 =	vgt.f32 v26, v6;
	vm3 =	vgt.f32 v16, v7;
	vm13 =	vgt.f32 v27, v8  }
0xbc: {  	s4 =	sadd.s32 $0x0, s23;
	v23 =	vld [tilespmem:s7+$0xFFFFFFE0];
	vm14 =	vgt.f32 v20, v10;
	vm15 =	vgt.f32 v21, v11;
	v3 =	vsel vm0, v24, v3  }
0xbd: {  	v2 =	vld [tilespmem:s7+$0xFFFFFFF0];
	v5 =	vsel vm0, s4, v5;
	v4 =	vsel vm1, v25, v4;
	v6 =	vsel vm2, v26, v6  }
0xbe: {  	v9 =	vld [tilespmem:s7+$0x10];
	v7 =	vsel vm3, v16, v7;
	v8 =	vsel vm13, v27, v8;
	vm0 =	vgt.f32 v28, v12  }
0xbf: {  	v16 =	vld [tilespmem:s7+$0x0];
	v10 =	vsel vm14, v20, v10;
	v11 =	vsel vm15, v21, v11;
	v13 =	vsel vm1, s4, v13  }
0xc0: {  	v20 =	vld [tilespmem:s7+$0x20];
	v14 =	vsel vm2, s4, v14;
	v15 =	vsel vm3, s4, v15;
	v17 =	vsel vm13, s4, v17  }
0xc1: {  	s6 =	simm.s32 $0x140;
	s5 =	simm.s32 $0x1;
	v21 =	vld [tilespmem:s7+$0x30];
	s7 =	simm.s32 $0x2;
	v18 =	vsel vm14, s4, v18;
	v19 =	vsel vm15, s4, v19;
	v12 =	vsel vm0, v28, v12  }
.LBB2_10:
0xc2: {  	v24 =	vld [tilespmem:s6+$0xFFFFFFC0];
	p1 =	sne.s32 s7, $0xB7;
	vm1 =	vgt.f32 v22, v3;
	vm2 =	vgt.f32 v1, v4;
	v0 =	vsel vm0, s4, v0;
	s4 =	sadd.s32 s5, s23;
	s5 =	smov.u32 s7  }
0xc3: {  	v3 =	vsel vm1, v22, v3;
	v5 =	vsel vm1, s4, v5;
	v4 =	vsel vm2, v1, v4;
	v1 =	vld [tilespmem:s6+$0xFFFFFFD0]  }
0xc4: {  	vm3 =	vgt.f32 v2, v7;
	vm1 =	vgt.f32 v23, v6;
	vm4 =	vgt.f32 v16, v8;
	v25 =	vld [tilespmem:s6+$0xFFFFFFE0]  }
.Ltmp6:
0xc5: {  	v7 =	vsel vm3, v2, v7;
	v6 =	vsel vm1, v23, v6;
	v8 =	vsel vm4, v16, v8;
	v2 =	vld [tilespmem:s6+$0xFFFFFFF0];
	(pc) =	sbr.rel @p1 .LBB2_10-.Ltmp6, $4  }
0xc6: {  	vm5 =	vgt.f32 v9, v10;
	vm6 =	vgt.f32 v20, v11;
	v16 =	vld [tilespmem:s6+$0x0];
	vm0 =	vgt.f32 v21, v12  }
0xc7: {  	v10 =	vsel vm5, v9, v10;
	v11 =	vsel vm6, v20, v11;
	v9 =	vld [tilespmem:s6+$0x10];
	v12 =	vsel vm0, v21, v12;
	v22 =	vmovc v24  }
0xc8: {  	v13 =	vsel vm2, s4, v13;
	v15 =	vsel vm3, s4, v15;
	v14 =	vsel vm1, s4, v14;
	v20 =	vld [tilespmem:s6+$0x20]  }
0xc9: {  	s7 =	sadd.s32 $0x1, s7;
	v17 =	vsel vm4, s4, v17;
	v18 =	vsel vm5, s4, v18;
	v19 =	vsel vm6, s4, v19;
	v21 =	vld [tilespmem:s6+$0x30];
	s6 =	sadd.s32 $0x80, s6;
	v23 =	vmovc v25  }
0xca: {  	s6 =	simm.s32 $0x0  }
0xcb: {  	[tilespmem:s6], [sflag:$0x1] =	stream.linear.gather [hbm4b:s14+s6], $0x5C00, $0x38;
	[tilespmem:$0xBD00] =	vst v63  }
0xcc: {  	_ =	swait.ge [sflag:s30], $0x5C00  }
0xcd: {  	[sflag:s30] =	ssyncset.done $0x0  }
0xce: {  	s7 =	simm.s32 $0x5C40;
	[sflag:s30] =	ssyncadd.s32 $0xFFFFA400  }
0xcf: {  	v24 =	vld [tilespmem:s7+$0xFFFFFFC0]  }
0xd0: {  	vm1 =	vgt.f32 v22, v3;
	vm2 =	vgt.f32 v1, v4;
	v0 =	vsel vm0, s4, v0;
	v25 =	vld [tilespmem:s7+$0xFFFFFFD0]  }
0xd1: {  	s5 =	sadd.s32 s5, s23;
	vm0 =	vgt.f32 v23, v6;
	v3 =	vsel vm1, v22, v3;
	vm3 =	vgt.f32 v16, v8;
	v26 =	vld [tilespmem:s7+$0xFFFFFFE0]  }
0xd2: {  	v5 =	vsel vm1, s5, v5;
	v4 =	vsel vm2, v1, v4;
	v8 =	vsel vm3, v16, v8;
	v16 =	vld [tilespmem:s7+$0xFFFFFFF0]  }
0xd3: {  	vm1 =	vgt.f32 v2, v7;
	v6 =	vsel vm0, v23, v6;
	vm5 =	vgt.f32 v20, v11;
	v27 =	vld [tilespmem:s7+$0x0]  }
0xd4: {  	v13 =	vsel vm2, s5, v13;
	vm6 =	vgt.f32 v21, v12;
	v11 =	vsel vm5, v20, v11;
	v20 =	vld [tilespmem:s7+$0x10]  }
0xd5: {  	v14 =	vsel vm0, s5, v14;
	v7 =	vsel vm1, v2, v7;
	v12 =	vsel vm6, v21, v12;
	v21 =	vld [tilespmem:s7+$0x20]  }
0xd6: {  	vm4 =	vgt.f32 v9, v10;
	v15 =	vsel vm1, s5, v15;
	v17 =	vsel vm3, s5, v17  }
0xd7: {  	v10 =	vsel vm4, v9, v10;
	v18 =	vsel vm4, s5, v18;
	v19 =	vsel vm5, s5, v19;
	v28 =	vld [tilespmem:s7+$0x30];
	s7 =	simm.s32 $0x5CC0  }
0xd8: {  	v0 =	vsel vm6, s5, v0;
	v22 =	vld [tilespmem:s7+$0xFFFFFFC0];
	vm0 =	vgt.f32 v24, v3;
	vm1 =	vgt.f32 v25, v4  }
0xd9: {  	v1 =	vld [tilespmem:s7+$0xFFFFFFD0];
	vm2 =	vgt.f32 v26, v6;
	vm3 =	vgt.f32 v16, v7;
	vm13 =	vgt.f32 v27, v8  }
0xda: {  	s4 =	sadd.s32 $0x0, s24;
	v23 =	vld [tilespmem:s7+$0xFFFFFFE0];
	vm14 =	vgt.f32 v20, v10;
	vm15 =	vgt.f32 v21, v11;
	v3 =	vsel vm0, v24, v3  }
0xdb: {  	v2 =	vld [tilespmem:s7+$0xFFFFFFF0];
	v5 =	vsel vm0, s4, v5;
	v4 =	vsel vm1, v25, v4;
	v6 =	vsel vm2, v26, v6  }
0xdc: {  	v9 =	vld [tilespmem:s7+$0x10];
	v7 =	vsel vm3, v16, v7;
	v8 =	vsel vm13, v27, v8;
	vm0 =	vgt.f32 v28, v12  }
0xdd: {  	v16 =	vld [tilespmem:s7+$0x0];
	v10 =	vsel vm14, v20, v10;
	v11 =	vsel vm15, v21, v11;
	v13 =	vsel vm1, s4, v13  }
0xde: {  	v20 =	vld [tilespmem:s7+$0x20];
	v14 =	vsel vm2, s4, v14;
	v15 =	vsel vm3, s4, v15;
	v17 =	vsel vm13, s4, v17  }
0xdf: {  	s6 =	simm.s32 $0x5D40;
	s5 =	simm.s32 $0x1;
	v21 =	vld [tilespmem:s7+$0x30];
	s7 =	simm.s32 $0x2;
	v18 =	vsel vm14, s4, v18;
	v19 =	vsel vm15, s4, v19;
	v12 =	vsel vm0, v28, v12  }
.LBB2_12:
0xe0: {  	v24 =	vld [tilespmem:s6+$0xFFFFFFC0];
	p1 =	sne.s32 s7, $0xB7;
	vm1 =	vgt.f32 v22, v3;
	vm2 =	vgt.f32 v1, v4;
	v0 =	vsel vm0, s4, v0;
	s4 =	sadd.s32 s5, s24;
	s5 =	smov.u32 s7  }
0xe1: {  	v3 =	vsel vm1, v22, v3;
	v5 =	vsel vm1, s4, v5;
	v4 =	vsel vm2, v1, v4;
	v1 =	vld [tilespmem:s6+$0xFFFFFFD0]  }
0xe2: {  	vm3 =	vgt.f32 v2, v7;
	vm1 =	vgt.f32 v23, v6;
	vm4 =	vgt.f32 v16, v8;
	v25 =	vld [tilespmem:s6+$0xFFFFFFE0]  }
.Ltmp7:
0xe3: {  	v7 =	vsel vm3, v2, v7;
	v6 =	vsel vm1, v23, v6;
	v8 =	vsel vm4, v16, v8;
	v2 =	vld [tilespmem:s6+$0xFFFFFFF0];
	(pc) =	sbr.rel @p1 .LBB2_12-.Ltmp7, $4  }
0xe4: {  	vm5 =	vgt.f32 v9, v10;
	vm6 =	vgt.f32 v20, v11;
	v16 =	vld [tilespmem:s6+$0x0];
	vm0 =	vgt.f32 v21, v12  }
0xe5: {  	v10 =	vsel vm5, v9, v10;
	v11 =	vsel vm6, v20, v11;
	v9 =	vld [tilespmem:s6+$0x10];
	v12 =	vsel vm0, v21, v12;
	v22 =	vmovc v24  }
0xe6: {  	v13 =	vsel vm2, s4, v13;
	v15 =	vsel vm3, s4, v15;
	v14 =	vsel vm1, s4, v14;
	v20 =	vld [tilespmem:s6+$0x20]  }
0xe7: {  	s7 =	sadd.s32 $0x1, s7;
	v17 =	vsel vm4, s4, v17;
	v18 =	vsel vm5, s4, v18;
	v19 =	vsel vm6, s4, v19;
	v21 =	vld [tilespmem:s6+$0x30];
	s6 =	sadd.s32 $0x80, s6;
	v23 =	vmovc v25  }
0xe8: {  	s6 =	simm.s32 $0x0  }
0xe9: {  	[tilespmem:s28], [sflag:$0x2] =	stream.linear.gather [hbm4b:s15+s6], $0x5C00, $0x38;
	[tilespmem:$0xBD00] =	vst v63  }
0xea: {  	_ =	swait.ge [sflag:s29], $0x5C00  }
0xeb: {  	[sflag:s29] =	ssyncset.done $0x0  }
0xec: {  	s7 =	simm.s32 $0x40;
	[sflag:s29] =	ssyncadd.s32 $0xFFFFA400  }
0xed: {  	v24 =	vld [tilespmem:s7+$0xFFFFFFC0]  }
0xee: {  	vm1 =	vgt.f32 v22, v3;
	vm2 =	vgt.f32 v1, v4;
	v0 =	vsel vm0, s4, v0;
	v25 =	vld [tilespmem:s7+$0xFFFFFFD0]  }
0xef: {  	s5 =	sadd.s32 s5, s24;
	vm0 =	vgt.f32 v23, v6;
	v3 =	vsel vm1, v22, v3;
	vm3 =	vgt.f32 v16, v8;
	v26 =	vld [tilespmem:s7+$0xFFFFFFE0]  }
0xf0: {  	v5 =	vsel vm1, s5, v5;
	v4 =	vsel vm2, v1, v4;
	v8 =	vsel vm3, v16, v8;
	v16 =	vld [tilespmem:s7+$0xFFFFFFF0]  }
0xf1: {  	vm1 =	vgt.f32 v2, v7;
	v6 =	vsel vm0, v23, v6;
	vm5 =	vgt.f32 v20, v11;
	v27 =	vld [tilespmem:s7+$0x0]  }
0xf2: {  	v13 =	vsel vm2, s5, v13;
	vm6 =	vgt.f32 v21, v12;
	v11 =	vsel vm5, v20, v11;
	v20 =	vld [tilespmem:s7+$0x10]  }
0xf3: {  	v14 =	vsel vm0, s5, v14;
	v7 =	vsel vm1, v2, v7;
	v12 =	vsel vm6, v21, v12;
	v21 =	vld [tilespmem:s7+$0x20]  }
0xf4: {  	vm4 =	vgt.f32 v9, v10;
	v15 =	vsel vm1, s5, v15;
	v17 =	vsel vm3, s5, v17  }
0xf5: {  	v10 =	vsel vm4, v9, v10;
	v18 =	vsel vm4, s5, v18;
	v19 =	vsel vm5, s5, v19;
	v28 =	vld [tilespmem:s7+$0x30];
	s7 =	simm.s32 $0xC0  }
0xf6: {  	v0 =	vsel vm6, s5, v0;
	v22 =	vld [tilespmem:s7+$0xFFFFFFC0];
	vm0 =	vgt.f32 v24, v3;
	vm1 =	vgt.f32 v25, v4  }
0xf7: {  	v1 =	vld [tilespmem:s7+$0xFFFFFFD0];
	vm2 =	vgt.f32 v26, v6;
	vm3 =	vgt.f32 v16, v7;
	vm13 =	vgt.f32 v27, v8  }
0xf8: {  	s4 =	sadd.s32 $0x0, s25;
	v23 =	vld [tilespmem:s7+$0xFFFFFFE0];
	vm14 =	vgt.f32 v20, v10;
	vm15 =	vgt.f32 v21, v11;
	v3 =	vsel vm0, v24, v3  }
0xf9: {  	v2 =	vld [tilespmem:s7+$0xFFFFFFF0];
	v5 =	vsel vm0, s4, v5;
	v4 =	vsel vm1, v25, v4;
	v6 =	vsel vm2, v26, v6  }
0xfa: {  	v9 =	vld [tilespmem:s7+$0x10];
	v7 =	vsel vm3, v16, v7;
	v8 =	vsel vm13, v27, v8;
	vm0 =	vgt.f32 v28, v12  }
0xfb: {  	v16 =	vld [tilespmem:s7+$0x0];
	v10 =	vsel vm14, v20, v10;
	v11 =	vsel vm15, v21, v11;
	v13 =	vsel vm1, s4, v13  }
0xfc: {  	v20 =	vld [tilespmem:s7+$0x20];
	v14 =	vsel vm2, s4, v14;
	v15 =	vsel vm3, s4, v15;
	v17 =	vsel vm13, s4, v17  }
0xfd: {  	s6 =	simm.s32 $0x140;
	s5 =	simm.s32 $0x1;
	v21 =	vld [tilespmem:s7+$0x30];
	s7 =	simm.s32 $0x2;
	v18 =	vsel vm14, s4, v18;
	v19 =	vsel vm15, s4, v19;
	v12 =	vsel vm0, v28, v12  }
.LBB2_14:
0xfe: {  	v24 =	vld [tilespmem:s6+$0xFFFFFFC0];
	p1 =	sne.s32 s7, $0xB7;
	vm1 =	vgt.f32 v22, v3;
	vm2 =	vgt.f32 v1, v4;
	v0 =	vsel vm0, s4, v0;
	s4 =	sadd.s32 s5, s25;
	s5 =	smov.u32 s7  }
0xff: {  	v3 =	vsel vm1, v22, v3;
	v5 =	vsel vm1, s4, v5;
	v4 =	vsel vm2, v1, v4;
	v1 =	vld [tilespmem:s6+$0xFFFFFFD0]  }
0x100: {  	vm3 =	vgt.f32 v2, v7;
	vm1 =	vgt.f32 v23, v6;
	vm4 =	vgt.f32 v16, v8;
	v25 =	vld [tilespmem:s6+$0xFFFFFFE0]  }
.Ltmp8:
0x101: {  	v7 =	vsel vm3, v2, v7;
	v6 =	vsel vm1, v23, v6;
	v8 =	vsel vm4, v16, v8;
	v2 =	vld [tilespmem:s6+$0xFFFFFFF0];
	(pc) =	sbr.rel @p1 .LBB2_14-.Ltmp8, $4  }
0x102: {  	vm5 =	vgt.f32 v9, v10;
	vm6 =	vgt.f32 v20, v11;
	v16 =	vld [tilespmem:s6+$0x0];
	vm0 =	vgt.f32 v21, v12  }
0x103: {  	v10 =	vsel vm5, v9, v10;
	v11 =	vsel vm6, v20, v11;
	v9 =	vld [tilespmem:s6+$0x10];
	v12 =	vsel vm0, v21, v12;
	v22 =	vmovc v24  }
0x104: {  	v13 =	vsel vm2, s4, v13;
	v15 =	vsel vm3, s4, v15;
	v14 =	vsel vm1, s4, v14;
	v20 =	vld [tilespmem:s6+$0x20]  }
0x105: {  	s7 =	sadd.s32 $0x1, s7;
	v17 =	vsel vm4, s4, v17;
	v18 =	vsel vm5, s4, v18;
	v19 =	vsel vm6, s4, v19;
	v21 =	vld [tilespmem:s6+$0x30];
	s6 =	sadd.s32 $0x80, s6;
	v23 =	vmovc v25  }
0x106: {  	_ =	swait.ge [sflag:s30], $0x5C00  }
0x107: {  	[sflag:s30] =	ssyncset.done $0x0  }
0x108: {  	s6 =	simm.s32 $0x5C40;
	[sflag:s30] =	ssyncadd.s32 $0xFFFFA400  }
0x109: {  	vm1 =	vgt.f32 v22, v3;
	vm2 =	vgt.f32 v1, v4;
	v0 =	vsel vm0, s4, v0;
	v24 =	vld [tilespmem:s6+$0xFFFFFFC0]  }
0x10a: {  	s5 =	sadd.s32 s5, s25;
	vm0 =	vgt.f32 v23, v6;
	v3 =	vsel vm1, v22, v3;
	v1 =	vsel vm2, v1, v4;
	v4 =	vld [tilespmem:s6+$0xFFFFFFD0]  }
0x10b: {  	v5 =	vsel vm1, s5, v5;
	vm1 =	vgt.f32 v2, v7;
	vm3 =	vgt.f32 v16, v8;
	v25 =	vld [tilespmem:s6+$0xFFFFFFE0]  }
0x10c: {  	v26 =	vsel vm0, v23, v6;
	v2 =	vsel vm1, v2, v7;
	v7 =	vsel vm3, v16, v8;
	v8 =	vld [tilespmem:s6+$0xFFFFFFF0]  }
0x10d: {  	v29 =	vsel vm0, s5, v14;
	vm4 =	vgt.f32 v9, v10;
	v30 =	vsel vm1, s5, v15;
	v27 =	vld [tilespmem:s6+$0x0]  }
0x10e: {  	v17 =	vsel vm3, s5, v17;
	vm5 =	vgt.f32 v20, v11;
	v28 =	vsel vm4, v9, v10;
	v31 =	vld [tilespmem:s6+$0x20]  }
0x10f: {  	v32 =	vsel vm4, s5, v18;
	v18 =	vld [tilespmem:s6+$0x30];
	vm6 =	vgt.f32 v21, v12;
	v11 =	vsel vm5, v20, v11  }
0x110: {  	s7 =	simm.s32 $0x5CC0;
	v20 =	vld [tilespmem:s6+$0x10];
	v33 =	vsel vm5, s5, v19;
	v12 =	vsel vm6, v21, v12;
	v21 =	vsel vm2, s5, v13  }
0x111: {  	v22 =	vld [tilespmem:s7+$0xFFFFFFC0];
	v0 =	vsel vm6, s5, v0;
	vm0 =	vgt.f32 v24, v3;
	vm1 =	vgt.f32 v4, v1  }
0x112: {  	s4 =	sadd.s32 $0x0, s26;
	v10 =	vld [tilespmem:s7+$0xFFFFFFD0];
	vm2 =	vgt.f32 v25, v26;
	vm3 =	vgt.f32 v8, v2;
	vm13 =	vgt.f32 v27, v7  }
0x113: {  	v23 =	vld [tilespmem:s7+$0xFFFFFFE0];
	vm15 =	vgt.f32 v31, v11;
	v16 =	vsel vm0, v24, v3;
	v14 =	vsel vm0, s4, v5  }
0x114: {  	v6 =	vld [tilespmem:s7+$0xFFFFFFF0];
	v13 =	vsel vm1, v4, v1;
	v15 =	vsel vm2, v25, v26;
	v9 =	vsel vm3, v8, v2  }
0x115: {  	v3 =	vsel vm13, v27, v7;
	v7 =	vld [tilespmem:s7+$0x0];
	vm14 =	vgt.f32 v20, v28;
	vm0 =	vgt.f32 v18, v12  }
0x116: {  	v4 =	vld [tilespmem:s7+$0x10];
	v2 =	vsel vm15, v31, v11;
	v21 =	vsel vm1, s4, v21;
	v19 =	vsel vm13, s4, v17  }
0x117: {  	v8 =	vld [tilespmem:s7+$0x20];
	v5 =	vsel vm14, v20, v28;
	v1 =	vsel vm0, v18, v12;
	v20 =	vsel vm2, s4, v29  }
0x118: {  	s6 =	simm.s32 $0x5D40;
	s5 =	simm.s32 $0x1;
	v11 =	vld [tilespmem:s7+$0x30];
	s7 =	simm.s32 $0x2;
	v18 =	vsel vm3, s4, v30;
	v17 =	vsel vm14, s4, v32;
	v12 =	vsel vm15, s4, v33  }
.LBB2_16:
0x119: {  	v24 =	vld [tilespmem:s6+$0xFFFFFFC0];
	p1 =	sne.s32 s7, $0xB7;
	vm1 =	vgt.f32 v22, v16;
	vm2 =	vgt.f32 v10, v13;
	v0 =	vsel vm0, s4, v0;
	s4 =	sadd.s32 s5, s26;
	s5 =	smov.u32 s7  }
0x11a: {  	v16 =	vsel vm1, v22, v16;
	v14 =	vsel vm1, s4, v14;
	v13 =	vsel vm2, v10, v13;
	v10 =	vld [tilespmem:s6+$0xFFFFFFD0]  }
0x11b: {  	vm3 =	vgt.f32 v6, v9;
	vm1 =	vgt.f32 v23, v15;
	vm4 =	vgt.f32 v7, v3;
	v25 =	vld [tilespmem:s6+$0xFFFFFFE0]  }
.Ltmp9:
0x11c: {  	v9 =	vsel vm3, v6, v9;
	v15 =	vsel vm1, v23, v15;
	v3 =	vsel vm4, v7, v3;
	v6 =	vld [tilespmem:s6+$0xFFFFFFF0];
	(pc) =	sbr.rel @p1 .LBB2_16-.Ltmp9, $4  }
0x11d: {  	vm5 =	vgt.f32 v4, v5;
	vm6 =	vgt.f32 v8, v2;
	v7 =	vld [tilespmem:s6+$0x0];
	vm0 =	vgt.f32 v11, v1  }
0x11e: {  	v5 =	vsel vm5, v4, v5;
	v2 =	vsel vm6, v8, v2;
	v4 =	vld [tilespmem:s6+$0x10];
	v1 =	vsel vm0, v11, v1;
	v22 =	vmovc v24  }
0x11f: {  	v21 =	vsel vm2, s4, v21;
	v18 =	vsel vm3, s4, v18;
	v20 =	vsel vm1, s4, v20;
	v8 =	vld [tilespmem:s6+$0x20]  }
0x120: {  	s7 =	sadd.s32 $0x1, s7;
	v19 =	vsel vm4, s4, v19;
	v17 =	vsel vm5, s4, v17;
	v12 =	vsel vm6, s4, v12;
	v11 =	vld [tilespmem:s6+$0x30];
	s6 =	sadd.s32 $0x80, s6;
	v23 =	vmovc v25  }
0x121: {  	vm1 =	vgt.f32 v22, v16  }
0x122: {  	s5 =	sadd.s32 s5, s26;
	v16 =	vsel vm1, v22, v16  }
0x123: {  	vm2 =	vgt.f32 v10, v13;
	v14 =	vsel vm1, s5, v14;
	[tilespmem:$0xB800] =	vst v16  }
0x124: {  	v10 =	vsel vm2, v10, v13;
	[tilespmem:$0xB880] =	vst v14  }
0x125: {  	vm10 =	vgt.f32 v23, v15;
	v56 =	vsel vm2, s5, v21;
	[tilespmem:$0xB810] =	vst v10  }
0x126: {  	v57 =	vsel vm10, v23, v15;
	[tilespmem:$0xB890] =	vst v56  }
0x127: {  	vm11 =	vgt.f32 v6, v9;
	v58 =	vsel vm10, s5, v20;
	[tilespmem:$0xB820] =	vst v57  }
0x128: {  	v6 =	vsel vm11, v6, v9;
	[tilespmem:$0xB8A0] =	vst v58  }
0x129: {  	vm12 =	vgt.f32 v7, v3;
	v59 =	vsel vm11, s5, v18;
	[tilespmem:$0xB830] =	vst v6  }
0x12a: {  	v3 =	vsel vm12, v7, v3;
	[tilespmem:$0xB8B0] =	vst v59  }
0x12b: {  	vm13 =	vgt.f32 v4, v5;
	v60 =	vsel vm12, s5, v19;
	[tilespmem:$0xB840] =	vst v3  }
0x12c: {  	v61 =	vsel vm13, v4, v5;
	[tilespmem:$0xB8C0] =	vst v60  }
0x12d: {  	vm14 =	vgt.f32 v8, v2;
	v62 =	vsel vm13, s5, v17;
	[tilespmem:$0xB850] =	vst v61  }
0x12e: {  	v2 =	vsel vm14, v8, v2;
	[tilespmem:$0xB8D0] =	vst v62  }
0x12f: {  	vm15 =	vgt.f32 v11, v1;
	v63 =	vsel vm14, s5, v12;
	[tilespmem:$0xB860] =	vst v2  }
0x130: {  	v0 =	vsel vm0, s4, v0;
	v1 =	vsel vm15, v11, v1;
	[tilespmem:$0xB8E0] =	vst v63  }
0x131: {  	v0 =	vsel vm15, s5, v0;
	[tilespmem:$0xB870] =	vst v1  }
0x132: {  	s6 =	simm.s32 $0xB800;
	[tilespmem:$0xB8F0] =	vst v0  }
0x133: {  	[spmem:s2] =	stream.linear.scatter [tilespmem:s6], [sflag:$0x3], $0x80, $0x38;
	[tilespmem:$0xBD00] =	vst v63  }
0x134: {  	_ =	swait.ge [sflag:s31], $0x80  }
0x135: {  	[sflag:s31] =	ssyncset.done $0x0  }
0x136: {  	s7 =	simm.s32 $0xB880;
	[sflag:s31] =	ssyncadd.s32 $0xFFFFFF80  }
0x137: {  	[spmem:s3] =	stream.linear.scatter [tilespmem:s7], [sflag:$0x3], $0x80, $0x38;
	[tilespmem:$0xBD00] =	vst v63  }
.Ltmp10:
0x138: {  	_ =	swait.ge [sflag:s31], $0x80;
	(pc) =	sbr.rel @p0 .LBB2_19-.Ltmp10, $3  }
0x139: {  	[sflag:s31] =	ssyncset.done $0x0  }
0x13a: {  	[sflag:s31] =	ssyncadd.s32 $0xFFFFFF80  }
0x13b: {  	[bflag:$0x0] =	sbarrier.arrive $0xFFFF;
	_ =	sdelay $0x1  }
0x13c: {  	s4 =	rddreg [dreg:$0x1f];
	s5 =	simm.s32 $0xB900  }
0x13d: {  	[tilespmem:s5], [sflag:$0x3] =	stream.linear.gather [spmem:s4], $0x10, $0x38;
	[tilespmem:$0xBD00] =	vst v63  }
0x13e: {  	_ =	swait.ge [sflag:s31], $0x10  }
0x13f: {  	s6 =	sld [smem:$0x7F9]  }
0x140: {  	[sflag:s31] =	ssyncset.done $0x0  }
0x141: {  	s7 =	simm.s32 $0xBA00;
	[sflag:s31] =	ssyncadd.s32 $0xFFFFFFF0  }
0x142: {  	[tilespmem:s7], [sflag:$0x3] =	stream.linear.gather [spmem:s6], $0x10, $0x38;
	[tilespmem:$0xBD00] =	vst v63  }
0x143: {  	_ =	swait.ge [sflag:s31], $0x10  }
0x144: {  	[sflag:s31] =	ssyncset.done $0x0  }
0x145: {  	s7 =	simm.s32 $0xB910;
	s6 =	rddreg [dreg:$0x5];
	[sflag:s31] =	ssyncadd.s32 $0xFFFFFFF0  }
0x146: {  	[tilespmem:s7], [sflag:$0x3] =	stream.linear.gather [spmem:s6], $0x10, $0x38;
	[tilespmem:$0xBD00] =	vst v63  }
0x147: {  	_ =	swait.ge [sflag:s31], $0x10  }
0x148: {  	[sflag:s31] =	ssyncset.done $0x0  }
0x149: {  	s7 =	simm.s32 $0xBA10;
	s6 =	rddreg [dreg:$0x6];
	[sflag:s31] =	ssyncadd.s32 $0xFFFFFFF0  }
0x14a: {  	[tilespmem:s7], [sflag:$0x3] =	stream.linear.gather [spmem:s6], $0x10, $0x38;
	[tilespmem:$0xBD00] =	vst v63  }
0x14b: {  	_ =	swait.ge [sflag:s31], $0x10  }
0x14c: {  	[sflag:s31] =	ssyncset.done $0x0  }
0x14d: {  	s7 =	simm.s32 $0xB920;
	s6 =	rddreg [dreg:$0x7];
	[sflag:s31] =	ssyncadd.s32 $0xFFFFFFF0  }
0x14e: {  	[tilespmem:s7], [sflag:$0x3] =	stream.linear.gather [spmem:s6], $0x10, $0x38;
	[tilespmem:$0xBD00] =	vst v63  }
0x14f: {  	_ =	swait.ge [sflag:s31], $0x10  }
0x150: {  	[sflag:s31] =	ssyncset.done $0x0  }
0x151: {  	s7 =	simm.s32 $0xBA20;
	s6 =	rddreg [dreg:$0x8];
	[sflag:s31] =	ssyncadd.s32 $0xFFFFFFF0  }
0x152: {  	[tilespmem:s7], [sflag:$0x3] =	stream.linear.gather [spmem:s6], $0x10, $0x38;
	[tilespmem:$0xBD00] =	vst v63  }
0x153: {  	_ =	swait.ge [sflag:s31], $0x10  }
0x154: {  	[sflag:s31] =	ssyncset.done $0x0  }
0x155: {  	s7 =	simm.s32 $0xB930;
	s6 =	rddreg [dreg:$0x9];
	[sflag:s31] =	ssyncadd.s32 $0xFFFFFFF0  }
0x156: {  	[tilespmem:s7], [sflag:$0x3] =	stream.linear.gather [spmem:s6], $0x10, $0x38;
	[tilespmem:$0xBD00] =	vst v63  }
0x157: {  	_ =	swait.ge [sflag:s31], $0x10  }
0x158: {  	[sflag:s31] =	ssyncset.done $0x0  }
0x159: {  	s7 =	simm.s32 $0xBA30;
	s6 =	rddreg [dreg:$0xa];
	[sflag:s31] =	ssyncadd.s32 $0xFFFFFFF0  }
0x15a: {  	[tilespmem:s7], [sflag:$0x3] =	stream.linear.gather [spmem:s6], $0x10, $0x38;
	[tilespmem:$0xBD00] =	vst v63  }
0x15b: {  	_ =	swait.ge [sflag:s31], $0x10  }
0x15c: {  	[sflag:s31] =	ssyncset.done $0x0  }
0x15d: {  	s7 =	simm.s32 $0xB940;
	s6 =	rddreg [dreg:$0xb];
	[sflag:s31] =	ssyncadd.s32 $0xFFFFFFF0  }
0x15e: {  	[tilespmem:s7], [sflag:$0x3] =	stream.linear.gather [spmem:s6], $0x10, $0x38;
	[tilespmem:$0xBD00] =	vst v63  }
0x15f: {  	_ =	swait.ge [sflag:s31], $0x10  }
0x160: {  	[sflag:s31] =	ssyncset.done $0x0  }
0x161: {  	s7 =	simm.s32 $0xBA40;
	s6 =	rddreg [dreg:$0xc];
	[sflag:s31] =	ssyncadd.s32 $0xFFFFFFF0  }
0x162: {  	[tilespmem:s7], [sflag:$0x3] =	stream.linear.gather [spmem:s6], $0x10, $0x38;
	[tilespmem:$0xBD00] =	vst v63  }
0x163: {  	_ =	swait.ge [sflag:s31], $0x10  }
0x164: {  	[sflag:s31] =	ssyncset.done $0x0  }
0x165: {  	s7 =	simm.s32 $0xB950;
	s6 =	rddreg [dreg:$0xd];
	[sflag:s31] =	ssyncadd.s32 $0xFFFFFFF0  }
0x166: {  	[tilespmem:s7], [sflag:$0x3] =	stream.linear.gather [spmem:s6], $0x10, $0x38;
	[tilespmem:$0xBD00] =	vst v63  }
0x167: {  	_ =	swait.ge [sflag:s31], $0x10  }
0x168: {  	[sflag:s31] =	ssyncset.done $0x0  }
0x169: {  	s7 =	simm.s32 $0xBA50;
	s6 =	rddreg [dreg:$0xe];
	[sflag:s31] =	ssyncadd.s32 $0xFFFFFFF0  }
0x16a: {  	[tilespmem:s7], [sflag:$0x3] =	stream.linear.gather [spmem:s6], $0x10, $0x38;
	[tilespmem:$0xBD00] =	vst v63  }
0x16b: {  	_ =	swait.ge [sflag:s31], $0x10  }
0x16c: {  	[sflag:s31] =	ssyncset.done $0x0  }
0x16d: {  	s7 =	simm.s32 $0xB960;
	s6 =	rddreg [dreg:$0xf];
	[sflag:s31] =	ssyncadd.s32 $0xFFFFFFF0  }
0x16e: {  	[tilespmem:s7], [sflag:$0x3] =	stream.linear.gather [spmem:s6], $0x10, $0x38;
	[tilespmem:$0xBD00] =	vst v63  }
0x16f: {  	_ =	swait.ge [sflag:s31], $0x10  }
0x170: {  	[sflag:s31] =	ssyncset.done $0x0  }
0x171: {  	s7 =	simm.s32 $0xBA60;
	s6 =	rddreg [dreg:$0x10];
	[sflag:s31] =	ssyncadd.s32 $0xFFFFFFF0  }
0x172: {  	[tilespmem:s7], [sflag:$0x3] =	stream.linear.gather [spmem:s6], $0x10, $0x38;
	[tilespmem:$0xBD00] =	vst v63  }
0x173: {  	_ =	swait.ge [sflag:s31], $0x10  }
0x174: {  	[sflag:s31] =	ssyncset.done $0x0  }
0x175: {  	s7 =	simm.s32 $0xB970;
	s6 =	rddreg [dreg:$0x11];
	[sflag:s31] =	ssyncadd.s32 $0xFFFFFFF0  }
0x176: {  	[tilespmem:s7], [sflag:$0x3] =	stream.linear.gather [spmem:s6], $0x10, $0x38;
	[tilespmem:$0xBD00] =	vst v63  }
0x177: {  	_ =	swait.ge [sflag:s31], $0x10  }
0x178: {  	[sflag:s31] =	ssyncset.done $0x0  }
0x179: {  	s7 =	simm.s32 $0xBA70;
	s6 =	rddreg [dreg:$0x12];
	[sflag:s31] =	ssyncadd.s32 $0xFFFFFFF0  }
0x17a: {  	[tilespmem:s7], [sflag:$0x3] =	stream.linear.gather [spmem:s6], $0x10, $0x38;
	[tilespmem:$0xBD00] =	vst v63  }
0x17b: {  	_ =	swait.ge [sflag:s31], $0x10  }
0x17c: {  	[sflag:s31] =	ssyncset.done $0x0  }
0x17d: {  	s7 =	simm.s32 $0xB980;
	s6 =	rddreg [dreg:$0x13];
	[sflag:s31] =	ssyncadd.s32 $0xFFFFFFF0  }
0x17e: {  	[tilespmem:s7], [sflag:$0x3] =	stream.linear.gather [spmem:s6], $0x10, $0x38;
	[tilespmem:$0xBD00] =	vst v63  }
0x17f: {  	_ =	swait.ge [sflag:s31], $0x10  }
0x180: {  	[sflag:s31] =	ssyncset.done $0x0  }
0x181: {  	s7 =	simm.s32 $0xBA80;
	s6 =	rddreg [dreg:$0x14];
	[sflag:s31] =	ssyncadd.s32 $0xFFFFFFF0  }
0x182: {  	[tilespmem:s7], [sflag:$0x3] =	stream.linear.gather [spmem:s6], $0x10, $0x38;
	[tilespmem:$0xBD00] =	vst v63  }
0x183: {  	_ =	swait.ge [sflag:s31], $0x10  }
0x184: {  	[sflag:s31] =	ssyncset.done $0x0  }
0x185: {  	s7 =	simm.s32 $0xB990;
	s6 =	rddreg [dreg:$0x15];
	[sflag:s31] =	ssyncadd.s32 $0xFFFFFFF0  }
0x186: {  	[tilespmem:s7], [sflag:$0x3] =	stream.linear.gather [spmem:s6], $0x10, $0x38;
	[tilespmem:$0xBD00] =	vst v63  }
0x187: {  	_ =	swait.ge [sflag:s31], $0x10  }
0x188: {  	[sflag:s31] =	ssyncset.done $0x0  }
0x189: {  	s7 =	simm.s32 $0xBA90;
	s6 =	rddreg [dreg:$0x16];
	[sflag:s31] =	ssyncadd.s32 $0xFFFFFFF0  }
0x18a: {  	[tilespmem:s7], [sflag:$0x3] =	stream.linear.gather [spmem:s6], $0x10, $0x38;
	[tilespmem:$0xBD00] =	vst v63  }
0x18b: {  	_ =	swait.ge [sflag:s31], $0x10  }
0x18c: {  	[sflag:s31] =	ssyncset.done $0x0  }
0x18d: {  	s7 =	simm.s32 $0xB9A0;
	s6 =	rddreg [dreg:$0x17];
	[sflag:s31] =	ssyncadd.s32 $0xFFFFFFF0  }
0x18e: {  	[tilespmem:s7], [sflag:$0x3] =	stream.linear.gather [spmem:s6], $0x10, $0x38;
	[tilespmem:$0xBD00] =	vst v63  }
0x18f: {  	_ =	swait.ge [sflag:s31], $0x10  }
0x190: {  	[sflag:s31] =	ssyncset.done $0x0  }
0x191: {  	s7 =	simm.s32 $0xBAA0;
	s6 =	rddreg [dreg:$0x18];
	[sflag:s31] =	ssyncadd.s32 $0xFFFFFFF0  }
0x192: {  	[tilespmem:s7], [sflag:$0x3] =	stream.linear.gather [spmem:s6], $0x10, $0x38;
	[tilespmem:$0xBD00] =	vst v63  }
0x193: {  	_ =	swait.ge [sflag:s31], $0x10  }
0x194: {  	[sflag:s31] =	ssyncset.done $0x0  }
0x195: {  	s7 =	simm.s32 $0xB9B0;
	s6 =	rddreg [dreg:$0x19];
	[sflag:s31] =	ssyncadd.s32 $0xFFFFFFF0  }
0x196: {  	[tilespmem:s7], [sflag:$0x3] =	stream.linear.gather [spmem:s6], $0x10, $0x38;
	[tilespmem:$0xBD00] =	vst v63  }
0x197: {  	_ =	swait.ge [sflag:s31], $0x10  }
0x198: {  	[sflag:s31] =	ssyncset.done $0x0  }
0x199: {  	s7 =	simm.s32 $0xBAB0;
	s6 =	rddreg [dreg:$0x1a];
	[sflag:s31] =	ssyncadd.s32 $0xFFFFFFF0  }
0x19a: {  	[tilespmem:s7], [sflag:$0x3] =	stream.linear.gather [spmem:s6], $0x10, $0x38;
	[tilespmem:$0xBD00] =	vst v63  }
0x19b: {  	_ =	swait.ge [sflag:s31], $0x10  }
0x19c: {  	[sflag:s31] =	ssyncset.done $0x0  }
0x19d: {  	s7 =	simm.s32 $0xB9C0;
	s6 =	rddreg [dreg:$0x1b];
	[sflag:s31] =	ssyncadd.s32 $0xFFFFFFF0  }
0x19e: {  	[tilespmem:s7], [sflag:$0x3] =	stream.linear.gather [spmem:s6], $0x10, $0x38;
	[tilespmem:$0xBD00] =	vst v63  }
0x19f: {  	_ =	swait.ge [sflag:s31], $0x10  }
0x1a0: {  	[sflag:s31] =	ssyncset.done $0x0  }
0x1a1: {  	s7 =	simm.s32 $0xBAC0;
	s6 =	rddreg [dreg:$0x1c];
	[sflag:s31] =	ssyncadd.s32 $0xFFFFFFF0  }
0x1a2: {  	[tilespmem:s7], [sflag:$0x3] =	stream.linear.gather [spmem:s6], $0x10, $0x38;
	[tilespmem:$0xBD00] =	vst v63  }
0x1a3: {  	_ =	swait.ge [sflag:s31], $0x10  }
0x1a4: {  	[sflag:s31] =	ssyncset.done $0x0  }
0x1a5: {  	s7 =	simm.s32 $0xB9D0;
	s6 =	rddreg [dreg:$0x1d];
	[sflag:s31] =	ssyncadd.s32 $0xFFFFFFF0  }
0x1a6: {  	[tilespmem:s7], [sflag:$0x3] =	stream.linear.gather [spmem:s6], $0x10, $0x38;
	[tilespmem:$0xBD00] =	vst v63  }
0x1a7: {  	_ =	swait.ge [sflag:s31], $0x10  }
0x1a8: {  	[sflag:s31] =	ssyncset.done $0x0  }
0x1a9: {  	s7 =	simm.s32 $0xBAD0;
	s6 =	rddreg [dreg:$0x1e];
	[sflag:s31] =	ssyncadd.s32 $0xFFFFFFF0  }
0x1aa: {  	[tilespmem:s7], [sflag:$0x3] =	stream.linear.gather [spmem:s6], $0x10, $0x38;
	[tilespmem:$0xBD00] =	vst v63  }
0x1ab: {  	_ =	swait.ge [sflag:s31], $0x10  }
0x1ac: {  	s6 =	sld [smem:$0x7FA]  }
0x1ad: {  	[sflag:s31] =	ssyncset.done $0x0  }
0x1ae: {  	s7 =	simm.s32 $0xB9E0;
	[sflag:s31] =	ssyncadd.s32 $0xFFFFFFF0  }
0x1af: {  	[tilespmem:s7], [sflag:$0x3] =	stream.linear.gather [spmem:s6], $0x10, $0x38;
	[tilespmem:$0xBD00] =	vst v63  }
0x1b0: {  	_ =	swait.ge [sflag:s31], $0x10  }
0x1b1: {  	s6 =	sld [smem:$0x7FB]  }
0x1b2: {  	[sflag:s31] =	ssyncset.done $0x0  }
0x1b3: {  	s7 =	simm.s32 $0xBAE0;
	[sflag:s31] =	ssyncadd.s32 $0xFFFFFFF0  }
0x1b4: {  	[tilespmem:s7], [sflag:$0x3] =	stream.linear.gather [spmem:s6], $0x10, $0x38;
	[tilespmem:$0xBD00] =	vst v63  }
0x1b5: {  	_ =	swait.ge [sflag:s31], $0x10  }
0x1b6: {  	s6 =	sld [smem:$0x7FC]  }
0x1b7: {  	[sflag:s31] =	ssyncset.done $0x0  }
0x1b8: {  	s7 =	simm.s32 $0xB9F0;
	[sflag:s31] =	ssyncadd.s32 $0xFFFFFFF0  }
0x1b9: {  	[tilespmem:s7], [sflag:$0x3] =	stream.linear.gather [spmem:s6], $0x10, $0x38;
	[tilespmem:$0xBD00] =	vst v63  }
0x1ba: {  	_ =	swait.ge [sflag:s31], $0x10  }
0x1bb: {  	s6 =	sld [smem:$0x7FD]  }
0x1bc: {  	[sflag:s31] =	ssyncset.done $0x0  }
0x1bd: {  	s7 =	simm.s32 $0xBAF0;
	[sflag:s31] =	ssyncadd.s32 $0xFFFFFFF0  }
0x1be: {  	[tilespmem:s7], [sflag:$0x3] =	stream.linear.gather [spmem:s6], $0x10, $0x38;
	[tilespmem:$0xBD00] =	vst v63  }
0x1bf: {  	_ =	swait.ge [sflag:s31], $0x10  }
0x1c0: {  	[sflag:s31] =	ssyncset.done $0x0  }
0x1c1: {  	[sflag:s31] =	ssyncadd.s32 $0xFFFFFFF0  }
0x1c2: {  	v0 =	vld [tilespmem:$0xB900]  }
0x1c3: {  	v1 =	vld [tilespmem:$0xBA00]  }
0x1c4: {  	v2 =	vld [tilespmem:$0xB910]  }
0x1c5: {  	v3 =	vld [tilespmem:$0xBA10];
	_ =	sdelay $0x2  }
0x1c6: {  	v4 =	vld [tilespmem:$0xB920]  }
0x1c7: {  	v5 =	vld [tilespmem:$0xBA20]  }
0x1c8: {  	vm0 =	veq.f32 v2, v0;
	vm1 =	vlt.s32 v3, v1  }
0x1c9: {  	vm10 =	vgt.f32 v2, v0;
	vm0 =	vmand vm0, vm1  }
0x1ca: {  	v6 =	vld [tilespmem:$0xB930];
	vm0 =	vmor vm10, vm0  }
0x1cb: {  	v39 =	vld [tilespmem:$0xBA30];
	v0 =	vsel vm0, v2, v0;
	v1 =	vsel vm0, v3, v1  }
0x1cc: {  	vm11 =	veq.f32 v4, v0;
	vm12 =	vlt.s32 v5, v1  }
0x1cd: {  	vm13 =	vgt.f32 v4, v0;
	vm0 =	vmand vm11, vm12  }
0x1ce: {  	v40 =	vld [tilespmem:$0xB940];
	vm0 =	vmor vm13, vm0  }
0x1cf: {  	v41 =	vld [tilespmem:$0xBA40];
	v0 =	vsel vm0, v4, v0;
	v1 =	vsel vm0, v5, v1  }
0x1d0: {  	vm14 =	veq.f32 v6, v0;
	vm15 =	vlt.s32 v39, v1  }
0x1d1: {  	vm4 =	vgt.f32 v6, v0;
	vm0 =	vmand vm14, vm15  }
0x1d2: {  	v42 =	vld [tilespmem:$0xB950];
	vm0 =	vmor vm4, vm0  }
0x1d3: {  	v43 =	vld [tilespmem:$0xBA50];
	v0 =	vsel vm0, v6, v0;
	v1 =	vsel vm0, v39, v1  }
0x1d4: {  	vm5 =	veq.f32 v40, v0;
	vm6 =	vlt.s32 v41, v1  }
0x1d5: {  	vm7 =	vgt.f32 v40, v0;
	vm0 =	vmand vm5, vm6  }
0x1d6: {  	v44 =	vld [tilespmem:$0xB960];
	vm0 =	vmor vm7, vm0  }
0x1d7: {  	v45 =	vld [tilespmem:$0xBA60];
	v0 =	vsel vm0, v40, v0;
	v1 =	vsel vm0, v41, v1  }
0x1d8: {  	vm8 =	veq.f32 v42, v0;
	vm9 =	vlt.s32 v43, v1  }
0x1d9: {  	vm10 =	vgt.f32 v42, v0;
	vm0 =	vmand vm8, vm9  }
0x1da: {  	v46 =	vld [tilespmem:$0xB970];
	vm0 =	vmor vm10, vm0  }
0x1db: {  	v47 =	vld [tilespmem:$0xBA70];
	v0 =	vsel vm0, v42, v0;
	v1 =	vsel vm0, v43, v1  }
0x1dc: {  	vm11 =	veq.f32 v44, v0;
	vm12 =	vlt.s32 v45, v1  }
0x1dd: {  	vm13 =	vgt.f32 v44, v0;
	vm0 =	vmand vm11, vm12  }
0x1de: {  	v48 =	vld [tilespmem:$0xB980];
	vm0 =	vmor vm13, vm0  }
0x1df: {  	v49 =	vld [tilespmem:$0xBA80];
	v0 =	vsel vm0, v44, v0;
	v1 =	vsel vm0, v45, v1  }
0x1e0: {  	vm14 =	veq.f32 v46, v0;
	vm15 =	vlt.s32 v47, v1  }
0x1e1: {  	vm4 =	vgt.f32 v46, v0;
	vm0 =	vmand vm14, vm15  }
0x1e2: {  	v50 =	vld [tilespmem:$0xB990];
	vm0 =	vmor vm4, vm0  }
0x1e3: {  	v51 =	vld [tilespmem:$0xBA90];
	v0 =	vsel vm0, v46, v0;
	v1 =	vsel vm0, v47, v1  }
0x1e4: {  	vm5 =	veq.f32 v48, v0;
	vm6 =	vlt.s32 v49, v1  }
0x1e5: {  	vm7 =	vgt.f32 v48, v0;
	vm0 =	vmand vm5, vm6  }
0x1e6: {  	v52 =	vld [tilespmem:$0xB9A0];
	vm0 =	vmor vm7, vm0  }
0x1e7: {  	v53 =	vld [tilespmem:$0xBAA0];
	v0 =	vsel vm0, v48, v0;
	v1 =	vsel vm0, v49, v1  }
0x1e8: {  	vm8 =	veq.f32 v50, v0;
	vm9 =	vlt.s32 v51, v1  }
0x1e9: {  	vm10 =	vgt.f32 v50, v0;
	vm0 =	vmand vm8, vm9  }
0x1ea: {  	v54 =	vld [tilespmem:$0xB9B0];
	vm0 =	vmor vm10, vm0  }
0x1eb: {  	v55 =	vld [tilespmem:$0xBAB0];
	v0 =	vsel vm0, v50, v0;
	v1 =	vsel vm0, v51, v1  }
0x1ec: {  	vm11 =	veq.f32 v52, v0;
	vm12 =	vlt.s32 v53, v1  }
0x1ed: {  	vm13 =	vgt.f32 v52, v0;
	vm0 =	vmand vm11, vm12  }
0x1ee: {  	v56 =	vld [tilespmem:$0xB9C0];
	vm0 =	vmor vm13, vm0  }
0x1ef: {  	v57 =	vld [tilespmem:$0xBAC0];
	v0 =	vsel vm0, v52, v0;
	v1 =	vsel vm0, v53, v1  }
0x1f0: {  	vm14 =	veq.f32 v54, v0;
	vm15 =	vlt.s32 v55, v1  }
0x1f1: {  	vm4 =	vgt.f32 v54, v0;
	vm0 =	vmand vm14, vm15  }
0x1f2: {  	v58 =	vld [tilespmem:$0xB9D0];
	vm0 =	vmor vm4, vm0  }
0x1f3: {  	v59 =	vld [tilespmem:$0xBAD0];
	v0 =	vsel vm0, v54, v0;
	v1 =	vsel vm0, v55, v1  }
0x1f4: {  	vm5 =	veq.f32 v56, v0;
	vm6 =	vlt.s32 v57, v1  }
0x1f5: {  	vm7 =	vgt.f32 v56, v0;
	vm0 =	vmand vm5, vm6  }
0x1f6: {  	v60 =	vld [tilespmem:$0xB9E0];
	vm0 =	vmor vm7, vm0  }
0x1f7: {  	v61 =	vld [tilespmem:$0xBAE0];
	v0 =	vsel vm0, v56, v0;
	v1 =	vsel vm0, v57, v1  }
0x1f8: {  	vm8 =	veq.f32 v58, v0;
	vm9 =	vlt.s32 v59, v1  }
0x1f9: {  	vm10 =	vgt.f32 v58, v0;
	vm0 =	vmand vm8, vm9  }
0x1fa: {  	v62 =	vld [tilespmem:$0xB9F0];
	vm0 =	vmor vm10, vm0  }
0x1fb: {  	v63 =	vld [tilespmem:$0xBAF0];
	v0 =	vsel vm0, v58, v0;
	v1 =	vsel vm0, v59, v1  }
0x1fc: {  	vm11 =	veq.f32 v60, v0;
	vm12 =	vlt.s32 v61, v1  }
0x1fd: {  	vm13 =	vgt.f32 v60, v0;
	vm0 =	vmand vm11, vm12  }
0x1fe: {  	vm0 =	vmor vm13, vm0  }
0x1ff: {  	v0 =	vsel vm0, v60, v0;
	v1 =	vsel vm0, v61, v1  }
0x200: {  	vm14 =	veq.f32 v62, v0;
	vm15 =	vlt.s32 v63, v1  }
0x201: {  	vm2 =	vgt.f32 v62, v0;
	vm0 =	vmand vm14, vm15  }
0x202: {  	vm0 =	vmor vm2, vm0  }
0x203: {  	v0 =	vsel vm0, v62, v0  }
0x204: {  	v1 =	vsel vm0, v63, v1;
	[tilespmem:$0xBB00] =	vst v0  }
0x205: {  	s6 =	simm.s32 $0xBB80;
	[tilespmem:$0xBB80] =	vst v1  }
0x206: {  	[hbm4b:s16+s1] =	stream.linear.scatter [tilespmem:s6], [sflag:$0x3], $0x10, $0x38;
	[tilespmem:$0xBD00] =	vst v63  }
0x207: {  	_ =	swait.ge [sflag:s31], $0x10  }
0x208: {  	[sflag:s31] =	ssyncset.done $0x0  }
.Ltmp11:
0x209: {  	s7 =	simm.s32 $0xBB00;
	[sflag:s31] =	ssyncadd.s32 $0xFFFFFFF0;
	(pc) =	sbr.rel .LBB2_19-.Ltmp11, $4  }
0x20a: {  	[hbm4b:s17+s1] =	stream.linear.scatter [tilespmem:s7], [sflag:$0x3], $0x10, $0x38;
	[tilespmem:$0xBD00] =	vst v63  }
0x20b: {  	_ =	swait.ge [sflag:s31], $0x10  }
0x20c: {  	[sflag:s31] =	ssyncset.done $0x0  }
0x20d: {  	[sflag:s31] =	ssyncadd.s32 $0xFFFFFFF0  }
.LBB2_20:
0x20e: {  	_ =	sfence.sel $0x180000  }
0x20f: {  	[bflag:$0x0] =	sbarrier.arrive $0xFFFF  }
0x210: {  	_ =	strace $0x90000047  }
0x211: {  	s0 =	stileid.u32;
	[bflag:$0x2] =	sbarrier.arrive $0xFFFF  }
0x212: {  	p0 =	sne.s32 s0, $0x0;
	s0 =	rddreg [dreg:$0x4]  }
0x213: {  	s0 =	sadd.s32 @!p0 $0x100000, s0  }
0x214: {  	[sflag:s0] =	ssyncadd.tile.s32 @!p0 $0x1;
	_ =	shalt  }
.Lfunc_end2:
_tile_overlayer_lowered:
.L_overlay_start_2:
0x215: {  	(tag) =	ssettag $0x2  }
0x216: {  	s0 =	rddreg [dreg:$0x0];
	s2 =	stileid.u32  }
0x217: {  	s1 =	rddreg [dreg:$0x1];
	p0 =	sne.s32 s2, $0x0  }
0x218: {  	s3 =	rddreg [dreg:$0x2];
	[bflag:$0x3] =	sbarrier.arrive $0xFFFF;
	s2 =	simm.s32 @!p0 $0x1C03  }
0x219: {  	[timem:s3], [sflag:s2] =	dma.local @!p0 [hbm:s0], s1  }
0x21a: {  	s0 =	simm.s32 @!p0 $0x3  }
0x21b: {  	_ =	swait.ge @!p0 [sflag:s0], s1  }
0x21c: {  	s1 =	ssub.s32 @!p0 $0x0, s1;
	[sflag:s0] =	ssyncset.done @!p0 $0x0  }
0x21d: {  	[sflag:s0] =	ssyncadd.s32 @!p0 s1  }
0x21e: {  	[bflag:$0x3] =	sbarrier.arrive $0xFFFF  }
0x21f: {  	_ =	shalt  }

</sc_bundles>
